<compile_context>
chip_gen: v7x
topology: tpu7x:2x2x1
jax: 0.10.2.dev20260603
libtpu: 0.0.44.dev20260713+nightly
codegen_flags: <defaults>
</compile_context>

<pallas_src>
import functools

import jax
import jax.numpy as jnp
from jax import lax
from jax.experimental import pallas as pl
from jax.experimental.pallas import tpu as pltpu
from jax.experimental.pallas import tpu_sc as plsc

TOPK = 16
L = 16
NC = 2
NS = 16
NW = NC * NS
SUP = 128

_NEG_INF = float("-inf")


def _cmp_exchange(tv, ti, p, iota, f32_s, i32_s):
    f32_s[...] = tv
    i32_s[...] = ti
    pv = plsc.load_gather(f32_s, [p])
    pi = plsc.load_gather(i32_s, [p])
    left = iota < p
    win = (tv > pv) | ((tv == pv) & (ti < pi))
    take_self = (win == left) | (p == iota)
    tv = jnp.where(take_self, tv, pv)
    ti = jnp.where(take_self, ti, pi)
    return tv, ti


def _compress_step(ref, idx_vals, msk, basem1):
    cum = plsc.cumsum(msk.astype(jnp.int32))
    plsc.store_scatter(ref, [basem1 + cum], idx_vals, mask=msk)
    return basem1 + plsc.all_reduce_population_count(msk)


def _max_pass(buf, msup, n, iota):

    def sup_body(s, m_run):
        v = buf[pl.ds(s * SUP, L)]
        for j in range(1, SUP // L):
            v = jnp.maximum(v, buf[pl.ds(s * SUP + j * L, L)])
        msup[pl.ds(s * L, L)] = v
        return jnp.maximum(m_run, v)

    init = jnp.full((L,), _NEG_INF, jnp.float32)
    m_run = plsc.parallel_loop(0, n // SUP, unroll=4, carry=init)(sup_body)
    return jnp.broadcast_to(jnp.min(m_run), (L,))


def _hint_pass(msup, hint, n, thr0, iota):

    def sup_body(s, basem1):
        mv = msup[pl.ds(s * L, L)]
        return _compress_step(hint, iota + s * L, mv >= thr0, basem1)

    init = jnp.full((L,), -1, jnp.int32)
    basem1 = plsc.parallel_loop(0, n // SUP, unroll=4, carry=init)(sup_body)
    nhint = jnp.max(basem1) + 1
    plsc.store_scatter(hint, [nhint + iota], jnp.full((L,), (n // SUP) * L, jnp.int32))
    return nhint


def _drill(buf, hint, cand, nhint, thr0, iota):
    half = (iota >= 8).astype(jnp.int32)
    sub = lax.shift_left(iota & 7, 4)

    def w_cond(c):
        k, _ = c
        return k < nhint

    def w_body(c):
        k, basem1 = c
        hvec = plsc.load_gather(hint, [half + k])
        eidx = (lax.shift_left(hvec & jnp.int32(-16), 3) | (hvec & 15)) + sub
        cv = plsc.load_gather(buf, [eidx])
        basem1 = _compress_step(cand, eidx, cv >= thr0, basem1)
        return k + 2, basem1

    init = (jnp.int32(0), jnp.full((L,), -1, jnp.int32))
    _, basem1 = lax.while_loop(w_cond, w_body, init)
    return jnp.max(basem1) + 1


def _merge_candidates(buf, cand, ncand, iota, f32_s, i32_s):
    p_even = lax.bitwise_xor(iota, jnp.int32(1))
    p_odd = jnp.clip(lax.bitwise_xor(iota - 1, jnp.int32(1)) + 1, 0, L - 1)
    stages = tuple(lax.bitwise_xor(iota, jnp.int32(d)) for d in (8, 4, 2, 1))

    def w_cond(c):
        i, _, _ = c
        return i < ncand

    def w_body(c):
        i, top_v, top_i = c
        valid = (iota + i) < ncand
        ci = jnp.where(valid, cand[pl.ds(i, L)], 0)
        cv = plsc.load_gather(buf, [ci])
        cv = jnp.where(valid, cv, _NEG_INF)
        cv, ci = plsc.sort_key_val(cv, ci, descending=True)
        for p in (p_even, p_odd, p_even, p_odd):
            cv, ci = _cmp_exchange(cv, ci, p, iota, f32_s, i32_s)
        rv = lax.rev(cv, (0,))
        ri = lax.rev(ci, (0,))
        take = (top_v > rv) | ((top_v == rv) & (top_i < ri))
        mv = jnp.where(take, top_v, rv)
        mi = jnp.where(take, top_i, ri)
        for p in stages:
            mv, mi = _cmp_exchange(mv, mi, p, iota, f32_s, i32_s)
        return i + L, mv, mi

    init = (jnp.int32(0), jnp.full((L,), _NEG_INF, jnp.float32), iota)
    _, top_v, top_i = lax.while_loop(w_cond, w_body, init)
    return top_v, top_i


def _build_sc_call(b, n):
    rows_per_w = b // NW
    n_hint_cap = (n // SUP) * L
    mesh = plsc.VectorSubcoreMesh(core_axis_name="c", subcore_axis_name="s")

    @functools.partial(
        pl.kernel,
        out_type=[
            jax.ShapeDtypeStruct((b * TOPK,), jnp.float32),
            jax.ShapeDtypeStruct((b * TOPK,), jnp.int32),
        ],
        mesh=mesh,
        compiler_params=pltpu.CompilerParams(needs_layout_passes=False),
        scratch_types=[
            pltpu.VMEM((n + SUP,), jnp.float32),
            pltpu.VMEM((n + SUP,), jnp.float32),
            pltpu.VMEM((n,), jnp.int32),
            pltpu.VMEM((n // SUP * L,), jnp.float32),
            pltpu.VMEM((n_hint_cap + L,), jnp.int32),
            pltpu.VMEM((TOPK,), jnp.float32),
            pltpu.VMEM((TOPK,), jnp.int32),
            pltpu.VMEM((rows_per_w * TOPK,), jnp.float32),
            pltpu.VMEM((rows_per_w * TOPK,), jnp.int32),
            pltpu.VMEM((rows_per_w * TOPK,), jnp.int32),
            pltpu.SemaphoreType.DMA,
            pltpu.SemaphoreType.DMA,
            pltpu.SemaphoreType.DMA,
        ],
    )
    def sc_topk(x_hbm, labels_hbm, outv_hbm, outi_hbm,
                buf_a, buf_b, cand, msup, hint, f32_s, i32_s,
                outv_s, outi_s, lbl_s, sem_a, sem_b, sem_g):
        wid = lax.axis_index("s") * NC + lax.axis_index("c")
        base_row = wid * rows_per_w
        iota = lax.iota(jnp.int32, L)

        ninf = jnp.full((L,), _NEG_INF, jnp.float32)
        for j in range(SUP // L):
            buf_a[pl.ds(n + j * L, L)] = ninf
            buf_b[pl.ds(n + j * L, L)] = ninf

        bufs = (buf_a, buf_b)
        sems = (sem_a, sem_b)
        copies = [None] * rows_per_w
        copies[0] = pltpu.async_copy(x_hbm.at[base_row], buf_a.at[pl.ds(0, n)], sem_a)
        for r in range(rows_per_w):
            if r + 1 < rows_per_w:
                copies[r + 1] = pltpu.async_copy(
                    x_hbm.at[base_row + r + 1],
                    bufs[(r + 1) % 2].at[pl.ds(0, n)], sems[(r + 1) % 2])
            copies[r].wait()
            buf = bufs[r % 2]
            thr0 = _max_pass(buf, msup, n, iota)
            nhint = _hint_pass(msup, hint, n, thr0, iota)
            ncand = _drill(buf, hint, cand, nhint, thr0, iota)
            top_v, top_i = _merge_candidates(buf, cand, ncand, iota, f32_s, i32_s)
            outv_s[pl.ds(r * TOPK, TOPK)] = top_v
            outi_s[pl.ds(r * TOPK, TOPK)] = top_i
        pltpu.async_copy(labels_hbm.at[outi_s], lbl_s, sem_g).wait()
        out_off = base_row * TOPK
        pltpu.sync_copy(outv_s, outv_hbm.at[pl.ds(out_off, rows_per_w * TOPK)])
        pltpu.sync_copy(lbl_s, outi_hbm.at[pl.ds(out_off, rows_per_w * TOPK)])

    return sc_topk


def kernel(x, labels):
    b, n = x.shape
    out_v, out_l = _build_sc_call(b, n)(x, labels)
    return out_v.reshape(b, TOPK), out_l.reshape(b, TOPK)

# --- scband reference (transcript-rebuilt; emitter-appended) ---
"""Pipeline reference for scband-label-limit-layer-34797825032206 (READ-ONLY COPY).

The authoritative reference and input builder live on the scoring server;
editing this copy changes nothing except your own understanding.
"""

import jax, jax.numpy as jnp
import numpy as np

TOPN = 16
N = 32768
B = 128

def setup_inputs(seed: int = 0) -> dict:
    key = jax.random.key(seed)
    x = jax.random.normal(key, (B, N), dtype=jnp.float32)
    # JAX has no string dtype; labels modeled as int32 label ids (arange),
    # structurally identical to the tf string gather.
    labels = jnp.arange(N, dtype=jnp.int32)
    return {"x": x, "labels": labels}

def reference(x, labels):
    batch_size = x.shape[0]
    # tf.tile(tf_labels, [batch_size, 1])
    tiled_labels = jnp.broadcast_to(labels[None, :], (batch_size, labels.shape[0]))
    # tf.nn.top_k(x, k=topn, sorted=True)
    top_conf, top_k_idx = jax.lax.top_k(x, TOPN)
    # tf.gather(x, top_k, batch_dims=1) == top_conf (values at top-k indices)
    top_conf_g = jnp.take_along_axis(x, top_k_idx, axis=1)
    # tf.gather(tf_labels, top_k, batch_dims=1)
    top_labels = jnp.take_along_axis(tiled_labels, top_k_idx, axis=1)
    return (top_conf_g, top_labels)

if __name__ == "__main__":
    import jax
    _d = setup_inputs()
    print(jax.jit(kernel)(*tuple(_d.values())))

</pallas_src>

<mosaic_0001>
#map = affine_map<(d0, d1) -> (0, 0)>
#map1 = affine_map<(d0, d1) -> (0)>
module attributes {stable_mosaic.version = 14 : i64} {
  func.func @sc_topk(%arg0: i32, %arg1: i32, %arg2: memref<128x32768xf32, #tpu.memory_space<hbm>>, %arg3: memref<32768xi32, #tpu.memory_space<hbm>>, %arg4: memref<2048xf32, #tpu.memory_space<hbm>>, %arg5: memref<2048xi32, #tpu.memory_space<hbm>>, %arg6: memref<32896xf32, #tpu.memory_space<vmem>>, %arg7: memref<32896xf32, #tpu.memory_space<vmem>>, %arg8: memref<32768xi32, #tpu.memory_space<vmem>>, %arg9: memref<4096xf32, #tpu.memory_space<vmem>>, %arg10: memref<4112xi32, #tpu.memory_space<vmem>>, %arg11: memref<16xf32, #tpu.memory_space<vmem>>, %arg12: memref<16xi32, #tpu.memory_space<vmem>>, %arg13: memref<64xf32, #tpu.memory_space<vmem>>, %arg14: memref<64xi32, #tpu.memory_space<vmem>>, %arg15: memref<64xi32, #tpu.memory_space<vmem>>, %arg16: memref<!tpu.dma_semaphore, #tpu.memory_space<semaphore_mem>>, %arg17: memref<!tpu.dma_semaphore, #tpu.memory_space<semaphore_mem>>, %arg18: memref<!tpu.dma_semaphore, #tpu.memory_space<semaphore_mem>>) attributes {dimension_semantics = [#tpu.dimension_semantics<core_parallel>, #tpu.dimension_semantics<subcore_parallel>], iteration_bounds = array<i64: 2, 16>, scalar_prefetch = 0 : i64, scratch_operands = 13 : i64, tpu.core_type = #tpu.core_type<sc_vector_subcore>, window_params = [{transform_indices = #map}, {transform_indices = #map1}, {transform_indices = #map1}, {transform_indices = #map1}]} {
    %mul3A = arith.constant 2 : i32
    %mul3A_0 = arith.muli %arg1, %mul3A : i32
    %add3A = arith.addi %mul3A_0, %arg0 : i32
    %mul3A_1 = arith.constant 4 : i32
    %mul3A_2 = arith.muli %add3A, %mul3A_1 : i32
    %iota3A = tpu.iota {dimensions = array<i32: 0>} : vector<16xi32>
    %broadcast_in_dim3A = arith.constant 0xFF800000 : f32
    %broadcast_in_dim3A_3 = vector.broadcast %broadcast_in_dim3A : f32 to vector<16xf32>
    %swap3A = arith.constant 32768 : index
    %swap3A_4 = tpu.vector_load %arg6[%swap3A] {strides = array<i32>} : memref<32896xf32, #tpu.memory_space<vmem>>, vector<16xf32>,
    tpu.vector_store %arg6[%swap3A], %broadcast_in_dim3A_3 {strides = array<i32>} : memref<32896xf32, #tpu.memory_space<vmem>>, vector<16xf32>,
    %swap3A_5 = arith.constant 32768 : index
    %swap3A_6 = tpu.vector_load %arg7[%swap3A_5] {strides = array<i32>} : memref<32896xf32, #tpu.memory_space<vmem>>, vector<16xf32>,
    tpu.vector_store %arg7[%swap3A_5], %broadcast_in_dim3A_3 {strides = array<i32>} : memref<32896xf32, #tpu.memory_space<vmem>>, vector<16xf32>,
    %swap3A_7 = arith.constant 32784 : index
    %swap3A_8 = tpu.vector_load %arg6[%swap3A_7] {strides = array<i32>} : memref<32896xf32, #tpu.memory_space<vmem>>, vector<16xf32>,
    tpu.vector_store %arg6[%swap3A_7], %broadcast_in_dim3A_3 {strides = array<i32>} : memref<32896xf32, #tpu.memory_space<vmem>>, vector<16xf32>,
    %swap3A_9 = arith.constant 32784 : index
    %swap3A_10 = tpu.vector_load %arg7[%swap3A_9] {strides = array<i32>} : memref<32896xf32, #tpu.memory_space<vmem>>, vector<16xf32>,
    tpu.vector_store %arg7[%swap3A_9], %broadcast_in_dim3A_3 {strides = array<i32>} : memref<32896xf32, #tpu.memory_space<vmem>>, vector<16xf32>,
    %swap3A_11 = arith.constant 32800 : index
    %swap3A_12 = tpu.vector_load %arg6[%swap3A_11] {strides = array<i32>} : memref<32896xf32, #tpu.memory_space<vmem>>, vector<16xf32>,
    tpu.vector_store %arg6[%swap3A_11], %broadcast_in_dim3A_3 {strides = array<i32>} : memref<32896xf32, #tpu.memory_space<vmem>>, vector<16xf32>,
    %swap3A_13 = arith.constant 32800 : index
    %swap3A_14 = tpu.vector_load %arg7[%swap3A_13] {strides = array<i32>} : memref<32896xf32, #tpu.memory_space<vmem>>, vector<16xf32>,
    tpu.vector_store %arg7[%swap3A_13], %broadcast_in_dim3A_3 {strides = array<i32>} : memref<32896xf32, #tpu.memory_space<vmem>>, vector<16xf32>,
    %swap3A_15 = arith.constant 32816 : index
    %swap3A_16 = tpu.vector_load %arg6[%swap3A_15] {strides = array<i32>} : memref<32896xf32, #tpu.memory_space<vmem>>, vector<16xf32>,
    tpu.vector_store %arg6[%swap3A_15], %broadcast_in_dim3A_3 {strides = array<i32>} : memref<32896xf32, #tpu.memory_space<vmem>>, vector<16xf32>,
    %swap3A_17 = arith.constant 32816 : index
    %swap3A_18 = tpu.vector_load %arg7[%swap3A_17] {strides = array<i32>} : memref<32896xf32, #tpu.memory_space<vmem>>, vector<16xf32>,
    tpu.vector_store %arg7[%swap3A_17], %broadcast_in_dim3A_3 {strides = array<i32>} : memref<32896xf32, #tpu.memory_space<vmem>>, vector<16xf32>,
    %swap3A_19 = arith.constant 32832 : index
    %swap3A_20 = tpu.vector_load %arg6[%swap3A_19] {strides = array<i32>} : memref<32896xf32, #tpu.memory_space<vmem>>, vector<16xf32>,
    tpu.vector_store %arg6[%swap3A_19], %broadcast_in_dim3A_3 {strides = array<i32>} : memref<32896xf32, #tpu.memory_space<vmem>>, vector<16xf32>,
    %swap3A_21 = arith.constant 32832 : index
    %swap3A_22 = tpu.vector_load %arg7[%swap3A_21] {strides = array<i32>} : memref<32896xf32, #tpu.memory_space<vmem>>, vector<16xf32>,
    tpu.vector_store %arg7[%swap3A_21], %broadcast_in_dim3A_3 {strides = array<i32>} : memref<32896xf32, #tpu.memory_space<vmem>>, vector<16xf32>,
    %swap3A_23 = arith.constant 32848 : index
    %swap3A_24 = tpu.vector_load %arg6[%swap3A_23] {strides = array<i32>} : memref<32896xf32, #tpu.memory_space<vmem>>, vector<16xf32>,
    tpu.vector_store %arg6[%swap3A_23], %broadcast_in_dim3A_3 {strides = array<i32>} : memref<32896xf32, #tpu.memory_space<vmem>>, vector<16xf32>,
    %swap3A_25 = arith.constant 32848 : index
    %swap3A_26 = tpu.vector_load %arg7[%swap3A_25] {strides = array<i32>} : memref<32896xf32, #tpu.memory_space<vmem>>, vector<16xf32>,
    tpu.vector_store %arg7[%swap3A_25], %broadcast_in_dim3A_3 {strides = array<i32>} : memref<32896xf32, #tpu.memory_space<vmem>>, vector<16xf32>,
    %swap3A_27 = arith.constant 32864 : index
    %swap3A_28 = tpu.vector_load %arg6[%swap3A_27] {strides = array<i32>} : memref<32896xf32, #tpu.memory_space<vmem>>, vector<16xf32>,
    tpu.vector_store %arg6[%swap3A_27], %broadcast_in_dim3A_3 {strides = array<i32>} : memref<32896xf32, #tpu.memory_space<vmem>>, vector<16xf32>,
    %swap3A_29 = arith.constant 32864 : index
    %swap3A_30 = tpu.vector_load %arg7[%swap3A_29] {strides = array<i32>} : memref<32896xf32, #tpu.memory_space<vmem>>, vector<16xf32>,
    tpu.vector_store %arg7[%swap3A_29], %broadcast_in_dim3A_3 {strides = array<i32>} : memref<32896xf32, #tpu.memory_space<vmem>>, vector<16xf32>,
    %swap3A_31 = arith.constant 32880 : index
    %swap3A_32 = tpu.vector_load %arg6[%swap3A_31] {strides = array<i32>} : memref<32896xf32, #tpu.memory_space<vmem>>, vector<16xf32>,
    tpu.vector_store %arg6[%swap3A_31], %broadcast_in_dim3A_3 {strides = array<i32>} : memref<32896xf32, #tpu.memory_space<vmem>>, vector<16xf32>,
    %swap3A_33 = arith.constant 32880 : index
    %swap3A_34 = tpu.vector_load %arg7[%swap3A_33] {strides = array<i32>} : memref<32896xf32, #tpu.memory_space<vmem>>, vector<16xf32>,
    tpu.vector_store %arg7[%swap3A_33], %broadcast_in_dim3A_3 {strides = array<i32>} : memref<32896xf32, #tpu.memory_space<vmem>>, vector<16xf32>,
    %dma_start3A = arith.constant 0 : i32
    %dma_start3A_35 = tpu.memref_slice %arg6[%dma_start3A] : memref<32896xf32, #tpu.memory_space<vmem>> -> memref<32768xf32, #tpu.memory_space<vmem>>
    %dma_start3A_36 = arith.constant 0 : i32
    %dma_start3A_37 = tpu.memref_slice %arg2[%mul3A_2, %dma_start3A_36] : memref<128x32768xf32, #tpu.memory_space<hbm>> -> memref<1x32768xf32, #tpu.memory_space<hbm>>
    %dma_start3A_38 = tpu.memref_squeeze %dma_start3A_37 : memref<1x32768xf32, #tpu.memory_space<hbm>> -> memref<32768xf32, #tpu.memory_space<hbm>>
    %dma_start3A_39 = arith.constant 0 : i32
    %dma_start3A_40 = tpu.memref_slice %arg6[%dma_start3A_39] : memref<32896xf32, #tpu.memory_space<vmem>> -> memref<32768xf32, #tpu.memory_space<vmem>>
    %dma_start3A_41 = arith.constant 0 : i32
    %dma_start3A_42 = tpu.memref_slice %arg2[%mul3A_2, %dma_start3A_41] : memref<128x32768xf32, #tpu.memory_space<hbm>> -> memref<1x32768xf32, #tpu.memory_space<hbm>>
    %dma_start3A_43 = tpu.memref_squeeze %dma_start3A_42 : memref<1x32768xf32, #tpu.memory_space<hbm>> -> memref<32768xf32, #tpu.memory_space<hbm>>
    tpu.enqueue_dma source(%dma_start3A_43 : memref<32768xf32, #tpu.memory_space<hbm>>) target(%dma_start3A_40 : memref<32768xf32, #tpu.memory_space<vmem>>) target_semaphore(%arg16 : memref<!tpu.dma_semaphore, #tpu.memory_space<semaphore_mem>>)
    %add3A_44 = arith.constant 0 : i32
    %add3A_45 = arith.addi %mul3A_2, %add3A_44 : i32
    %add3A_46 = arith.constant 1 : i32
    %add3A_47 = arith.addi %add3A_45, %add3A_46 : i32
    %dma_start3A_48 = arith.constant 0 : i32
    %dma_start3A_49 = tpu.memref_slice %arg7[%dma_start3A_48] : memref<32896xf32, #tpu.memory_space<vmem>> -> memref<32768xf32, #tpu.memory_space<vmem>>
    %dma_start3A_50 = arith.constant 0 : i32
    %dma_start3A_51 = tpu.memref_slice %arg2[%add3A_47, %dma_start3A_50] : memref<128x32768xf32, #tpu.memory_space<hbm>> -> memref<1x32768xf32, #tpu.memory_space<hbm>>
    %dma_start3A_52 = tpu.memref_squeeze %dma_start3A_51 : memref<1x32768xf32, #tpu.memory_space<hbm>> -> memref<32768xf32, #tpu.memory_space<hbm>>
    %dma_start3A_53 = arith.constant 0 : i32
    %dma_start3A_54 = tpu.memref_slice %arg7[%dma_start3A_53] : memref<32896xf32, #tpu.memory_space<vmem>> -> memref<32768xf32, #tpu.memory_space<vmem>>
    %dma_start3A_55 = arith.constant 0 : i32
    %dma_start3A_56 = tpu.memref_slice %arg2[%add3A_47, %dma_start3A_55] : memref<128x32768xf32, #tpu.memory_space<hbm>> -> memref<1x32768xf32, #tpu.memory_space<hbm>>
    %dma_start3A_57 = tpu.memref_squeeze %dma_start3A_56 : memref<1x32768xf32, #tpu.memory_space<hbm>> -> memref<32768xf32, #tpu.memory_space<hbm>>
    tpu.enqueue_dma source(%dma_start3A_57 : memref<32768xf32, #tpu.memory_space<hbm>>) target(%dma_start3A_54 : memref<32768xf32, #tpu.memory_space<vmem>>) target_semaphore(%arg17 : memref<!tpu.dma_semaphore, #tpu.memory_space<semaphore_mem>>)
    %dma_wait3A = arith.constant 0 : i32
    %dma_wait3A_58 = tpu.memref_slice %arg6[%dma_wait3A] : memref<32896xf32, #tpu.memory_space<vmem>> -> memref<32768xf32, #tpu.memory_space<vmem>>
    %dma_wait3A_59 = arith.constant 0 : i32
    %dma_wait3A_60 = tpu.memref_slice %arg2[%mul3A_2, %dma_wait3A_59] : memref<128x32768xf32, #tpu.memory_space<hbm>> -> memref<1x32768xf32, #tpu.memory_space<hbm>>
    %dma_wait3A_61 = tpu.memref_squeeze %dma_wait3A_60 : memref<1x32768xf32, #tpu.memory_space<hbm>> -> memref<32768xf32, #tpu.memory_space<hbm>>
    %dma_wait3A_62 = arith.constant 0 : i32
    %dma_wait3A_63 = tpu.memref_slice %arg6[%dma_wait3A_62] : memref<32896xf32, #tpu.memory_space<vmem>> -> memref<32768xf32, #tpu.memory_space<vmem>>
    %dma_wait3A_64 = arith.constant 0 : i32
    %dma_wait3A_65 = tpu.memref_slice %arg2[%mul3A_2, %dma_wait3A_64] : memref<128x32768xf32, #tpu.memory_space<hbm>> -> memref<1x32768xf32, #tpu.memory_space<hbm>>
    %dma_wait3A_66 = tpu.memref_squeeze %dma_wait3A_65 : memref<1x32768xf32, #tpu.memory_space<hbm>> -> memref<32768xf32, #tpu.memory_space<hbm>>
    tpu.wait_dma2 semaphore(%arg16 : memref<!tpu.dma_semaphore, #tpu.memory_space<semaphore_mem>>) src(%dma_wait3A_66 : memref<32768xf32, #tpu.memory_space<hbm>>) dst(%dma_wait3A_63 : memref<32768xf32, #tpu.memory_space<vmem>>)
    %broadcast_in_dim3A_67 = arith.constant 0xFF800000 : f32
    %broadcast_in_dim3A_68 = vector.broadcast %broadcast_in_dim3A_67 : f32 to vector<16xf32>
    %parallel_loop3A = arith.constant 0 : i32
    %parallel_loop3A_69 = arith.constant 256 : i32
    %parallel_loop3A_70 = arith.constant 1 : i32
    %parallel_loop3A_71 = scf.for %parallel_loop3A_490 = %parallel_loop3A to %parallel_loop3A_69 step %parallel_loop3A_70 iter_args(%parallel_loop3A_491 = %broadcast_in_dim3A_68) -> (vector<16xf32>)  : i32 {
      %parallel_loop3A_492 = arith.constant 128 : i32
      %parallel_loop3A_493 = arith.muli %parallel_loop3A_490, %parallel_loop3A_492 : i32
      %parallel_loop3A_494 = arith.index_cast %parallel_loop3A_493 : i32 to index
      %parallel_loop3A_495 = tpu.vector_load %arg6[%parallel_loop3A_494] {strides = array<i32>} : memref<32896xf32, #tpu.memory_space<vmem>>, vector<16xf32>,
      %parallel_loop3A_496 = arith.constant 128 : i32
      %parallel_loop3A_497 = arith.muli %parallel_loop3A_490, %parallel_loop3A_496 : i32
      %parallel_loop3A_498 = arith.constant 16 : i32
      %parallel_loop3A_499 = arith.addi %parallel_loop3A_497, %parallel_loop3A_498 : i32
      %parallel_loop3A_500 = arith.index_cast %parallel_loop3A_499 : i32 to index
      %parallel_loop3A_501 = tpu.vector_load %arg6[%parallel_loop3A_500] {strides = array<i32>} : memref<32896xf32, #tpu.memory_space<vmem>>, vector<16xf32>,
      %parallel_loop3A_502 = arith.maximumf %parallel_loop3A_495, %parallel_loop3A_501 : vector<16xf32>
      %parallel_loop3A_503 = arith.constant 128 : i32
      %parallel_loop3A_504 = arith.muli %parallel_loop3A_490, %parallel_loop3A_503 : i32
      %parallel_loop3A_505 = arith.constant 32 : i32
      %parallel_loop3A_506 = arith.addi %parallel_loop3A_504, %parallel_loop3A_505 : i32
      %parallel_loop3A_507 = arith.index_cast %parallel_loop3A_506 : i32 to index
      %parallel_loop3A_508 = tpu.vector_load %arg6[%parallel_loop3A_507] {strides = array<i32>} : memref<32896xf32, #tpu.memory_space<vmem>>, vector<16xf32>,
      %parallel_loop3A_509 = arith.maximumf %parallel_loop3A_502, %parallel_loop3A_508 : vector<16xf32>
      %parallel_loop3A_510 = arith.constant 128 : i32
      %parallel_loop3A_511 = arith.muli %parallel_loop3A_490, %parallel_loop3A_510 : i32
      %parallel_loop3A_512 = arith.constant 48 : i32
      %parallel_loop3A_513 = arith.addi %parallel_loop3A_511, %parallel_loop3A_512 : i32
      %parallel_loop3A_514 = arith.index_cast %parallel_loop3A_513 : i32 to index
      %parallel_loop3A_515 = tpu.vector_load %arg6[%parallel_loop3A_514] {strides = array<i32>} : memref<32896xf32, #tpu.memory_space<vmem>>, vector<16xf32>,
      %parallel_loop3A_516 = arith.maximumf %parallel_loop3A_509, %parallel_loop3A_515 : vector<16xf32>
      %parallel_loop3A_517 = arith.constant 128 : i32
      %parallel_loop3A_518 = arith.muli %parallel_loop3A_490, %parallel_loop3A_517 : i32
      %parallel_loop3A_519 = arith.constant 64 : i32
      %parallel_loop3A_520 = arith.addi %parallel_loop3A_518, %parallel_loop3A_519 : i32
      %parallel_loop3A_521 = arith.index_cast %parallel_loop3A_520 : i32 to index
      %parallel_loop3A_522 = tpu.vector_load %arg6[%parallel_loop3A_521] {strides = array<i32>} : memref<32896xf32, #tpu.memory_space<vmem>>, vector<16xf32>,
      %parallel_loop3A_523 = arith.maximumf %parallel_loop3A_516, %parallel_loop3A_522 : vector<16xf32>
      %parallel_loop3A_524 = arith.constant 128 : i32
      %parallel_loop3A_525 = arith.muli %parallel_loop3A_490, %parallel_loop3A_524 : i32
      %parallel_loop3A_526 = arith.constant 80 : i32
      %parallel_loop3A_527 = arith.addi %parallel_loop3A_525, %parallel_loop3A_526 : i32
      %parallel_loop3A_528 = arith.index_cast %parallel_loop3A_527 : i32 to index
      %parallel_loop3A_529 = tpu.vector_load %arg6[%parallel_loop3A_528] {strides = array<i32>} : memref<32896xf32, #tpu.memory_space<vmem>>, vector<16xf32>,
      %parallel_loop3A_530 = arith.maximumf %parallel_loop3A_523, %parallel_loop3A_529 : vector<16xf32>
      %parallel_loop3A_531 = arith.constant 128 : i32
      %parallel_loop3A_532 = arith.muli %parallel_loop3A_490, %parallel_loop3A_531 : i32
      %parallel_loop3A_533 = arith.constant 96 : i32
      %parallel_loop3A_534 = arith.addi %parallel_loop3A_532, %parallel_loop3A_533 : i32
      %parallel_loop3A_535 = arith.index_cast %parallel_loop3A_534 : i32 to index
      %parallel_loop3A_536 = tpu.vector_load %arg6[%parallel_loop3A_535] {strides = array<i32>} : memref<32896xf32, #tpu.memory_space<vmem>>, vector<16xf32>,
      %parallel_loop3A_537 = arith.maximumf %parallel_loop3A_530, %parallel_loop3A_536 : vector<16xf32>
      %parallel_loop3A_538 = arith.constant 128 : i32
      %parallel_loop3A_539 = arith.muli %parallel_loop3A_490, %parallel_loop3A_538 : i32
      %parallel_loop3A_540 = arith.constant 112 : i32
      %parallel_loop3A_541 = arith.addi %parallel_loop3A_539, %parallel_loop3A_540 : i32
      %parallel_loop3A_542 = arith.index_cast %parallel_loop3A_541 : i32 to index
      %parallel_loop3A_543 = tpu.vector_load %arg6[%parallel_loop3A_542] {strides = array<i32>} : memref<32896xf32, #tpu.memory_space<vmem>>, vector<16xf32>,
      %parallel_loop3A_544 = arith.maximumf %parallel_loop3A_537, %parallel_loop3A_543 : vector<16xf32>
      %parallel_loop3A_545 = arith.constant 16 : i32
      %parallel_loop3A_546 = arith.muli %parallel_loop3A_490, %parallel_loop3A_545 : i32
      %parallel_loop3A_547 = arith.index_cast %parallel_loop3A_546 : i32 to index
      %parallel_loop3A_548 = tpu.vector_load %arg9[%parallel_loop3A_547] {strides = array<i32>} : memref<4096xf32, #tpu.memory_space<vmem>>, vector<16xf32>,
      tpu.vector_store %arg9[%parallel_loop3A_547], %parallel_loop3A_544 {strides = array<i32>} : memref<4096xf32, #tpu.memory_space<vmem>>, vector<16xf32>,
      %parallel_loop3A_549 = arith.maximumf %parallel_loop3A_491, %parallel_loop3A_544 : vector<16xf32>
      scf.yield %parallel_loop3A_549 : vector<16xf32>
    } {sc.loop_unroll_factor = 4 : i64, sc.parallel_access}
    %reduce_min3A = arith.constant true
    %reduce_min3A_72 = vector.broadcast %reduce_min3A : i1 to vector<16xi1>
    %reduce_min3A_73 = tpu.scan <min>, %parallel_loop3A_71 masked %reduce_min3A_72 : vector<16xf32>, vector<16xi1> -> vector<16xf32>
    %reduce_min3A_74 = vector.extract %reduce_min3A_73[15] : f32 from vector<16xf32>
    %broadcast_in_dim3A_75 = vector.broadcast %reduce_min3A_74 : f32 to vector<16xf32>
    %broadcast_in_dim3A_76 = arith.constant -1 : i32
    %broadcast_in_dim3A_77 = vector.broadcast %broadcast_in_dim3A_76 : i32 to vector<16xi32>
    %parallel_loop3A_78 = arith.constant 0 : i32
    %parallel_loop3A_79 = arith.constant 256 : i32
    %parallel_loop3A_80 = arith.constant 1 : i32
    %parallel_loop3A_81 = scf.for %parallel_loop3A_490 = %parallel_loop3A_78 to %parallel_loop3A_79 step %parallel_loop3A_80 iter_args(%parallel_loop3A_491 = %broadcast_in_dim3A_77) -> (vector<16xi32>)  : i32 {
      %parallel_loop3A_492 = arith.constant 16 : i32
      %parallel_loop3A_493 = arith.muli %parallel_loop3A_490, %parallel_loop3A_492 : i32
      %parallel_loop3A_494 = arith.index_cast %parallel_loop3A_493 : i32 to index
      %parallel_loop3A_495 = tpu.vector_load %arg9[%parallel_loop3A_494] {strides = array<i32>} : memref<4096xf32, #tpu.memory_space<vmem>>, vector<16xf32>,
      %parallel_loop3A_496 = arith.constant 16 : i32
      %parallel_loop3A_497 = arith.muli %parallel_loop3A_490, %parallel_loop3A_496 : i32
      %parallel_loop3A_498 = vector.broadcast %parallel_loop3A_497 : i32 to vector<16xi32>
      %parallel_loop3A_499 = arith.addi %iota3A, %parallel_loop3A_498 : vector<16xi32>
      %parallel_loop3A_500 = arith.cmpf oge, %parallel_loop3A_495, %broadcast_in_dim3A_75 : vector<16xf32>
      %parallel_loop3A_501 = arith.extui %parallel_loop3A_500 : vector<16xi1> to vector<16xi32>
      %parallel_loop3A_502 = arith.constant true
      %parallel_loop3A_503 = vector.broadcast %parallel_loop3A_502 : i1 to vector<16xi1>
      %parallel_loop3A_504 = tpu.scan <sum>, %parallel_loop3A_501 masked %parallel_loop3A_503 : vector<16xi32>, vector<16xi1> -> vector<16xi32>
      %parallel_loop3A_505 = arith.addi %parallel_loop3A_491, %parallel_loop3A_504 : vector<16xi32>
      tpu.vector_store_idx %arg10[%parallel_loop3A_505], %parallel_loop3A_499 masked %parallel_loop3A_500 : memref<4112xi32, #tpu.memory_space<vmem>>[vector<16xi32>], vector<16xi32>, vector<16xi1>
      %parallel_loop3A_506 = tpu.all_reduce %parallel_loop3A_500 {dim = 0 : i64, kind = #tpu.reduction_kind<sum>} : vector<16xi1> -> vector<16xi32>
      %parallel_loop3A_507 = arith.addi %parallel_loop3A_491, %parallel_loop3A_506 : vector<16xi32>
      scf.yield %parallel_loop3A_507 : vector<16xi32>
    } {sc.loop_unroll_factor = 4 : i64, sc.parallel_access}
    %reduce_max3A = arith.constant true
    %reduce_max3A_82 = vector.broadcast %reduce_max3A : i1 to vector<16xi1>
    %reduce_max3A_83 = arith.constant -2147483648 : i32
    %reduce_max3A_84 = vector.broadcast %reduce_max3A_83 : i32 to vector<16xi32>
    %reduce_max3A_85 = arith.xori %parallel_loop3A_81, %reduce_max3A_84 : vector<16xi32>
    %reduce_max3A_86 = tpu.scan <max>, %reduce_max3A_85 masked %reduce_max3A_82 : vector<16xi32>, vector<16xi1> -> vector<16xi32>
    %reduce_max3A_87 = arith.xori %reduce_max3A_86, %reduce_max3A_84 : vector<16xi32>
    %reduce_max3A_88 = vector.extract %reduce_max3A_87[15] : i32 from vector<16xi32>
    %add3A_89 = arith.constant 1 : i32
    %add3A_90 = arith.addi %reduce_max3A_88, %add3A_89 : i32
    %add3A_91 = vector.broadcast %add3A_90 : i32 to vector<16xi32>
    %add3A_92 = arith.addi %add3A_91, %iota3A : vector<16xi32>
    %broadcast_in_dim3A_93 = arith.constant 4096 : i32
    %broadcast_in_dim3A_94 = vector.broadcast %broadcast_in_dim3A_93 : i32 to vector<16xi32>
    tpu.vector_store_idx %arg10[%add3A_92], %broadcast_in_dim3A_94 : memref<4112xi32, #tpu.memory_space<vmem>>[vector<16xi32>], vector<16xi32>,
    %ge3A = arith.constant 8 : i32
    %ge3A_95 = vector.broadcast %ge3A : i32 to vector<16xi32>
    %ge3A_96 = arith.cmpi sge, %iota3A, %ge3A_95 : vector<16xi32>
    %convert_element_type3A = arith.extui %ge3A_96 : vector<16xi1> to vector<16xi32>
    %and3A = arith.constant 7 : i32
    %and3A_97 = vector.broadcast %and3A : i32 to vector<16xi32>
    %and3A_98 = arith.andi %iota3A, %and3A_97 : vector<16xi32>
    %shift_left3A = arith.constant 4 : i32
    %shift_left3A_99 = vector.broadcast %shift_left3A : i32 to vector<16xi32>
    %shift_left3A_100 = arith.shli %and3A_98, %shift_left3A_99 : vector<16xi32>
    %broadcast_in_dim3A_101 = arith.constant -1 : i32
    %broadcast_in_dim3A_102 = vector.broadcast %broadcast_in_dim3A_101 : i32 to vector<16xi32>
    %while3A = arith.constant 0 : i32
    %while3A_103:2 = scf.while (%while3A_490 = %while3A, %while3A_491 = %broadcast_in_dim3A_102) : (i32, vector<16xi32>) -> (i32, vector<16xi32>) {
      %lt3A = arith.cmpi slt, %while3A_490, %add3A_90 : i32
      scf.condition(%lt3A) %while3A_490, %while3A_491 : i32, vector<16xi32>
    } do {
    ^bb0(%while3A_490: i32, %while3A_491: vector<16xi32>):
      %add3A_492 = vector.broadcast %while3A_490 : i32 to vector<16xi32>
      %add3A_493 = arith.addi %convert_element_type3A, %add3A_492 : vector<16xi32>
      %gather3A = tpu.vector_load_idx %arg10[%add3A_493] : memref<4112xi32, #tpu.memory_space<vmem>>[vector<16xi32>], vector<16xi32>,
      %and3A_494 = arith.constant -16 : i32
      %and3A_495 = vector.broadcast %and3A_494 : i32 to vector<16xi32>
      %and3A_496 = arith.andi %gather3A, %and3A_495 : vector<16xi32>
      %shift_left3A_497 = arith.constant 3 : i32
      %shift_left3A_498 = vector.broadcast %shift_left3A_497 : i32 to vector<16xi32>
      %shift_left3A_499 = arith.shli %and3A_496, %shift_left3A_498 : vector<16xi32>
      %and3A_500 = arith.constant 15 : i32
      %and3A_501 = vector.broadcast %and3A_500 : i32 to vector<16xi32>
      %and3A_502 = arith.andi %gather3A, %and3A_501 : vector<16xi32>
      %or3A = arith.ori %shift_left3A_499, %and3A_502 : vector<16xi32>
      %add3A_503 = arith.addi %or3A, %shift_left3A_100 : vector<16xi32>
      %gather3A_504 = tpu.vector_load_idx %arg6[%add3A_503] : memref<32896xf32, #tpu.memory_space<vmem>>[vector<16xi32>], vector<16xf32>,
      %ge3A_505 = arith.cmpf oge, %gather3A_504, %broadcast_in_dim3A_75 : vector<16xf32>
      %convert_element_type3A_506 = arith.extui %ge3A_505 : vector<16xi1> to vector<16xi32>
      %broadcast_in_dim3A_507 = arith.constant true
      %broadcast_in_dim3A_508 = vector.broadcast %broadcast_in_dim3A_507 : i1 to vector<16xi1>
      %masked_cumsum3A = tpu.scan <sum>, %convert_element_type3A_506 masked %broadcast_in_dim3A_508 : vector<16xi32>, vector<16xi1> -> vector<16xi32>
      %add3A_509 = arith.addi %while3A_491, %masked_cumsum3A : vector<16xi32>
      tpu.vector_store_idx %arg8[%add3A_509], %add3A_503 masked %ge3A_505 : memref<32768xi32, #tpu.memory_space<vmem>>[vector<16xi32>], vector<16xi32>, vector<16xi1>
      %all_reduce_population_count3A = tpu.all_reduce %ge3A_505 {dim = 0 : i64, kind = #tpu.reduction_kind<sum>} : vector<16xi1> -> vector<16xi32>
      %add3A_510 = arith.addi %while3A_491, %all_reduce_population_count3A : vector<16xi32>
      %add3A_511 = arith.constant 2 : i32
      %add3A_512 = arith.addi %while3A_490, %add3A_511 : i32
      scf.yield %add3A_512, %add3A_510 : i32, vector<16xi32>
    }
    %reduce_max3A_104 = arith.constant true
    %reduce_max3A_105 = vector.broadcast %reduce_max3A_104 : i1 to vector<16xi1>
    %reduce_max3A_106 = arith.constant -2147483648 : i32
    %reduce_max3A_107 = vector.broadcast %reduce_max3A_106 : i32 to vector<16xi32>
    %reduce_max3A_108 = arith.xori %while3A_103#1, %reduce_max3A_107 : vector<16xi32>
    %reduce_max3A_109 = tpu.scan <max>, %reduce_max3A_108 masked %reduce_max3A_105 : vector<16xi32>, vector<16xi1> -> vector<16xi32>
    %reduce_max3A_110 = arith.xori %reduce_max3A_109, %reduce_max3A_107 : vector<16xi32>
    %reduce_max3A_111 = vector.extract %reduce_max3A_110[15] : i32 from vector<16xi32>
    %add3A_112 = arith.constant 1 : i32
    %add3A_113 = arith.addi %reduce_max3A_111, %add3A_112 : i32
    %xor3A = arith.constant 1 : i32
    %xor3A_114 = vector.broadcast %xor3A : i32 to vector<16xi32>
    %xor3A_115 = arith.xori %iota3A, %xor3A_114 : vector<16xi32>
    %sub3A = arith.constant 1 : i32
    %sub3A_116 = vector.broadcast %sub3A : i32 to vector<16xi32>
    %sub3A_117 = arith.subi %iota3A, %sub3A_116 : vector<16xi32>
    %xor3A_118 = arith.constant 1 : i32
    %xor3A_119 = vector.broadcast %xor3A_118 : i32 to vector<16xi32>
    %xor3A_120 = arith.xori %sub3A_117, %xor3A_119 : vector<16xi32>
    %add3A_121 = arith.constant 1 : i32
    %add3A_122 = vector.broadcast %add3A_121 : i32 to vector<16xi32>
    %add3A_123 = arith.addi %xor3A_120, %add3A_122 : vector<16xi32>
    %jit3A = arith.constant 0 : i32
    %jit3A_124 = arith.constant 15 : i32
    %max3A = vector.broadcast %jit3A : i32 to vector<16xi32>
    %max3A_125 = arith.maxsi %max3A, %add3A_123 : vector<16xi32>
    %min3A = vector.broadcast %jit3A_124 : i32 to vector<16xi32>
    %min3A_126 = arith.minsi %min3A, %max3A_125 : vector<16xi32>
    %xor3A_127 = arith.constant 8 : i32
    %xor3A_128 = vector.broadcast %xor3A_127 : i32 to vector<16xi32>
    %xor3A_129 = arith.xori %iota3A, %xor3A_128 : vector<16xi32>
    %xor3A_130 = arith.constant 4 : i32
    %xor3A_131 = vector.broadcast %xor3A_130 : i32 to vector<16xi32>
    %xor3A_132 = arith.xori %iota3A, %xor3A_131 : vector<16xi32>
    %xor3A_133 = arith.constant 2 : i32
    %xor3A_134 = vector.broadcast %xor3A_133 : i32 to vector<16xi32>
    %xor3A_135 = arith.xori %iota3A, %xor3A_134 : vector<16xi32>
    %xor3A_136 = arith.constant 1 : i32
    %xor3A_137 = vector.broadcast %xor3A_136 : i32 to vector<16xi32>
    %xor3A_138 = arith.xori %iota3A, %xor3A_137 : vector<16xi32>
    %broadcast_in_dim3A_139 = arith.constant 0xFF800000 : f32
    %broadcast_in_dim3A_140 = vector.broadcast %broadcast_in_dim3A_139 : f32 to vector<16xf32>
    %while3A_141 = arith.constant 0 : i32
    %while3A_142:3 = scf.while (%while3A_490 = %while3A_141, %while3A_491 = %broadcast_in_dim3A_140, %while3A_492 = %iota3A) : (i32, vector<16xf32>, vector<16xi32>) -> (i32, vector<16xf32>, vector<16xi32>) {
      %lt3A = arith.cmpi slt, %while3A_490, %add3A_113 : i32
      scf.condition(%lt3A) %while3A_490, %while3A_491, %while3A_492 : i32, vector<16xf32>, vector<16xi32>
    } do {
    ^bb0(%while3A_490: i32, %while3A_491: vector<16xf32>, %while3A_492: vector<16xi32>):
      %add3A_493 = vector.broadcast %while3A_490 : i32 to vector<16xi32>
      %add3A_494 = arith.addi %iota3A, %add3A_493 : vector<16xi32>
      %lt3A = vector.broadcast %add3A_113 : i32 to vector<16xi32>
      %lt3A_495 = arith.cmpi slt, %add3A_494, %lt3A : vector<16xi32>
      %get3A = arith.index_cast %while3A_490 : i32 to index
      %get3A_496 = tpu.vector_load %arg8[%get3A] {strides = array<i32>} : memref<32768xi32, #tpu.memory_space<vmem>>, vector<16xi32>,
      %jit3A_497 = arith.constant 0 : i32
      %broadcast_in_dim3A_498 = vector.broadcast %jit3A_497 : i32 to vector<16xi32>
      %select_n3A = arith.select %lt3A_495, %get3A_496, %broadcast_in_dim3A_498 : vector<16xi1>, vector<16xi32>
      %gather3A = tpu.vector_load_idx %arg6[%select_n3A] : memref<32896xf32, #tpu.memory_space<vmem>>[vector<16xi32>], vector<16xf32>,
      %jit3A_499 = arith.constant 0xFF800000 : f32
      %broadcast_in_dim3A_500 = vector.broadcast %jit3A_499 : f32 to vector<16xf32>
      %select_n3A_501 = arith.select %lt3A_495, %gather3A, %broadcast_in_dim3A_500 : vector<16xi1>, vector<16xf32>
      %masked_sort3A = arith.constant dense<true> : vector<16xi1>
      %masked_sort3A_502, %masked_sort3A_503, %masked_sort3A_504 = tpu.sort %select_n3A_501, %select_n3A masked %masked_sort3A {descending = true} : (vector<16xf32>, vector<16xi32>, vector<16xi1>) -> (vector<16xi1>, vector<16xf32>, vector<16xi32>)
      %swap3A_505 = arith.constant 0 : index
      %swap3A_506 = tpu.vector_load %arg11[%swap3A_505] {strides = array<i32>} : memref<16xf32, #tpu.memory_space<vmem>>, vector<16xf32>,
      tpu.vector_store %arg11[%swap3A_505], %masked_sort3A_503 {strides = array<i32>} : memref<16xf32, #tpu.memory_space<vmem>>, vector<16xf32>,
      %swap3A_507 = arith.constant 0 : index
      %swap3A_508 = tpu.vector_load %arg12[%swap3A_507] {strides = array<i32>} : memref<16xi32, #tpu.memory_space<vmem>>, vector<16xi32>,
      tpu.vector_store %arg12[%swap3A_507], %masked_sort3A_504 {strides = array<i32>} : memref<16xi32, #tpu.memory_space<vmem>>, vector<16xi32>,
      %gather3A_509 = tpu.vector_load_idx %arg11[%xor3A_115] : memref<16xf32, #tpu.memory_space<vmem>>[vector<16xi32>], vector<16xf32>,
      %gather3A_510 = tpu.vector_load_idx %arg12[%xor3A_115] : memref<16xi32, #tpu.memory_space<vmem>>[vector<16xi32>], vector<16xi32>,
      %lt3A_511 = arith.cmpi slt, %iota3A, %xor3A_115 : vector<16xi32>
      %gt3A = arith.cmpf ogt, %masked_sort3A_503, %gather3A_509 : vector<16xf32>
      %eq3A = arith.cmpf oeq, %masked_sort3A_503, %gather3A_509 : vector<16xf32>
      %lt3A_512 = arith.cmpi slt, %masked_sort3A_504, %gather3A_510 : vector<16xi32>
      %and3A_513 = arith.andi %eq3A, %lt3A_512 : vector<16xi1>
      %or3A = arith.ori %gt3A, %and3A_513 : vector<16xi1>
      %eq3A_514 = arith.xori %or3A, %lt3A_511 : vector<16xi1>
      %eq3A_515 = arith.constant dense<true> : vector<16xi1>
      %eq3A_516 = arith.xori %eq3A_514, %eq3A_515 : vector<16xi1>
      %eq3A_517 = arith.cmpi eq, %xor3A_115, %iota3A : vector<16xi32>
      %or3A_518 = arith.ori %eq3A_516, %eq3A_517 : vector<16xi1>
      %select_n3A_519 = arith.select %or3A_518, %masked_sort3A_503, %gather3A_509 : vector<16xi1>, vector<16xf32>
      %select_n3A_520 = arith.select %or3A_518, %masked_sort3A_504, %gather3A_510 : vector<16xi1>, vector<16xi32>
      %swap3A_521 = arith.constant 0 : index
      %swap3A_522 = tpu.vector_load %arg11[%swap3A_521] {strides = array<i32>} : memref<16xf32, #tpu.memory_space<vmem>>, vector<16xf32>,
      tpu.vector_store %arg11[%swap3A_521], %select_n3A_519 {strides = array<i32>} : memref<16xf32, #tpu.memory_space<vmem>>, vector<16xf32>,
      %swap3A_523 = arith.constant 0 : index
      %swap3A_524 = tpu.vector_load %arg12[%swap3A_523] {strides = array<i32>} : memref<16xi32, #tpu.memory_space<vmem>>, vector<16xi32>,
      tpu.vector_store %arg12[%swap3A_523], %select_n3A_520 {strides = array<i32>} : memref<16xi32, #tpu.memory_space<vmem>>, vector<16xi32>,
      %gather3A_525 = tpu.vector_load_idx %arg11[%min3A_126] : memref<16xf32, #tpu.memory_space<vmem>>[vector<16xi32>], vector<16xf32>,
      %gather3A_526 = tpu.vector_load_idx %arg12[%min3A_126] : memref<16xi32, #tpu.memory_space<vmem>>[vector<16xi32>], vector<16xi32>,
      %lt3A_527 = arith.cmpi slt, %iota3A, %min3A_126 : vector<16xi32>
      %gt3A_528 = arith.cmpf ogt, %select_n3A_519, %gather3A_525 : vector<16xf32>
      %eq3A_529 = arith.cmpf oeq, %select_n3A_519, %gather3A_525 : vector<16xf32>
      %lt3A_530 = arith.cmpi slt, %select_n3A_520, %gather3A_526 : vector<16xi32>
      %and3A_531 = arith.andi %eq3A_529, %lt3A_530 : vector<16xi1>
      %or3A_532 = arith.ori %gt3A_528, %and3A_531 : vector<16xi1>
      %eq3A_533 = arith.xori %or3A_532, %lt3A_527 : vector<16xi1>
      %eq3A_534 = arith.constant dense<true> : vector<16xi1>
      %eq3A_535 = arith.xori %eq3A_533, %eq3A_534 : vector<16xi1>
      %eq3A_536 = arith.cmpi eq, %min3A_126, %iota3A : vector<16xi32>
      %or3A_537 = arith.ori %eq3A_535, %eq3A_536 : vector<16xi1>
      %select_n3A_538 = arith.select %or3A_537, %select_n3A_519, %gather3A_525 : vector<16xi1>, vector<16xf32>
      %select_n3A_539 = arith.select %or3A_537, %select_n3A_520, %gather3A_526 : vector<16xi1>, vector<16xi32>
      %swap3A_540 = arith.constant 0 : index
      %swap3A_541 = tpu.vector_load %arg11[%swap3A_540] {strides = array<i32>} : memref<16xf32, #tpu.memory_space<vmem>>, vector<16xf32>,
      tpu.vector_store %arg11[%swap3A_540], %select_n3A_538 {strides = array<i32>} : memref<16xf32, #tpu.memory_space<vmem>>, vector<16xf32>,
      %swap3A_542 = arith.constant 0 : index
      %swap3A_543 = tpu.vector_load %arg12[%swap3A_542] {strides = array<i32>} : memref<16xi32, #tpu.memory_space<vmem>>, vector<16xi32>,
      tpu.vector_store %arg12[%swap3A_542], %select_n3A_539 {strides = array<i32>} : memref<16xi32, #tpu.memory_space<vmem>>, vector<16xi32>,
      %gather3A_544 = tpu.vector_load_idx %arg11[%xor3A_115] : memref<16xf32, #tpu.memory_space<vmem>>[vector<16xi32>], vector<16xf32>,
      %gather3A_545 = tpu.vector_load_idx %arg12[%xor3A_115] : memref<16xi32, #tpu.memory_space<vmem>>[vector<16xi32>], vector<16xi32>,
      %lt3A_546 = arith.cmpi slt, %iota3A, %xor3A_115 : vector<16xi32>
      %gt3A_547 = arith.cmpf ogt, %select_n3A_538, %gather3A_544 : vector<16xf32>
      %eq3A_548 = arith.cmpf oeq, %select_n3A_538, %gather3A_544 : vector<16xf32>
      %lt3A_549 = arith.cmpi slt, %select_n3A_539, %gather3A_545 : vector<16xi32>
      %and3A_550 = arith.andi %eq3A_548, %lt3A_549 : vector<16xi1>
      %or3A_551 = arith.ori %gt3A_547, %and3A_550 : vector<16xi1>
      %eq3A_552 = arith.xori %or3A_551, %lt3A_546 : vector<16xi1>
      %eq3A_553 = arith.constant dense<true> : vector<16xi1>
      %eq3A_554 = arith.xori %eq3A_552, %eq3A_553 : vector<16xi1>
      %eq3A_555 = arith.cmpi eq, %xor3A_115, %iota3A : vector<16xi32>
      %or3A_556 = arith.ori %eq3A_554, %eq3A_555 : vector<16xi1>
      %select_n3A_557 = arith.select %or3A_556, %select_n3A_538, %gather3A_544 : vector<16xi1>, vector<16xf32>
      %select_n3A_558 = arith.select %or3A_556, %select_n3A_539, %gather3A_545 : vector<16xi1>, vector<16xi32>
      %swap3A_559 = arith.constant 0 : index
      %swap3A_560 = tpu.vector_load %arg11[%swap3A_559] {strides = array<i32>} : memref<16xf32, #tpu.memory_space<vmem>>, vector<16xf32>,
      tpu.vector_store %arg11[%swap3A_559], %select_n3A_557 {strides = array<i32>} : memref<16xf32, #tpu.memory_space<vmem>>, vector<16xf32>,
      %swap3A_561 = arith.constant 0 : index
      %swap3A_562 = tpu.vector_load %arg12[%swap3A_561] {strides = array<i32>} : memref<16xi32, #tpu.memory_space<vmem>>, vector<16xi32>,
      tpu.vector_store %arg12[%swap3A_561], %select_n3A_558 {strides = array<i32>} : memref<16xi32, #tpu.memory_space<vmem>>, vector<16xi32>,
      %gather3A_563 = tpu.vector_load_idx %arg11[%min3A_126] : memref<16xf32, #tpu.memory_space<vmem>>[vector<16xi32>], vector<16xf32>,
      %gather3A_564 = tpu.vector_load_idx %arg12[%min3A_126] : memref<16xi32, #tpu.memory_space<vmem>>[vector<16xi32>], vector<16xi32>,
      %lt3A_565 = arith.cmpi slt, %iota3A, %min3A_126 : vector<16xi32>
      %gt3A_566 = arith.cmpf ogt, %select_n3A_557, %gather3A_563 : vector<16xf32>
      %eq3A_567 = arith.cmpf oeq, %select_n3A_557, %gather3A_563 : vector<16xf32>
      %lt3A_568 = arith.cmpi slt, %select_n3A_558, %gather3A_564 : vector<16xi32>
      %and3A_569 = arith.andi %eq3A_567, %lt3A_568 : vector<16xi1>
      %or3A_570 = arith.ori %gt3A_566, %and3A_569 : vector<16xi1>
      %eq3A_571 = arith.xori %or3A_570, %lt3A_565 : vector<16xi1>
      %eq3A_572 = arith.constant dense<true> : vector<16xi1>
      %eq3A_573 = arith.xori %eq3A_571, %eq3A_572 : vector<16xi1>
      %eq3A_574 = arith.cmpi eq, %min3A_126, %iota3A : vector<16xi32>
      %or3A_575 = arith.ori %eq3A_573, %eq3A_574 : vector<16xi1>
      %select_n3A_576 = arith.select %or3A_575, %select_n3A_557, %gather3A_563 : vector<16xi1>, vector<16xf32>
      %select_n3A_577 = arith.select %or3A_575, %select_n3A_558, %gather3A_564 : vector<16xi1>, vector<16xi32>
      %rev3A = arith.constant 15 : i32
      %rev3A_578 = vector.broadcast %rev3A : i32 to vector<16xi32>
      %rev3A_579 = tpu.iota {dimensions = array<i32: 0>} : vector<16xi32>
      %rev3A_580 = arith.subi %rev3A_578, %rev3A_579 : vector<16xi32>
      %rev3A_581 = tpu.dynamic_gather %select_n3A_576[%rev3A_580] in [0] : vector<16xf32>, vector<16xi32> -> vector<16xf32>
      %rev3A_582 = arith.constant 15 : i32
      %rev3A_583 = vector.broadcast %rev3A_582 : i32 to vector<16xi32>
      %rev3A_584 = tpu.iota {dimensions = array<i32: 0>} : vector<16xi32>
      %rev3A_585 = arith.subi %rev3A_583, %rev3A_584 : vector<16xi32>
      %rev3A_586 = tpu.dynamic_gather %select_n3A_577[%rev3A_585] in [0] : vector<16xi32>, vector<16xi32> -> vector<16xi32>
      %gt3A_587 = arith.cmpf ogt, %while3A_491, %rev3A_581 : vector<16xf32>
      %eq3A_588 = arith.cmpf oeq, %while3A_491, %rev3A_581 : vector<16xf32>
      %lt3A_589 = arith.cmpi slt, %while3A_492, %rev3A_586 : vector<16xi32>
      %and3A_590 = arith.andi %eq3A_588, %lt3A_589 : vector<16xi1>
      %or3A_591 = arith.ori %gt3A_587, %and3A_590 : vector<16xi1>
      %select_n3A_592 = arith.select %or3A_591, %while3A_491, %rev3A_581 : vector<16xi1>, vector<16xf32>
      %select_n3A_593 = arith.select %or3A_591, %while3A_492, %rev3A_586 : vector<16xi1>, vector<16xi32>
      %swap3A_594 = arith.constant 0 : index
      %swap3A_595 = tpu.vector_load %arg11[%swap3A_594] {strides = array<i32>} : memref<16xf32, #tpu.memory_space<vmem>>, vector<16xf32>,
      tpu.vector_store %arg11[%swap3A_594], %select_n3A_592 {strides = array<i32>} : memref<16xf32, #tpu.memory_space<vmem>>, vector<16xf32>,
      %swap3A_596 = arith.constant 0 : index
      %swap3A_597 = tpu.vector_load %arg12[%swap3A_596] {strides = array<i32>} : memref<16xi32, #tpu.memory_space<vmem>>, vector<16xi32>,
      tpu.vector_store %arg12[%swap3A_596], %select_n3A_593 {strides = array<i32>} : memref<16xi32, #tpu.memory_space<vmem>>, vector<16xi32>,
      %gather3A_598 = tpu.vector_load_idx %arg11[%xor3A_129] : memref<16xf32, #tpu.memory_space<vmem>>[vector<16xi32>], vector<16xf32>,
      %gather3A_599 = tpu.vector_load_idx %arg12[%xor3A_129] : memref<16xi32, #tpu.memory_space<vmem>>[vector<16xi32>], vector<16xi32>,
      %lt3A_600 = arith.cmpi slt, %iota3A, %xor3A_129 : vector<16xi32>
      %gt3A_601 = arith.cmpf ogt, %select_n3A_592, %gather3A_598 : vector<16xf32>
      %eq3A_602 = arith.cmpf oeq, %select_n3A_592, %gather3A_598 : vector<16xf32>
      %lt3A_603 = arith.cmpi slt, %select_n3A_593, %gather3A_599 : vector<16xi32>
      %and3A_604 = arith.andi %eq3A_602, %lt3A_603 : vector<16xi1>
      %or3A_605 = arith.ori %gt3A_601, %and3A_604 : vector<16xi1>
      %eq3A_606 = arith.xori %or3A_605, %lt3A_600 : vector<16xi1>
      %eq3A_607 = arith.constant dense<true> : vector<16xi1>
      %eq3A_608 = arith.xori %eq3A_606, %eq3A_607 : vector<16xi1>
      %eq3A_609 = arith.cmpi eq, %xor3A_129, %iota3A : vector<16xi32>
      %or3A_610 = arith.ori %eq3A_608, %eq3A_609 : vector<16xi1>
      %select_n3A_611 = arith.select %or3A_610, %select_n3A_592, %gather3A_598 : vector<16xi1>, vector<16xf32>
      %select_n3A_612 = arith.select %or3A_610, %select_n3A_593, %gather3A_599 : vector<16xi1>, vector<16xi32>
      %swap3A_613 = arith.constant 0 : index
      %swap3A_614 = tpu.vector_load %arg11[%swap3A_613] {strides = array<i32>} : memref<16xf32, #tpu.memory_space<vmem>>, vector<16xf32>,
      tpu.vector_store %arg11[%swap3A_613], %select_n3A_611 {strides = array<i32>} : memref<16xf32, #tpu.memory_space<vmem>>, vector<16xf32>,
      %swap3A_615 = arith.constant 0 : index
      %swap3A_616 = tpu.vector_load %arg12[%swap3A_615] {strides = array<i32>} : memref<16xi32, #tpu.memory_space<vmem>>, vector<16xi32>,
      tpu.vector_store %arg12[%swap3A_615], %select_n3A_612 {strides = array<i32>} : memref<16xi32, #tpu.memory_space<vmem>>, vector<16xi32>,
      %gather3A_617 = tpu.vector_load_idx %arg11[%xor3A_132] : memref<16xf32, #tpu.memory_space<vmem>>[vector<16xi32>], vector<16xf32>,
      %gather3A_618 = tpu.vector_load_idx %arg12[%xor3A_132] : memref<16xi32, #tpu.memory_space<vmem>>[vector<16xi32>], vector<16xi32>,
      %lt3A_619 = arith.cmpi slt, %iota3A, %xor3A_132 : vector<16xi32>
      %gt3A_620 = arith.cmpf ogt, %select_n3A_611, %gather3A_617 : vector<16xf32>
      %eq3A_621 = arith.cmpf oeq, %select_n3A_611, %gather3A_617 : vector<16xf32>
      %lt3A_622 = arith.cmpi slt, %select_n3A_612, %gather3A_618 : vector<16xi32>
      %and3A_623 = arith.andi %eq3A_621, %lt3A_622 : vector<16xi1>
      %or3A_624 = arith.ori %gt3A_620, %and3A_623 : vector<16xi1>
      %eq3A_625 = arith.xori %or3A_624, %lt3A_619 : vector<16xi1>
      %eq3A_626 = arith.constant dense<true> : vector<16xi1>
      %eq3A_627 = arith.xori %eq3A_625, %eq3A_626 : vector<16xi1>
      %eq3A_628 = arith.cmpi eq, %xor3A_132, %iota3A : vector<16xi32>
      %or3A_629 = arith.ori %eq3A_627, %eq3A_628 : vector<16xi1>
      %select_n3A_630 = arith.select %or3A_629, %select_n3A_611, %gather3A_617 : vector<16xi1>, vector<16xf32>
      %select_n3A_631 = arith.select %or3A_629, %select_n3A_612, %gather3A_618 : vector<16xi1>, vector<16xi32>
      %swap3A_632 = arith.constant 0 : index
      %swap3A_633 = tpu.vector_load %arg11[%swap3A_632] {strides = array<i32>} : memref<16xf32, #tpu.memory_space<vmem>>, vector<16xf32>,
      tpu.vector_store %arg11[%swap3A_632], %select_n3A_630 {strides = array<i32>} : memref<16xf32, #tpu.memory_space<vmem>>, vector<16xf32>,
      %swap3A_634 = arith.constant 0 : index
      %swap3A_635 = tpu.vector_load %arg12[%swap3A_634] {strides = array<i32>} : memref<16xi32, #tpu.memory_space<vmem>>, vector<16xi32>,
      tpu.vector_store %arg12[%swap3A_634], %select_n3A_631 {strides = array<i32>} : memref<16xi32, #tpu.memory_space<vmem>>, vector<16xi32>,
      %gather3A_636 = tpu.vector_load_idx %arg11[%xor3A_135] : memref<16xf32, #tpu.memory_space<vmem>>[vector<16xi32>], vector<16xf32>,
      %gather3A_637 = tpu.vector_load_idx %arg12[%xor3A_135] : memref<16xi32, #tpu.memory_space<vmem>>[vector<16xi32>], vector<16xi32>,
      %lt3A_638 = arith.cmpi slt, %iota3A, %xor3A_135 : vector<16xi32>
      %gt3A_639 = arith.cmpf ogt, %select_n3A_630, %gather3A_636 : vector<16xf32>
      %eq3A_640 = arith.cmpf oeq, %select_n3A_630, %gather3A_636 : vector<16xf32>
      %lt3A_641 = arith.cmpi slt, %select_n3A_631, %gather3A_637 : vector<16xi32>
      %and3A_642 = arith.andi %eq3A_640, %lt3A_641 : vector<16xi1>
      %or3A_643 = arith.ori %gt3A_639, %and3A_642 : vector<16xi1>
      %eq3A_644 = arith.xori %or3A_643, %lt3A_638 : vector<16xi1>
      %eq3A_645 = arith.constant dense<true> : vector<16xi1>
      %eq3A_646 = arith.xori %eq3A_644, %eq3A_645 : vector<16xi1>
      %eq3A_647 = arith.cmpi eq, %xor3A_135, %iota3A : vector<16xi32>
      %or3A_648 = arith.ori %eq3A_646, %eq3A_647 : vector<16xi1>
      %select_n3A_649 = arith.select %or3A_648, %select_n3A_630, %gather3A_636 : vector<16xi1>, vector<16xf32>
      %select_n3A_650 = arith.select %or3A_648, %select_n3A_631, %gather3A_637 : vector<16xi1>, vector<16xi32>
      %swap3A_651 = arith.constant 0 : index
      %swap3A_652 = tpu.vector_load %arg11[%swap3A_651] {strides = array<i32>} : memref<16xf32, #tpu.memory_space<vmem>>, vector<16xf32>,
      tpu.vector_store %arg11[%swap3A_651], %select_n3A_649 {strides = array<i32>} : memref<16xf32, #tpu.memory_space<vmem>>, vector<16xf32>,
      %swap3A_653 = arith.constant 0 : index
      %swap3A_654 = tpu.vector_load %arg12[%swap3A_653] {strides = array<i32>} : memref<16xi32, #tpu.memory_space<vmem>>, vector<16xi32>,
      tpu.vector_store %arg12[%swap3A_653], %select_n3A_650 {strides = array<i32>} : memref<16xi32, #tpu.memory_space<vmem>>, vector<16xi32>,
      %gather3A_655 = tpu.vector_load_idx %arg11[%xor3A_138] : memref<16xf32, #tpu.memory_space<vmem>>[vector<16xi32>], vector<16xf32>,
      %gather3A_656 = tpu.vector_load_idx %arg12[%xor3A_138] : memref<16xi32, #tpu.memory_space<vmem>>[vector<16xi32>], vector<16xi32>,
      %lt3A_657 = arith.cmpi slt, %iota3A, %xor3A_138 : vector<16xi32>
      %gt3A_658 = arith.cmpf ogt, %select_n3A_649, %gather3A_655 : vector<16xf32>
      %eq3A_659 = arith.cmpf oeq, %select_n3A_649, %gather3A_655 : vector<16xf32>
      %lt3A_660 = arith.cmpi slt, %select_n3A_650, %gather3A_656 : vector<16xi32>
      %and3A_661 = arith.andi %eq3A_659, %lt3A_660 : vector<16xi1>
      %or3A_662 = arith.ori %gt3A_658, %and3A_661 : vector<16xi1>
      %eq3A_663 = arith.xori %or3A_662, %lt3A_657 : vector<16xi1>
      %eq3A_664 = arith.constant dense<true> : vector<16xi1>
      %eq3A_665 = arith.xori %eq3A_663, %eq3A_664 : vector<16xi1>
      %eq3A_666 = arith.cmpi eq, %xor3A_138, %iota3A : vector<16xi32>
      %or3A_667 = arith.ori %eq3A_665, %eq3A_666 : vector<16xi1>
      %select_n3A_668 = arith.select %or3A_667, %select_n3A_649, %gather3A_655 : vector<16xi1>, vector<16xf32>
      %select_n3A_669 = arith.select %or3A_667, %select_n3A_650, %gather3A_656 : vector<16xi1>, vector<16xi32>
      %add3A_670 = arith.constant 16 : i32
      %add3A_671 = arith.addi %while3A_490, %add3A_670 : i32
      scf.yield %add3A_671, %select_n3A_668, %select_n3A_669 : i32, vector<16xf32>, vector<16xi32>
    }
    %swap3A_143 = arith.constant 0 : index
    %swap3A_144 = tpu.vector_load %arg13[%swap3A_143] {strides = array<i32>} : memref<64xf32, #tpu.memory_space<vmem>>, vector<16xf32>,
    tpu.vector_store %arg13[%swap3A_143], %while3A_142#1 {strides = array<i32>} : memref<64xf32, #tpu.memory_space<vmem>>, vector<16xf32>,
    %swap3A_145 = arith.constant 0 : index
    %swap3A_146 = tpu.vector_load %arg14[%swap3A_145] {strides = array<i32>} : memref<64xi32, #tpu.memory_space<vmem>>, vector<16xi32>,
    tpu.vector_store %arg14[%swap3A_145], %while3A_142#2 {strides = array<i32>} : memref<64xi32, #tpu.memory_space<vmem>>, vector<16xi32>,
    %add3A_147 = arith.constant 1 : i32
    %add3A_148 = arith.addi %mul3A_2, %add3A_147 : i32
    %add3A_149 = arith.constant 1 : i32
    %add3A_150 = arith.addi %add3A_148, %add3A_149 : i32
    %dma_start3A_151 = arith.constant 0 : i32
    %dma_start3A_152 = tpu.memref_slice %arg6[%dma_start3A_151] : memref<32896xf32, #tpu.memory_space<vmem>> -> memref<32768xf32, #tpu.memory_space<vmem>>
    %dma_start3A_153 = arith.constant 0 : i32
    %dma_start3A_154 = tpu.memref_slice %arg2[%add3A_150, %dma_start3A_153] : memref<128x32768xf32, #tpu.memory_space<hbm>> -> memref<1x32768xf32, #tpu.memory_space<hbm>>
    %dma_start3A_155 = tpu.memref_squeeze %dma_start3A_154 : memref<1x32768xf32, #tpu.memory_space<hbm>> -> memref<32768xf32, #tpu.memory_space<hbm>>
    %dma_start3A_156 = arith.constant 0 : i32
    %dma_start3A_157 = tpu.memref_slice %arg6[%dma_start3A_156] : memref<32896xf32, #tpu.memory_space<vmem>> -> memref<32768xf32, #tpu.memory_space<vmem>>
    %dma_start3A_158 = arith.constant 0 : i32
    %dma_start3A_159 = tpu.memref_slice %arg2[%add3A_150, %dma_start3A_158] : memref<128x32768xf32, #tpu.memory_space<hbm>> -> memref<1x32768xf32, #tpu.memory_space<hbm>>
    %dma_start3A_160 = tpu.memref_squeeze %dma_start3A_159 : memref<1x32768xf32, #tpu.memory_space<hbm>> -> memref<32768xf32, #tpu.memory_space<hbm>>
    tpu.enqueue_dma source(%dma_start3A_160 : memref<32768xf32, #tpu.memory_space<hbm>>) target(%dma_start3A_157 : memref<32768xf32, #tpu.memory_space<vmem>>) target_semaphore(%arg16 : memref<!tpu.dma_semaphore, #tpu.memory_space<semaphore_mem>>)
    %dma_wait3A_161 = arith.constant 0 : i32
    %dma_wait3A_162 = tpu.memref_slice %arg7[%dma_wait3A_161] : memref<32896xf32, #tpu.memory_space<vmem>> -> memref<32768xf32, #tpu.memory_space<vmem>>
    %dma_wait3A_163 = arith.constant 0 : i32
    %dma_wait3A_164 = tpu.memref_slice %arg2[%add3A_47, %dma_wait3A_163] : memref<128x32768xf32, #tpu.memory_space<hbm>> -> memref<1x32768xf32, #tpu.memory_space<hbm>>
    %dma_wait3A_165 = tpu.memref_squeeze %dma_wait3A_164 : memref<1x32768xf32, #tpu.memory_space<hbm>> -> memref<32768xf32, #tpu.memory_space<hbm>>
    %dma_wait3A_166 = arith.constant 0 : i32
    %dma_wait3A_167 = tpu.memref_slice %arg7[%dma_wait3A_166] : memref<32896xf32, #tpu.memory_space<vmem>> -> memref<32768xf32, #tpu.memory_space<vmem>>
    %dma_wait3A_168 = arith.constant 0 : i32
    %dma_wait3A_169 = tpu.memref_slice %arg2[%add3A_47, %dma_wait3A_168] : memref<128x32768xf32, #tpu.memory_space<hbm>> -> memref<1x32768xf32, #tpu.memory_space<hbm>>
    %dma_wait3A_170 = tpu.memref_squeeze %dma_wait3A_169 : memref<1x32768xf32, #tpu.memory_space<hbm>> -> memref<32768xf32, #tpu.memory_space<hbm>>
    tpu.wait_dma2 semaphore(%arg17 : memref<!tpu.dma_semaphore, #tpu.memory_space<semaphore_mem>>) src(%dma_wait3A_170 : memref<32768xf32, #tpu.memory_space<hbm>>) dst(%dma_wait3A_167 : memref<32768xf32, #tpu.memory_space<vmem>>)
    %broadcast_in_dim3A_171 = arith.constant 0xFF800000 : f32
    %broadcast_in_dim3A_172 = vector.broadcast %broadcast_in_dim3A_171 : f32 to vector<16xf32>
    %parallel_loop3A_173 = arith.constant 0 : i32
    %parallel_loop3A_174 = arith.constant 256 : i32
    %parallel_loop3A_175 = arith.constant 1 : i32
    %parallel_loop3A_176 = scf.for %parallel_loop3A_490 = %parallel_loop3A_173 to %parallel_loop3A_174 step %parallel_loop3A_175 iter_args(%parallel_loop3A_491 = %broadcast_in_dim3A_172) -> (vector<16xf32>)  : i32 {
      %parallel_loop3A_492 = arith.constant 128 : i32
      %parallel_loop3A_493 = arith.muli %parallel_loop3A_490, %parallel_loop3A_492 : i32
      %parallel_loop3A_494 = arith.index_cast %parallel_loop3A_493 : i32 to index
      %parallel_loop3A_495 = tpu.vector_load %arg7[%parallel_loop3A_494] {strides = array<i32>} : memref<32896xf32, #tpu.memory_space<vmem>>, vector<16xf32>,
      %parallel_loop3A_496 = arith.constant 128 : i32
      %parallel_loop3A_497 = arith.muli %parallel_loop3A_490, %parallel_loop3A_496 : i32
      %parallel_loop3A_498 = arith.constant 16 : i32
      %parallel_loop3A_499 = arith.addi %parallel_loop3A_497, %parallel_loop3A_498 : i32
      %parallel_loop3A_500 = arith.index_cast %parallel_loop3A_499 : i32 to index
      %parallel_loop3A_501 = tpu.vector_load %arg7[%parallel_loop3A_500] {strides = array<i32>} : memref<32896xf32, #tpu.memory_space<vmem>>, vector<16xf32>,
      %parallel_loop3A_502 = arith.maximumf %parallel_loop3A_495, %parallel_loop3A_501 : vector<16xf32>
      %parallel_loop3A_503 = arith.constant 128 : i32
      %parallel_loop3A_504 = arith.muli %parallel_loop3A_490, %parallel_loop3A_503 : i32
      %parallel_loop3A_505 = arith.constant 32 : i32
      %parallel_loop3A_506 = arith.addi %parallel_loop3A_504, %parallel_loop3A_505 : i32
      %parallel_loop3A_507 = arith.index_cast %parallel_loop3A_506 : i32 to index
      %parallel_loop3A_508 = tpu.vector_load %arg7[%parallel_loop3A_507] {strides = array<i32>} : memref<32896xf32, #tpu.memory_space<vmem>>, vector<16xf32>,
      %parallel_loop3A_509 = arith.maximumf %parallel_loop3A_502, %parallel_loop3A_508 : vector<16xf32>
      %parallel_loop3A_510 = arith.constant 128 : i32
      %parallel_loop3A_511 = arith.muli %parallel_loop3A_490, %parallel_loop3A_510 : i32
      %parallel_loop3A_512 = arith.constant 48 : i32
      %parallel_loop3A_513 = arith.addi %parallel_loop3A_511, %parallel_loop3A_512 : i32
      %parallel_loop3A_514 = arith.index_cast %parallel_loop3A_513 : i32 to index
      %parallel_loop3A_515 = tpu.vector_load %arg7[%parallel_loop3A_514] {strides = array<i32>} : memref<32896xf32, #tpu.memory_space<vmem>>, vector<16xf32>,
      %parallel_loop3A_516 = arith.maximumf %parallel_loop3A_509, %parallel_loop3A_515 : vector<16xf32>
      %parallel_loop3A_517 = arith.constant 128 : i32
      %parallel_loop3A_518 = arith.muli %parallel_loop3A_490, %parallel_loop3A_517 : i32
      %parallel_loop3A_519 = arith.constant 64 : i32
      %parallel_loop3A_520 = arith.addi %parallel_loop3A_518, %parallel_loop3A_519 : i32
      %parallel_loop3A_521 = arith.index_cast %parallel_loop3A_520 : i32 to index
      %parallel_loop3A_522 = tpu.vector_load %arg7[%parallel_loop3A_521] {strides = array<i32>} : memref<32896xf32, #tpu.memory_space<vmem>>, vector<16xf32>,
      %parallel_loop3A_523 = arith.maximumf %parallel_loop3A_516, %parallel_loop3A_522 : vector<16xf32>
      %parallel_loop3A_524 = arith.constant 128 : i32
      %parallel_loop3A_525 = arith.muli %parallel_loop3A_490, %parallel_loop3A_524 : i32
      %parallel_loop3A_526 = arith.constant 80 : i32
      %parallel_loop3A_527 = arith.addi %parallel_loop3A_525, %parallel_loop3A_526 : i32
      %parallel_loop3A_528 = arith.index_cast %parallel_loop3A_527 : i32 to index
      %parallel_loop3A_529 = tpu.vector_load %arg7[%parallel_loop3A_528] {strides = array<i32>} : memref<32896xf32, #tpu.memory_space<vmem>>, vector<16xf32>,
      %parallel_loop3A_530 = arith.maximumf %parallel_loop3A_523, %parallel_loop3A_529 : vector<16xf32>
      %parallel_loop3A_531 = arith.constant 128 : i32
      %parallel_loop3A_532 = arith.muli %parallel_loop3A_490, %parallel_loop3A_531 : i32
      %parallel_loop3A_533 = arith.constant 96 : i32
      %parallel_loop3A_534 = arith.addi %parallel_loop3A_532, %parallel_loop3A_533 : i32
      %parallel_loop3A_535 = arith.index_cast %parallel_loop3A_534 : i32 to index
      %parallel_loop3A_536 = tpu.vector_load %arg7[%parallel_loop3A_535] {strides = array<i32>} : memref<32896xf32, #tpu.memory_space<vmem>>, vector<16xf32>,
      %parallel_loop3A_537 = arith.maximumf %parallel_loop3A_530, %parallel_loop3A_536 : vector<16xf32>
      %parallel_loop3A_538 = arith.constant 128 : i32
      %parallel_loop3A_539 = arith.muli %parallel_loop3A_490, %parallel_loop3A_538 : i32
      %parallel_loop3A_540 = arith.constant 112 : i32
      %parallel_loop3A_541 = arith.addi %parallel_loop3A_539, %parallel_loop3A_540 : i32
      %parallel_loop3A_542 = arith.index_cast %parallel_loop3A_541 : i32 to index
      %parallel_loop3A_543 = tpu.vector_load %arg7[%parallel_loop3A_542] {strides = array<i32>} : memref<32896xf32, #tpu.memory_space<vmem>>, vector<16xf32>,
      %parallel_loop3A_544 = arith.maximumf %parallel_loop3A_537, %parallel_loop3A_543 : vector<16xf32>
      %parallel_loop3A_545 = arith.constant 16 : i32
      %parallel_loop3A_546 = arith.muli %parallel_loop3A_490, %parallel_loop3A_545 : i32
      %parallel_loop3A_547 = arith.index_cast %parallel_loop3A_546 : i32 to index
      %parallel_loop3A_548 = tpu.vector_load %arg9[%parallel_loop3A_547] {strides = array<i32>} : memref<4096xf32, #tpu.memory_space<vmem>>, vector<16xf32>,
      tpu.vector_store %arg9[%parallel_loop3A_547], %parallel_loop3A_544 {strides = array<i32>} : memref<4096xf32, #tpu.memory_space<vmem>>, vector<16xf32>,
      %parallel_loop3A_549 = arith.maximumf %parallel_loop3A_491, %parallel_loop3A_544 : vector<16xf32>
      scf.yield %parallel_loop3A_549 : vector<16xf32>
    } {sc.loop_unroll_factor = 4 : i64, sc.parallel_access}
    %reduce_min3A_177 = arith.constant true
    %reduce_min3A_178 = vector.broadcast %reduce_min3A_177 : i1 to vector<16xi1>
    %reduce_min3A_179 = tpu.scan <min>, %parallel_loop3A_176 masked %reduce_min3A_178 : vector<16xf32>, vector<16xi1> -> vector<16xf32>
    %reduce_min3A_180 = vector.extract %reduce_min3A_179[15] : f32 from vector<16xf32>
    %broadcast_in_dim3A_181 = vector.broadcast %reduce_min3A_180 : f32 to vector<16xf32>
    %broadcast_in_dim3A_182 = arith.constant -1 : i32
    %broadcast_in_dim3A_183 = vector.broadcast %broadcast_in_dim3A_182 : i32 to vector<16xi32>
    %parallel_loop3A_184 = arith.constant 0 : i32
    %parallel_loop3A_185 = arith.constant 256 : i32
    %parallel_loop3A_186 = arith.constant 1 : i32
    %parallel_loop3A_187 = scf.for %parallel_loop3A_490 = %parallel_loop3A_184 to %parallel_loop3A_185 step %parallel_loop3A_186 iter_args(%parallel_loop3A_491 = %broadcast_in_dim3A_183) -> (vector<16xi32>)  : i32 {
      %parallel_loop3A_492 = arith.constant 16 : i32
      %parallel_loop3A_493 = arith.muli %parallel_loop3A_490, %parallel_loop3A_492 : i32
      %parallel_loop3A_494 = arith.index_cast %parallel_loop3A_493 : i32 to index
      %parallel_loop3A_495 = tpu.vector_load %arg9[%parallel_loop3A_494] {strides = array<i32>} : memref<4096xf32, #tpu.memory_space<vmem>>, vector<16xf32>,
      %parallel_loop3A_496 = arith.constant 16 : i32
      %parallel_loop3A_497 = arith.muli %parallel_loop3A_490, %parallel_loop3A_496 : i32
      %parallel_loop3A_498 = vector.broadcast %parallel_loop3A_497 : i32 to vector<16xi32>
      %parallel_loop3A_499 = arith.addi %iota3A, %parallel_loop3A_498 : vector<16xi32>
      %parallel_loop3A_500 = arith.cmpf oge, %parallel_loop3A_495, %broadcast_in_dim3A_181 : vector<16xf32>
      %parallel_loop3A_501 = arith.extui %parallel_loop3A_500 : vector<16xi1> to vector<16xi32>
      %parallel_loop3A_502 = arith.constant true
      %parallel_loop3A_503 = vector.broadcast %parallel_loop3A_502 : i1 to vector<16xi1>
      %parallel_loop3A_504 = tpu.scan <sum>, %parallel_loop3A_501 masked %parallel_loop3A_503 : vector<16xi32>, vector<16xi1> -> vector<16xi32>
      %parallel_loop3A_505 = arith.addi %parallel_loop3A_491, %parallel_loop3A_504 : vector<16xi32>
      tpu.vector_store_idx %arg10[%parallel_loop3A_505], %parallel_loop3A_499 masked %parallel_loop3A_500 : memref<4112xi32, #tpu.memory_space<vmem>>[vector<16xi32>], vector<16xi32>, vector<16xi1>
      %parallel_loop3A_506 = tpu.all_reduce %parallel_loop3A_500 {dim = 0 : i64, kind = #tpu.reduction_kind<sum>} : vector<16xi1> -> vector<16xi32>
      %parallel_loop3A_507 = arith.addi %parallel_loop3A_491, %parallel_loop3A_506 : vector<16xi32>
      scf.yield %parallel_loop3A_507 : vector<16xi32>
    } {sc.loop_unroll_factor = 4 : i64, sc.parallel_access}
    %reduce_max3A_188 = arith.constant true
    %reduce_max3A_189 = vector.broadcast %reduce_max3A_188 : i1 to vector<16xi1>
    %reduce_max3A_190 = arith.constant -2147483648 : i32
    %reduce_max3A_191 = vector.broadcast %reduce_max3A_190 : i32 to vector<16xi32>
    %reduce_max3A_192 = arith.xori %parallel_loop3A_187, %reduce_max3A_191 : vector<16xi32>
    %reduce_max3A_193 = tpu.scan <max>, %reduce_max3A_192 masked %reduce_max3A_189 : vector<16xi32>, vector<16xi1> -> vector<16xi32>
    %reduce_max3A_194 = arith.xori %reduce_max3A_193, %reduce_max3A_191 : vector<16xi32>
    %reduce_max3A_195 = vector.extract %reduce_max3A_194[15] : i32 from vector<16xi32>
    %add3A_196 = arith.constant 1 : i32
    %add3A_197 = arith.addi %reduce_max3A_195, %add3A_196 : i32
    %add3A_198 = vector.broadcast %add3A_197 : i32 to vector<16xi32>
    %add3A_199 = arith.addi %add3A_198, %iota3A : vector<16xi32>
    %broadcast_in_dim3A_200 = arith.constant 4096 : i32
    %broadcast_in_dim3A_201 = vector.broadcast %broadcast_in_dim3A_200 : i32 to vector<16xi32>
    tpu.vector_store_idx %arg10[%add3A_199], %broadcast_in_dim3A_201 : memref<4112xi32, #tpu.memory_space<vmem>>[vector<16xi32>], vector<16xi32>,
    %ge3A_202 = arith.constant 8 : i32
    %ge3A_203 = vector.broadcast %ge3A_202 : i32 to vector<16xi32>
    %ge3A_204 = arith.cmpi sge, %iota3A, %ge3A_203 : vector<16xi32>
    %convert_element_type3A_205 = arith.extui %ge3A_204 : vector<16xi1> to vector<16xi32>
    %and3A_206 = arith.constant 7 : i32
    %and3A_207 = vector.broadcast %and3A_206 : i32 to vector<16xi32>
    %and3A_208 = arith.andi %iota3A, %and3A_207 : vector<16xi32>
    %shift_left3A_209 = arith.constant 4 : i32
    %shift_left3A_210 = vector.broadcast %shift_left3A_209 : i32 to vector<16xi32>
    %shift_left3A_211 = arith.shli %and3A_208, %shift_left3A_210 : vector<16xi32>
    %broadcast_in_dim3A_212 = arith.constant -1 : i32
    %broadcast_in_dim3A_213 = vector.broadcast %broadcast_in_dim3A_212 : i32 to vector<16xi32>
    %while3A_214 = arith.constant 0 : i32
    %while3A_215:2 = scf.while (%while3A_490 = %while3A_214, %while3A_491 = %broadcast_in_dim3A_213) : (i32, vector<16xi32>) -> (i32, vector<16xi32>) {
      %lt3A = arith.cmpi slt, %while3A_490, %add3A_197 : i32
      scf.condition(%lt3A) %while3A_490, %while3A_491 : i32, vector<16xi32>
    } do {
    ^bb0(%while3A_490: i32, %while3A_491: vector<16xi32>):
      %add3A_492 = vector.broadcast %while3A_490 : i32 to vector<16xi32>
      %add3A_493 = arith.addi %convert_element_type3A_205, %add3A_492 : vector<16xi32>
      %gather3A = tpu.vector_load_idx %arg10[%add3A_493] : memref<4112xi32, #tpu.memory_space<vmem>>[vector<16xi32>], vector<16xi32>,
      %and3A_494 = arith.constant -16 : i32
      %and3A_495 = vector.broadcast %and3A_494 : i32 to vector<16xi32>
      %and3A_496 = arith.andi %gather3A, %and3A_495 : vector<16xi32>
      %shift_left3A_497 = arith.constant 3 : i32
      %shift_left3A_498 = vector.broadcast %shift_left3A_497 : i32 to vector<16xi32>
      %shift_left3A_499 = arith.shli %and3A_496, %shift_left3A_498 : vector<16xi32>
      %and3A_500 = arith.constant 15 : i32
      %and3A_501 = vector.broadcast %and3A_500 : i32 to vector<16xi32>
      %and3A_502 = arith.andi %gather3A, %and3A_501 : vector<16xi32>
      %or3A = arith.ori %shift_left3A_499, %and3A_502 : vector<16xi32>
      %add3A_503 = arith.addi %or3A, %shift_left3A_211 : vector<16xi32>
      %gather3A_504 = tpu.vector_load_idx %arg7[%add3A_503] : memref<32896xf32, #tpu.memory_space<vmem>>[vector<16xi32>], vector<16xf32>,
      %ge3A_505 = arith.cmpf oge, %gather3A_504, %broadcast_in_dim3A_181 : vector<16xf32>
      %convert_element_type3A_506 = arith.extui %ge3A_505 : vector<16xi1> to vector<16xi32>
      %broadcast_in_dim3A_507 = arith.constant true
      %broadcast_in_dim3A_508 = vector.broadcast %broadcast_in_dim3A_507 : i1 to vector<16xi1>
      %masked_cumsum3A = tpu.scan <sum>, %convert_element_type3A_506 masked %broadcast_in_dim3A_508 : vector<16xi32>, vector<16xi1> -> vector<16xi32>
      %add3A_509 = arith.addi %while3A_491, %masked_cumsum3A : vector<16xi32>
      tpu.vector_store_idx %arg8[%add3A_509], %add3A_503 masked %ge3A_505 : memref<32768xi32, #tpu.memory_space<vmem>>[vector<16xi32>], vector<16xi32>, vector<16xi1>
      %all_reduce_population_count3A = tpu.all_reduce %ge3A_505 {dim = 0 : i64, kind = #tpu.reduction_kind<sum>} : vector<16xi1> -> vector<16xi32>
      %add3A_510 = arith.addi %while3A_491, %all_reduce_population_count3A : vector<16xi32>
      %add3A_511 = arith.constant 2 : i32
      %add3A_512 = arith.addi %while3A_490, %add3A_511 : i32
      scf.yield %add3A_512, %add3A_510 : i32, vector<16xi32>
    }
    %reduce_max3A_216 = arith.constant true
    %reduce_max3A_217 = vector.broadcast %reduce_max3A_216 : i1 to vector<16xi1>
    %reduce_max3A_218 = arith.constant -2147483648 : i32
    %reduce_max3A_219 = vector.broadcast %reduce_max3A_218 : i32 to vector<16xi32>
    %reduce_max3A_220 = arith.xori %while3A_215#1, %reduce_max3A_219 : vector<16xi32>
    %reduce_max3A_221 = tpu.scan <max>, %reduce_max3A_220 masked %reduce_max3A_217 : vector<16xi32>, vector<16xi1> -> vector<16xi32>
    %reduce_max3A_222 = arith.xori %reduce_max3A_221, %reduce_max3A_219 : vector<16xi32>
    %reduce_max3A_223 = vector.extract %reduce_max3A_222[15] : i32 from vector<16xi32>
    %add3A_224 = arith.constant 1 : i32
    %add3A_225 = arith.addi %reduce_max3A_223, %add3A_224 : i32
    %xor3A_226 = arith.constant 1 : i32
    %xor3A_227 = vector.broadcast %xor3A_226 : i32 to vector<16xi32>
    %xor3A_228 = arith.xori %iota3A, %xor3A_227 : vector<16xi32>
    %sub3A_229 = arith.constant 1 : i32
    %sub3A_230 = vector.broadcast %sub3A_229 : i32 to vector<16xi32>
    %sub3A_231 = arith.subi %iota3A, %sub3A_230 : vector<16xi32>
    %xor3A_232 = arith.constant 1 : i32
    %xor3A_233 = vector.broadcast %xor3A_232 : i32 to vector<16xi32>
    %xor3A_234 = arith.xori %sub3A_231, %xor3A_233 : vector<16xi32>
    %add3A_235 = arith.constant 1 : i32
    %add3A_236 = vector.broadcast %add3A_235 : i32 to vector<16xi32>
    %add3A_237 = arith.addi %xor3A_234, %add3A_236 : vector<16xi32>
    %jit3A_238 = arith.constant 0 : i32
    %jit3A_239 = arith.constant 15 : i32
    %max3A_240 = vector.broadcast %jit3A_238 : i32 to vector<16xi32>
    %max3A_241 = arith.maxsi %max3A_240, %add3A_237 : vector<16xi32>
    %min3A_242 = vector.broadcast %jit3A_239 : i32 to vector<16xi32>
    %min3A_243 = arith.minsi %min3A_242, %max3A_241 : vector<16xi32>
    %xor3A_244 = arith.constant 8 : i32
    %xor3A_245 = vector.broadcast %xor3A_244 : i32 to vector<16xi32>
    %xor3A_246 = arith.xori %iota3A, %xor3A_245 : vector<16xi32>
    %xor3A_247 = arith.constant 4 : i32
    %xor3A_248 = vector.broadcast %xor3A_247 : i32 to vector<16xi32>
    %xor3A_249 = arith.xori %iota3A, %xor3A_248 : vector<16xi32>
    %xor3A_250 = arith.constant 2 : i32
    %xor3A_251 = vector.broadcast %xor3A_250 : i32 to vector<16xi32>
    %xor3A_252 = arith.xori %iota3A, %xor3A_251 : vector<16xi32>
    %xor3A_253 = arith.constant 1 : i32
    %xor3A_254 = vector.broadcast %xor3A_253 : i32 to vector<16xi32>
    %xor3A_255 = arith.xori %iota3A, %xor3A_254 : vector<16xi32>
    %broadcast_in_dim3A_256 = arith.constant 0xFF800000 : f32
    %broadcast_in_dim3A_257 = vector.broadcast %broadcast_in_dim3A_256 : f32 to vector<16xf32>
    %while3A_258 = arith.constant 0 : i32
    %while3A_259:3 = scf.while (%while3A_490 = %while3A_258, %while3A_491 = %broadcast_in_dim3A_257, %while3A_492 = %iota3A) : (i32, vector<16xf32>, vector<16xi32>) -> (i32, vector<16xf32>, vector<16xi32>) {
      %lt3A = arith.cmpi slt, %while3A_490, %add3A_225 : i32
      scf.condition(%lt3A) %while3A_490, %while3A_491, %while3A_492 : i32, vector<16xf32>, vector<16xi32>
    } do {
    ^bb0(%while3A_490: i32, %while3A_491: vector<16xf32>, %while3A_492: vector<16xi32>):
      %add3A_493 = vector.broadcast %while3A_490 : i32 to vector<16xi32>
      %add3A_494 = arith.addi %iota3A, %add3A_493 : vector<16xi32>
      %lt3A = vector.broadcast %add3A_225 : i32 to vector<16xi32>
      %lt3A_495 = arith.cmpi slt, %add3A_494, %lt3A : vector<16xi32>
      %get3A = arith.index_cast %while3A_490 : i32 to index
      %get3A_496 = tpu.vector_load %arg8[%get3A] {strides = array<i32>} : memref<32768xi32, #tpu.memory_space<vmem>>, vector<16xi32>,
      %jit3A_497 = arith.constant 0 : i32
      %broadcast_in_dim3A_498 = vector.broadcast %jit3A_497 : i32 to vector<16xi32>
      %select_n3A = arith.select %lt3A_495, %get3A_496, %broadcast_in_dim3A_498 : vector<16xi1>, vector<16xi32>
      %gather3A = tpu.vector_load_idx %arg7[%select_n3A] : memref<32896xf32, #tpu.memory_space<vmem>>[vector<16xi32>], vector<16xf32>,
      %jit3A_499 = arith.constant 0xFF800000 : f32
      %broadcast_in_dim3A_500 = vector.broadcast %jit3A_499 : f32 to vector<16xf32>
      %select_n3A_501 = arith.select %lt3A_495, %gather3A, %broadcast_in_dim3A_500 : vector<16xi1>, vector<16xf32>
      %masked_sort3A = arith.constant dense<true> : vector<16xi1>
      %masked_sort3A_502, %masked_sort3A_503, %masked_sort3A_504 = tpu.sort %select_n3A_501, %select_n3A masked %masked_sort3A {descending = true} : (vector<16xf32>, vector<16xi32>, vector<16xi1>) -> (vector<16xi1>, vector<16xf32>, vector<16xi32>)
      %swap3A_505 = arith.constant 0 : index
      %swap3A_506 = tpu.vector_load %arg11[%swap3A_505] {strides = array<i32>} : memref<16xf32, #tpu.memory_space<vmem>>, vector<16xf32>,
      tpu.vector_store %arg11[%swap3A_505], %masked_sort3A_503 {strides = array<i32>} : memref<16xf32, #tpu.memory_space<vmem>>, vector<16xf32>,
      %swap3A_507 = arith.constant 0 : index
      %swap3A_508 = tpu.vector_load %arg12[%swap3A_507] {strides = array<i32>} : memref<16xi32, #tpu.memory_space<vmem>>, vector<16xi32>,
      tpu.vector_store %arg12[%swap3A_507], %masked_sort3A_504 {strides = array<i32>} : memref<16xi32, #tpu.memory_space<vmem>>, vector<16xi32>,
      %gather3A_509 = tpu.vector_load_idx %arg11[%xor3A_228] : memref<16xf32, #tpu.memory_space<vmem>>[vector<16xi32>], vector<16xf32>,
      %gather3A_510 = tpu.vector_load_idx %arg12[%xor3A_228] : memref<16xi32, #tpu.memory_space<vmem>>[vector<16xi32>], vector<16xi32>,
      %lt3A_511 = arith.cmpi slt, %iota3A, %xor3A_228 : vector<16xi32>
      %gt3A = arith.cmpf ogt, %masked_sort3A_503, %gather3A_509 : vector<16xf32>
      %eq3A = arith.cmpf oeq, %masked_sort3A_503, %gather3A_509 : vector<16xf32>
      %lt3A_512 = arith.cmpi slt, %masked_sort3A_504, %gather3A_510 : vector<16xi32>
      %and3A_513 = arith.andi %eq3A, %lt3A_512 : vector<16xi1>
      %or3A = arith.ori %gt3A, %and3A_513 : vector<16xi1>
      %eq3A_514 = arith.xori %or3A, %lt3A_511 : vector<16xi1>
      %eq3A_515 = arith.constant dense<true> : vector<16xi1>
      %eq3A_516 = arith.xori %eq3A_514, %eq3A_515 : vector<16xi1>
      %eq3A_517 = arith.cmpi eq, %xor3A_228, %iota3A : vector<16xi32>
      %or3A_518 = arith.ori %eq3A_516, %eq3A_517 : vector<16xi1>
      %select_n3A_519 = arith.select %or3A_518, %masked_sort3A_503, %gather3A_509 : vector<16xi1>, vector<16xf32>
      %select_n3A_520 = arith.select %or3A_518, %masked_sort3A_504, %gather3A_510 : vector<16xi1>, vector<16xi32>
      %swap3A_521 = arith.constant 0 : index
      %swap3A_522 = tpu.vector_load %arg11[%swap3A_521] {strides = array<i32>} : memref<16xf32, #tpu.memory_space<vmem>>, vector<16xf32>,
      tpu.vector_store %arg11[%swap3A_521], %select_n3A_519 {strides = array<i32>} : memref<16xf32, #tpu.memory_space<vmem>>, vector<16xf32>,
      %swap3A_523 = arith.constant 0 : index
      %swap3A_524 = tpu.vector_load %arg12[%swap3A_523] {strides = array<i32>} : memref<16xi32, #tpu.memory_space<vmem>>, vector<16xi32>,
      tpu.vector_store %arg12[%swap3A_523], %select_n3A_520 {strides = array<i32>} : memref<16xi32, #tpu.memory_space<vmem>>, vector<16xi32>,
      %gather3A_525 = tpu.vector_load_idx %arg11[%min3A_243] : memref<16xf32, #tpu.memory_space<vmem>>[vector<16xi32>], vector<16xf32>,
      %gather3A_526 = tpu.vector_load_idx %arg12[%min3A_243] : memref<16xi32, #tpu.memory_space<vmem>>[vector<16xi32>], vector<16xi32>,
      %lt3A_527 = arith.cmpi slt, %iota3A, %min3A_243 : vector<16xi32>
      %gt3A_528 = arith.cmpf ogt, %select_n3A_519, %gather3A_525 : vector<16xf32>
      %eq3A_529 = arith.cmpf oeq, %select_n3A_519, %gather3A_525 : vector<16xf32>
      %lt3A_530 = arith.cmpi slt, %select_n3A_520, %gather3A_526 : vector<16xi32>
      %and3A_531 = arith.andi %eq3A_529, %lt3A_530 : vector<16xi1>
      %or3A_532 = arith.ori %gt3A_528, %and3A_531 : vector<16xi1>
      %eq3A_533 = arith.xori %or3A_532, %lt3A_527 : vector<16xi1>
      %eq3A_534 = arith.constant dense<true> : vector<16xi1>
      %eq3A_535 = arith.xori %eq3A_533, %eq3A_534 : vector<16xi1>
      %eq3A_536 = arith.cmpi eq, %min3A_243, %iota3A : vector<16xi32>
      %or3A_537 = arith.ori %eq3A_535, %eq3A_536 : vector<16xi1>
      %select_n3A_538 = arith.select %or3A_537, %select_n3A_519, %gather3A_525 : vector<16xi1>, vector<16xf32>
      %select_n3A_539 = arith.select %or3A_537, %select_n3A_520, %gather3A_526 : vector<16xi1>, vector<16xi32>
      %swap3A_540 = arith.constant 0 : index
      %swap3A_541 = tpu.vector_load %arg11[%swap3A_540] {strides = array<i32>} : memref<16xf32, #tpu.memory_space<vmem>>, vector<16xf32>,
      tpu.vector_store %arg11[%swap3A_540], %select_n3A_538 {strides = array<i32>} : memref<16xf32, #tpu.memory_space<vmem>>, vector<16xf32>,
      %swap3A_542 = arith.constant 0 : index
      %swap3A_543 = tpu.vector_load %arg12[%swap3A_542] {strides = array<i32>} : memref<16xi32, #tpu.memory_space<vmem>>, vector<16xi32>,
      tpu.vector_store %arg12[%swap3A_542], %select_n3A_539 {strides = array<i32>} : memref<16xi32, #tpu.memory_space<vmem>>, vector<16xi32>,
      %gather3A_544 = tpu.vector_load_idx %arg11[%xor3A_228] : memref<16xf32, #tpu.memory_space<vmem>>[vector<16xi32>], vector<16xf32>,
      %gather3A_545 = tpu.vector_load_idx %arg12[%xor3A_228] : memref<16xi32, #tpu.memory_space<vmem>>[vector<16xi32>], vector<16xi32>,
      %lt3A_546 = arith.cmpi slt, %iota3A, %xor3A_228 : vector<16xi32>
      %gt3A_547 = arith.cmpf ogt, %select_n3A_538, %gather3A_544 : vector<16xf32>
      %eq3A_548 = arith.cmpf oeq, %select_n3A_538, %gather3A_544 : vector<16xf32>
      %lt3A_549 = arith.cmpi slt, %select_n3A_539, %gather3A_545 : vector<16xi32>
      %and3A_550 = arith.andi %eq3A_548, %lt3A_549 : vector<16xi1>
      %or3A_551 = arith.ori %gt3A_547, %and3A_550 : vector<16xi1>
      %eq3A_552 = arith.xori %or3A_551, %lt3A_546 : vector<16xi1>
      %eq3A_553 = arith.constant dense<true> : vector<16xi1>
      %eq3A_554 = arith.xori %eq3A_552, %eq3A_553 : vector<16xi1>
      %eq3A_555 = arith.cmpi eq, %xor3A_228, %iota3A : vector<16xi32>
      %or3A_556 = arith.ori %eq3A_554, %eq3A_555 : vector<16xi1>
      %select_n3A_557 = arith.select %or3A_556, %select_n3A_538, %gather3A_544 : vector<16xi1>, vector<16xf32>
      %select_n3A_558 = arith.select %or3A_556, %select_n3A_539, %gather3A_545 : vector<16xi1>, vector<16xi32>
      %swap3A_559 = arith.constant 0 : index
      %swap3A_560 = tpu.vector_load %arg11[%swap3A_559] {strides = array<i32>} : memref<16xf32, #tpu.memory_space<vmem>>, vector<16xf32>,
      tpu.vector_store %arg11[%swap3A_559], %select_n3A_557 {strides = array<i32>} : memref<16xf32, #tpu.memory_space<vmem>>, vector<16xf32>,
      %swap3A_561 = arith.constant 0 : index
      %swap3A_562 = tpu.vector_load %arg12[%swap3A_561] {strides = array<i32>} : memref<16xi32, #tpu.memory_space<vmem>>, vector<16xi32>,
      tpu.vector_store %arg12[%swap3A_561], %select_n3A_558 {strides = array<i32>} : memref<16xi32, #tpu.memory_space<vmem>>, vector<16xi32>,
      %gather3A_563 = tpu.vector_load_idx %arg11[%min3A_243] : memref<16xf32, #tpu.memory_space<vmem>>[vector<16xi32>], vector<16xf32>,
      %gather3A_564 = tpu.vector_load_idx %arg12[%min3A_243] : memref<16xi32, #tpu.memory_space<vmem>>[vector<16xi32>], vector<16xi32>,
      %lt3A_565 = arith.cmpi slt, %iota3A, %min3A_243 : vector<16xi32>
      %gt3A_566 = arith.cmpf ogt, %select_n3A_557, %gather3A_563 : vector<16xf32>
      %eq3A_567 = arith.cmpf oeq, %select_n3A_557, %gather3A_563 : vector<16xf32>
      %lt3A_568 = arith.cmpi slt, %select_n3A_558, %gather3A_564 : vector<16xi32>
      %and3A_569 = arith.andi %eq3A_567, %lt3A_568 : vector<16xi1>
      %or3A_570 = arith.ori %gt3A_566, %and3A_569 : vector<16xi1>
      %eq3A_571 = arith.xori %or3A_570, %lt3A_565 : vector<16xi1>
      %eq3A_572 = arith.constant dense<true> : vector<16xi1>
      %eq3A_573 = arith.xori %eq3A_571, %eq3A_572 : vector<16xi1>
      %eq3A_574 = arith.cmpi eq, %min3A_243, %iota3A : vector<16xi32>
      %or3A_575 = arith.ori %eq3A_573, %eq3A_574 : vector<16xi1>
      %select_n3A_576 = arith.select %or3A_575, %select_n3A_557, %gather3A_563 : vector<16xi1>, vector<16xf32>
      %select_n3A_577 = arith.select %or3A_575, %select_n3A_558, %gather3A_564 : vector<16xi1>, vector<16xi32>
      %rev3A = arith.constant 15 : i32
      %rev3A_578 = vector.broadcast %rev3A : i32 to vector<16xi32>
      %rev3A_579 = tpu.iota {dimensions = array<i32: 0>} : vector<16xi32>
      %rev3A_580 = arith.subi %rev3A_578, %rev3A_579 : vector<16xi32>
      %rev3A_581 = tpu.dynamic_gather %select_n3A_576[%rev3A_580] in [0] : vector<16xf32>, vector<16xi32> -> vector<16xf32>
      %rev3A_582 = arith.constant 15 : i32
      %rev3A_583 = vector.broadcast %rev3A_582 : i32 to vector<16xi32>
      %rev3A_584 = tpu.iota {dimensions = array<i32: 0>} : vector<16xi32>
      %rev3A_585 = arith.subi %rev3A_583, %rev3A_584 : vector<16xi32>
      %rev3A_586 = tpu.dynamic_gather %select_n3A_577[%rev3A_585] in [0] : vector<16xi32>, vector<16xi32> -> vector<16xi32>
      %gt3A_587 = arith.cmpf ogt, %while3A_491, %rev3A_581 : vector<16xf32>
      %eq3A_588 = arith.cmpf oeq, %while3A_491, %rev3A_581 : vector<16xf32>
      %lt3A_589 = arith.cmpi slt, %while3A_492, %rev3A_586 : vector<16xi32>
      %and3A_590 = arith.andi %eq3A_588, %lt3A_589 : vector<16xi1>
      %or3A_591 = arith.ori %gt3A_587, %and3A_590 : vector<16xi1>
      %select_n3A_592 = arith.select %or3A_591, %while3A_491, %rev3A_581 : vector<16xi1>, vector<16xf32>
      %select_n3A_593 = arith.select %or3A_591, %while3A_492, %rev3A_586 : vector<16xi1>, vector<16xi32>
      %swap3A_594 = arith.constant 0 : index
      %swap3A_595 = tpu.vector_load %arg11[%swap3A_594] {strides = array<i32>} : memref<16xf32, #tpu.memory_space<vmem>>, vector<16xf32>,
      tpu.vector_store %arg11[%swap3A_594], %select_n3A_592 {strides = array<i32>} : memref<16xf32, #tpu.memory_space<vmem>>, vector<16xf32>,
      %swap3A_596 = arith.constant 0 : index
      %swap3A_597 = tpu.vector_load %arg12[%swap3A_596] {strides = array<i32>} : memref<16xi32, #tpu.memory_space<vmem>>, vector<16xi32>,
      tpu.vector_store %arg12[%swap3A_596], %select_n3A_593 {strides = array<i32>} : memref<16xi32, #tpu.memory_space<vmem>>, vector<16xi32>,
      %gather3A_598 = tpu.vector_load_idx %arg11[%xor3A_246] : memref<16xf32, #tpu.memory_space<vmem>>[vector<16xi32>], vector<16xf32>,
      %gather3A_599 = tpu.vector_load_idx %arg12[%xor3A_246] : memref<16xi32, #tpu.memory_space<vmem>>[vector<16xi32>], vector<16xi32>,
      %lt3A_600 = arith.cmpi slt, %iota3A, %xor3A_246 : vector<16xi32>
      %gt3A_601 = arith.cmpf ogt, %select_n3A_592, %gather3A_598 : vector<16xf32>
      %eq3A_602 = arith.cmpf oeq, %select_n3A_592, %gather3A_598 : vector<16xf32>
      %lt3A_603 = arith.cmpi slt, %select_n3A_593, %gather3A_599 : vector<16xi32>
      %and3A_604 = arith.andi %eq3A_602, %lt3A_603 : vector<16xi1>
      %or3A_605 = arith.ori %gt3A_601, %and3A_604 : vector<16xi1>
      %eq3A_606 = arith.xori %or3A_605, %lt3A_600 : vector<16xi1>
      %eq3A_607 = arith.constant dense<true> : vector<16xi1>
      %eq3A_608 = arith.xori %eq3A_606, %eq3A_607 : vector<16xi1>
      %eq3A_609 = arith.cmpi eq, %xor3A_246, %iota3A : vector<16xi32>
      %or3A_610 = arith.ori %eq3A_608, %eq3A_609 : vector<16xi1>
      %select_n3A_611 = arith.select %or3A_610, %select_n3A_592, %gather3A_598 : vector<16xi1>, vector<16xf32>
      %select_n3A_612 = arith.select %or3A_610, %select_n3A_593, %gather3A_599 : vector<16xi1>, vector<16xi32>
      %swap3A_613 = arith.constant 0 : index
      %swap3A_614 = tpu.vector_load %arg11[%swap3A_613] {strides = array<i32>} : memref<16xf32, #tpu.memory_space<vmem>>, vector<16xf32>,
      tpu.vector_store %arg11[%swap3A_613], %select_n3A_611 {strides = array<i32>} : memref<16xf32, #tpu.memory_space<vmem>>, vector<16xf32>,
      %swap3A_615 = arith.constant 0 : index
      %swap3A_616 = tpu.vector_load %arg12[%swap3A_615] {strides = array<i32>} : memref<16xi32, #tpu.memory_space<vmem>>, vector<16xi32>,
      tpu.vector_store %arg12[%swap3A_615], %select_n3A_612 {strides = array<i32>} : memref<16xi32, #tpu.memory_space<vmem>>, vector<16xi32>,
      %gather3A_617 = tpu.vector_load_idx %arg11[%xor3A_249] : memref<16xf32, #tpu.memory_space<vmem>>[vector<16xi32>], vector<16xf32>,
      %gather3A_618 = tpu.vector_load_idx %arg12[%xor3A_249] : memref<16xi32, #tpu.memory_space<vmem>>[vector<16xi32>], vector<16xi32>,
      %lt3A_619 = arith.cmpi slt, %iota3A, %xor3A_249 : vector<16xi32>
      %gt3A_620 = arith.cmpf ogt, %select_n3A_611, %gather3A_617 : vector<16xf32>
      %eq3A_621 = arith.cmpf oeq, %select_n3A_611, %gather3A_617 : vector<16xf32>
      %lt3A_622 = arith.cmpi slt, %select_n3A_612, %gather3A_618 : vector<16xi32>
      %and3A_623 = arith.andi %eq3A_621, %lt3A_622 : vector<16xi1>
      %or3A_624 = arith.ori %gt3A_620, %and3A_623 : vector<16xi1>
      %eq3A_625 = arith.xori %or3A_624, %lt3A_619 : vector<16xi1>
      %eq3A_626 = arith.constant dense<true> : vector<16xi1>
      %eq3A_627 = arith.xori %eq3A_625, %eq3A_626 : vector<16xi1>
      %eq3A_628 = arith.cmpi eq, %xor3A_249, %iota3A : vector<16xi32>
      %or3A_629 = arith.ori %eq3A_627, %eq3A_628 : vector<16xi1>
      %select_n3A_630 = arith.select %or3A_629, %select_n3A_611, %gather3A_617 : vector<16xi1>, vector<16xf32>
      %select_n3A_631 = arith.select %or3A_629, %select_n3A_612, %gather3A_618 : vector<16xi1>, vector<16xi32>
      %swap3A_632 = arith.constant 0 : index
      %swap3A_633 = tpu.vector_load %arg11[%swap3A_632] {strides = array<i32>} : memref<16xf32, #tpu.memory_space<vmem>>, vector<16xf32>,
      tpu.vector_store %arg11[%swap3A_632], %select_n3A_630 {strides = array<i32>} : memref<16xf32, #tpu.memory_space<vmem>>, vector<16xf32>,
      %swap3A_634 = arith.constant 0 : index
      %swap3A_635 = tpu.vector_load %arg12[%swap3A_634] {strides = array<i32>} : memref<16xi32, #tpu.memory_space<vmem>>, vector<16xi32>,
      tpu.vector_store %arg12[%swap3A_634], %select_n3A_631 {strides = array<i32>} : memref<16xi32, #tpu.memory_space<vmem>>, vector<16xi32>,
      %gather3A_636 = tpu.vector_load_idx %arg11[%xor3A_252] : memref<16xf32, #tpu.memory_space<vmem>>[vector<16xi32>], vector<16xf32>,
      %gather3A_637 = tpu.vector_load_idx %arg12[%xor3A_252] : memref<16xi32, #tpu.memory_space<vmem>>[vector<16xi32>], vector<16xi32>,
      %lt3A_638 = arith.cmpi slt, %iota3A, %xor3A_252 : vector<16xi32>
      %gt3A_639 = arith.cmpf ogt, %select_n3A_630, %gather3A_636 : vector<16xf32>
      %eq3A_640 = arith.cmpf oeq, %select_n3A_630, %gather3A_636 : vector<16xf32>
      %lt3A_641 = arith.cmpi slt, %select_n3A_631, %gather3A_637 : vector<16xi32>
      %and3A_642 = arith.andi %eq3A_640, %lt3A_641 : vector<16xi1>
      %or3A_643 = arith.ori %gt3A_639, %and3A_642 : vector<16xi1>
      %eq3A_644 = arith.xori %or3A_643, %lt3A_638 : vector<16xi1>
      %eq3A_645 = arith.constant dense<true> : vector<16xi1>
      %eq3A_646 = arith.xori %eq3A_644, %eq3A_645 : vector<16xi1>
      %eq3A_647 = arith.cmpi eq, %xor3A_252, %iota3A : vector<16xi32>
      %or3A_648 = arith.ori %eq3A_646, %eq3A_647 : vector<16xi1>
      %select_n3A_649 = arith.select %or3A_648, %select_n3A_630, %gather3A_636 : vector<16xi1>, vector<16xf32>
      %select_n3A_650 = arith.select %or3A_648, %select_n3A_631, %gather3A_637 : vector<16xi1>, vector<16xi32>
      %swap3A_651 = arith.constant 0 : index
      %swap3A_652 = tpu.vector_load %arg11[%swap3A_651] {strides = array<i32>} : memref<16xf32, #tpu.memory_space<vmem>>, vector<16xf32>,
      tpu.vector_store %arg11[%swap3A_651], %select_n3A_649 {strides = array<i32>} : memref<16xf32, #tpu.memory_space<vmem>>, vector<16xf32>,
      %swap3A_653 = arith.constant 0 : index
      %swap3A_654 = tpu.vector_load %arg12[%swap3A_653] {strides = array<i32>} : memref<16xi32, #tpu.memory_space<vmem>>, vector<16xi32>,
      tpu.vector_store %arg12[%swap3A_653], %select_n3A_650 {strides = array<i32>} : memref<16xi32, #tpu.memory_space<vmem>>, vector<16xi32>,
      %gather3A_655 = tpu.vector_load_idx %arg11[%xor3A_255] : memref<16xf32, #tpu.memory_space<vmem>>[vector<16xi32>], vector<16xf32>,
      %gather3A_656 = tpu.vector_load_idx %arg12[%xor3A_255] : memref<16xi32, #tpu.memory_space<vmem>>[vector<16xi32>], vector<16xi32>,
      %lt3A_657 = arith.cmpi slt, %iota3A, %xor3A_255 : vector<16xi32>
      %gt3A_658 = arith.cmpf ogt, %select_n3A_649, %gather3A_655 : vector<16xf32>
      %eq3A_659 = arith.cmpf oeq, %select_n3A_649, %gather3A_655 : vector<16xf32>
      %lt3A_660 = arith.cmpi slt, %select_n3A_650, %gather3A_656 : vector<16xi32>
      %and3A_661 = arith.andi %eq3A_659, %lt3A_660 : vector<16xi1>
      %or3A_662 = arith.ori %gt3A_658, %and3A_661 : vector<16xi1>
      %eq3A_663 = arith.xori %or3A_662, %lt3A_657 : vector<16xi1>
      %eq3A_664 = arith.constant dense<true> : vector<16xi1>
      %eq3A_665 = arith.xori %eq3A_663, %eq3A_664 : vector<16xi1>
      %eq3A_666 = arith.cmpi eq, %xor3A_255, %iota3A : vector<16xi32>
      %or3A_667 = arith.ori %eq3A_665, %eq3A_666 : vector<16xi1>
      %select_n3A_668 = arith.select %or3A_667, %select_n3A_649, %gather3A_655 : vector<16xi1>, vector<16xf32>
      %select_n3A_669 = arith.select %or3A_667, %select_n3A_650, %gather3A_656 : vector<16xi1>, vector<16xi32>
      %add3A_670 = arith.constant 16 : i32
      %add3A_671 = arith.addi %while3A_490, %add3A_670 : i32
      scf.yield %add3A_671, %select_n3A_668, %select_n3A_669 : i32, vector<16xf32>, vector<16xi32>
    }
    %swap3A_260 = arith.constant 16 : index
    %swap3A_261 = tpu.vector_load %arg13[%swap3A_260] {strides = array<i32>} : memref<64xf32, #tpu.memory_space<vmem>>, vector<16xf32>,
    tpu.vector_store %arg13[%swap3A_260], %while3A_259#1 {strides = array<i32>} : memref<64xf32, #tpu.memory_space<vmem>>, vector<16xf32>,
    %swap3A_262 = arith.constant 16 : index
    %swap3A_263 = tpu.vector_load %arg14[%swap3A_262] {strides = array<i32>} : memref<64xi32, #tpu.memory_space<vmem>>, vector<16xi32>,
    tpu.vector_store %arg14[%swap3A_262], %while3A_259#2 {strides = array<i32>} : memref<64xi32, #tpu.memory_space<vmem>>, vector<16xi32>,
    %add3A_264 = arith.constant 2 : i32
    %add3A_265 = arith.addi %mul3A_2, %add3A_264 : i32
    %add3A_266 = arith.constant 1 : i32
    %add3A_267 = arith.addi %add3A_265, %add3A_266 : i32
    %dma_start3A_268 = arith.constant 0 : i32
    %dma_start3A_269 = tpu.memref_slice %arg7[%dma_start3A_268] : memref<32896xf32, #tpu.memory_space<vmem>> -> memref<32768xf32, #tpu.memory_space<vmem>>
    %dma_start3A_270 = arith.constant 0 : i32
    %dma_start3A_271 = tpu.memref_slice %arg2[%add3A_267, %dma_start3A_270] : memref<128x32768xf32, #tpu.memory_space<hbm>> -> memref<1x32768xf32, #tpu.memory_space<hbm>>
    %dma_start3A_272 = tpu.memref_squeeze %dma_start3A_271 : memref<1x32768xf32, #tpu.memory_space<hbm>> -> memref<32768xf32, #tpu.memory_space<hbm>>
    %dma_start3A_273 = arith.constant 0 : i32
    %dma_start3A_274 = tpu.memref_slice %arg7[%dma_start3A_273] : memref<32896xf32, #tpu.memory_space<vmem>> -> memref<32768xf32, #tpu.memory_space<vmem>>
    %dma_start3A_275 = arith.constant 0 : i32
    %dma_start3A_276 = tpu.memref_slice %arg2[%add3A_267, %dma_start3A_275] : memref<128x32768xf32, #tpu.memory_space<hbm>> -> memref<1x32768xf32, #tpu.memory_space<hbm>>
    %dma_start3A_277 = tpu.memref_squeeze %dma_start3A_276 : memref<1x32768xf32, #tpu.memory_space<hbm>> -> memref<32768xf32, #tpu.memory_space<hbm>>
    tpu.enqueue_dma source(%dma_start3A_277 : memref<32768xf32, #tpu.memory_space<hbm>>) target(%dma_start3A_274 : memref<32768xf32, #tpu.memory_space<vmem>>) target_semaphore(%arg17 : memref<!tpu.dma_semaphore, #tpu.memory_space<semaphore_mem>>)
    %dma_wait3A_278 = arith.constant 0 : i32
    %dma_wait3A_279 = tpu.memref_slice %arg6[%dma_wait3A_278] : memref<32896xf32, #tpu.memory_space<vmem>> -> memref<32768xf32, #tpu.memory_space<vmem>>
    %dma_wait3A_280 = arith.constant 0 : i32
    %dma_wait3A_281 = tpu.memref_slice %arg2[%add3A_150, %dma_wait3A_280] : memref<128x32768xf32, #tpu.memory_space<hbm>> -> memref<1x32768xf32, #tpu.memory_space<hbm>>
    %dma_wait3A_282 = tpu.memref_squeeze %dma_wait3A_281 : memref<1x32768xf32, #tpu.memory_space<hbm>> -> memref<32768xf32, #tpu.memory_space<hbm>>
    %dma_wait3A_283 = arith.constant 0 : i32
    %dma_wait3A_284 = tpu.memref_slice %arg6[%dma_wait3A_283] : memref<32896xf32, #tpu.memory_space<vmem>> -> memref<32768xf32, #tpu.memory_space<vmem>>
    %dma_wait3A_285 = arith.constant 0 : i32
    %dma_wait3A_286 = tpu.memref_slice %arg2[%add3A_150, %dma_wait3A_285] : memref<128x32768xf32, #tpu.memory_space<hbm>> -> memref<1x32768xf32, #tpu.memory_space<hbm>>
    %dma_wait3A_287 = tpu.memref_squeeze %dma_wait3A_286 : memref<1x32768xf32, #tpu.memory_space<hbm>> -> memref<32768xf32, #tpu.memory_space<hbm>>
    tpu.wait_dma2 semaphore(%arg16 : memref<!tpu.dma_semaphore, #tpu.memory_space<semaphore_mem>>) src(%dma_wait3A_287 : memref<32768xf32, #tpu.memory_space<hbm>>) dst(%dma_wait3A_284 : memref<32768xf32, #tpu.memory_space<vmem>>)
    %broadcast_in_dim3A_288 = arith.constant 0xFF800000 : f32
    %broadcast_in_dim3A_289 = vector.broadcast %broadcast_in_dim3A_288 : f32 to vector<16xf32>
    %parallel_loop3A_290 = arith.constant 0 : i32
    %parallel_loop3A_291 = arith.constant 256 : i32
    %parallel_loop3A_292 = arith.constant 1 : i32
    %parallel_loop3A_293 = scf.for %parallel_loop3A_490 = %parallel_loop3A_290 to %parallel_loop3A_291 step %parallel_loop3A_292 iter_args(%parallel_loop3A_491 = %broadcast_in_dim3A_289) -> (vector<16xf32>)  : i32 {
      %parallel_loop3A_492 = arith.constant 128 : i32
      %parallel_loop3A_493 = arith.muli %parallel_loop3A_490, %parallel_loop3A_492 : i32
      %parallel_loop3A_494 = arith.index_cast %parallel_loop3A_493 : i32 to index
      %parallel_loop3A_495 = tpu.vector_load %arg6[%parallel_loop3A_494] {strides = array<i32>} : memref<32896xf32, #tpu.memory_space<vmem>>, vector<16xf32>,
      %parallel_loop3A_496 = arith.constant 128 : i32
      %parallel_loop3A_497 = arith.muli %parallel_loop3A_490, %parallel_loop3A_496 : i32
      %parallel_loop3A_498 = arith.constant 16 : i32
      %parallel_loop3A_499 = arith.addi %parallel_loop3A_497, %parallel_loop3A_498 : i32
      %parallel_loop3A_500 = arith.index_cast %parallel_loop3A_499 : i32 to index
      %parallel_loop3A_501 = tpu.vector_load %arg6[%parallel_loop3A_500] {strides = array<i32>} : memref<32896xf32, #tpu.memory_space<vmem>>, vector<16xf32>,
      %parallel_loop3A_502 = arith.maximumf %parallel_loop3A_495, %parallel_loop3A_501 : vector<16xf32>
      %parallel_loop3A_503 = arith.constant 128 : i32
      %parallel_loop3A_504 = arith.muli %parallel_loop3A_490, %parallel_loop3A_503 : i32
      %parallel_loop3A_505 = arith.constant 32 : i32
      %parallel_loop3A_506 = arith.addi %parallel_loop3A_504, %parallel_loop3A_505 : i32
      %parallel_loop3A_507 = arith.index_cast %parallel_loop3A_506 : i32 to index
      %parallel_loop3A_508 = tpu.vector_load %arg6[%parallel_loop3A_507] {strides = array<i32>} : memref<32896xf32, #tpu.memory_space<vmem>>, vector<16xf32>,
      %parallel_loop3A_509 = arith.maximumf %parallel_loop3A_502, %parallel_loop3A_508 : vector<16xf32>
      %parallel_loop3A_510 = arith.constant 128 : i32
      %parallel_loop3A_511 = arith.muli %parallel_loop3A_490, %parallel_loop3A_510 : i32
      %parallel_loop3A_512 = arith.constant 48 : i32
      %parallel_loop3A_513 = arith.addi %parallel_loop3A_511, %parallel_loop3A_512 : i32
      %parallel_loop3A_514 = arith.index_cast %parallel_loop3A_513 : i32 to index
      %parallel_loop3A_515 = tpu.vector_load %arg6[%parallel_loop3A_514] {strides = array<i32>} : memref<32896xf32, #tpu.memory_space<vmem>>, vector<16xf32>,
      %parallel_loop3A_516 = arith.maximumf %parallel_loop3A_509, %parallel_loop3A_515 : vector<16xf32>
      %parallel_loop3A_517 = arith.constant 128 : i32
      %parallel_loop3A_518 = arith.muli %parallel_loop3A_490, %parallel_loop3A_517 : i32
      %parallel_loop3A_519 = arith.constant 64 : i32
      %parallel_loop3A_520 = arith.addi %parallel_loop3A_518, %parallel_loop3A_519 : i32
      %parallel_loop3A_521 = arith.index_cast %parallel_loop3A_520 : i32 to index
      %parallel_loop3A_522 = tpu.vector_load %arg6[%parallel_loop3A_521] {strides = array<i32>} : memref<32896xf32, #tpu.memory_space<vmem>>, vector<16xf32>,
      %parallel_loop3A_523 = arith.maximumf %parallel_loop3A_516, %parallel_loop3A_522 : vector<16xf32>
      %parallel_loop3A_524 = arith.constant 128 : i32
      %parallel_loop3A_525 = arith.muli %parallel_loop3A_490, %parallel_loop3A_524 : i32
      %parallel_loop3A_526 = arith.constant 80 : i32
      %parallel_loop3A_527 = arith.addi %parallel_loop3A_525, %parallel_loop3A_526 : i32
      %parallel_loop3A_528 = arith.index_cast %parallel_loop3A_527 : i32 to index
      %parallel_loop3A_529 = tpu.vector_load %arg6[%parallel_loop3A_528] {strides = array<i32>} : memref<32896xf32, #tpu.memory_space<vmem>>, vector<16xf32>,
      %parallel_loop3A_530 = arith.maximumf %parallel_loop3A_523, %parallel_loop3A_529 : vector<16xf32>
      %parallel_loop3A_531 = arith.constant 128 : i32
      %parallel_loop3A_532 = arith.muli %parallel_loop3A_490, %parallel_loop3A_531 : i32
      %parallel_loop3A_533 = arith.constant 96 : i32
      %parallel_loop3A_534 = arith.addi %parallel_loop3A_532, %parallel_loop3A_533 : i32
      %parallel_loop3A_535 = arith.index_cast %parallel_loop3A_534 : i32 to index
      %parallel_loop3A_536 = tpu.vector_load %arg6[%parallel_loop3A_535] {strides = array<i32>} : memref<32896xf32, #tpu.memory_space<vmem>>, vector<16xf32>,
      %parallel_loop3A_537 = arith.maximumf %parallel_loop3A_530, %parallel_loop3A_536 : vector<16xf32>
      %parallel_loop3A_538 = arith.constant 128 : i32
      %parallel_loop3A_539 = arith.muli %parallel_loop3A_490, %parallel_loop3A_538 : i32
      %parallel_loop3A_540 = arith.constant 112 : i32
      %parallel_loop3A_541 = arith.addi %parallel_loop3A_539, %parallel_loop3A_540 : i32
      %parallel_loop3A_542 = arith.index_cast %parallel_loop3A_541 : i32 to index
      %parallel_loop3A_543 = tpu.vector_load %arg6[%parallel_loop3A_542] {strides = array<i32>} : memref<32896xf32, #tpu.memory_space<vmem>>, vector<16xf32>,
      %parallel_loop3A_544 = arith.maximumf %parallel_loop3A_537, %parallel_loop3A_543 : vector<16xf32>
      %parallel_loop3A_545 = arith.constant 16 : i32
      %parallel_loop3A_546 = arith.muli %parallel_loop3A_490, %parallel_loop3A_545 : i32
      %parallel_loop3A_547 = arith.index_cast %parallel_loop3A_546 : i32 to index
      %parallel_loop3A_548 = tpu.vector_load %arg9[%parallel_loop3A_547] {strides = array<i32>} : memref<4096xf32, #tpu.memory_space<vmem>>, vector<16xf32>,
      tpu.vector_store %arg9[%parallel_loop3A_547], %parallel_loop3A_544 {strides = array<i32>} : memref<4096xf32, #tpu.memory_space<vmem>>, vector<16xf32>,
      %parallel_loop3A_549 = arith.maximumf %parallel_loop3A_491, %parallel_loop3A_544 : vector<16xf32>
      scf.yield %parallel_loop3A_549 : vector<16xf32>
    } {sc.loop_unroll_factor = 4 : i64, sc.parallel_access}
    %reduce_min3A_294 = arith.constant true
    %reduce_min3A_295 = vector.broadcast %reduce_min3A_294 : i1 to vector<16xi1>
    %reduce_min3A_296 = tpu.scan <min>, %parallel_loop3A_293 masked %reduce_min3A_295 : vector<16xf32>, vector<16xi1> -> vector<16xf32>
    %reduce_min3A_297 = vector.extract %reduce_min3A_296[15] : f32 from vector<16xf32>
    %broadcast_in_dim3A_298 = vector.broadcast %reduce_min3A_297 : f32 to vector<16xf32>
    %broadcast_in_dim3A_299 = arith.constant -1 : i32
    %broadcast_in_dim3A_300 = vector.broadcast %broadcast_in_dim3A_299 : i32 to vector<16xi32>
    %parallel_loop3A_301 = arith.constant 0 : i32
    %parallel_loop3A_302 = arith.constant 256 : i32
    %parallel_loop3A_303 = arith.constant 1 : i32
    %parallel_loop3A_304 = scf.for %parallel_loop3A_490 = %parallel_loop3A_301 to %parallel_loop3A_302 step %parallel_loop3A_303 iter_args(%parallel_loop3A_491 = %broadcast_in_dim3A_300) -> (vector<16xi32>)  : i32 {
      %parallel_loop3A_492 = arith.constant 16 : i32
      %parallel_loop3A_493 = arith.muli %parallel_loop3A_490, %parallel_loop3A_492 : i32
      %parallel_loop3A_494 = arith.index_cast %parallel_loop3A_493 : i32 to index
      %parallel_loop3A_495 = tpu.vector_load %arg9[%parallel_loop3A_494] {strides = array<i32>} : memref<4096xf32, #tpu.memory_space<vmem>>, vector<16xf32>,
      %parallel_loop3A_496 = arith.constant 16 : i32
      %parallel_loop3A_497 = arith.muli %parallel_loop3A_490, %parallel_loop3A_496 : i32
      %parallel_loop3A_498 = vector.broadcast %parallel_loop3A_497 : i32 to vector<16xi32>
      %parallel_loop3A_499 = arith.addi %iota3A, %parallel_loop3A_498 : vector<16xi32>
      %parallel_loop3A_500 = arith.cmpf oge, %parallel_loop3A_495, %broadcast_in_dim3A_298 : vector<16xf32>
      %parallel_loop3A_501 = arith.extui %parallel_loop3A_500 : vector<16xi1> to vector<16xi32>
      %parallel_loop3A_502 = arith.constant true
      %parallel_loop3A_503 = vector.broadcast %parallel_loop3A_502 : i1 to vector<16xi1>
      %parallel_loop3A_504 = tpu.scan <sum>, %parallel_loop3A_501 masked %parallel_loop3A_503 : vector<16xi32>, vector<16xi1> -> vector<16xi32>
      %parallel_loop3A_505 = arith.addi %parallel_loop3A_491, %parallel_loop3A_504 : vector<16xi32>
      tpu.vector_store_idx %arg10[%parallel_loop3A_505], %parallel_loop3A_499 masked %parallel_loop3A_500 : memref<4112xi32, #tpu.memory_space<vmem>>[vector<16xi32>], vector<16xi32>, vector<16xi1>
      %parallel_loop3A_506 = tpu.all_reduce %parallel_loop3A_500 {dim = 0 : i64, kind = #tpu.reduction_kind<sum>} : vector<16xi1> -> vector<16xi32>
      %parallel_loop3A_507 = arith.addi %parallel_loop3A_491, %parallel_loop3A_506 : vector<16xi32>
      scf.yield %parallel_loop3A_507 : vector<16xi32>
    } {sc.loop_unroll_factor = 4 : i64, sc.parallel_access}
    %reduce_max3A_305 = arith.constant true
    %reduce_max3A_306 = vector.broadcast %reduce_max3A_305 : i1 to vector<16xi1>
    %reduce_max3A_307 = arith.constant -2147483648 : i32
    %reduce_max3A_308 = vector.broadcast %reduce_max3A_307 : i32 to vector<16xi32>
    %reduce_max3A_309 = arith.xori %parallel_loop3A_304, %reduce_max3A_308 : vector<16xi32>
    %reduce_max3A_310 = tpu.scan <max>, %reduce_max3A_309 masked %reduce_max3A_306 : vector<16xi32>, vector<16xi1> -> vector<16xi32>
    %reduce_max3A_311 = arith.xori %reduce_max3A_310, %reduce_max3A_308 : vector<16xi32>
    %reduce_max3A_312 = vector.extract %reduce_max3A_311[15] : i32 from vector<16xi32>
    %add3A_313 = arith.constant 1 : i32
    %add3A_314 = arith.addi %reduce_max3A_312, %add3A_313 : i32
    %add3A_315 = vector.broadcast %add3A_314 : i32 to vector<16xi32>
    %add3A_316 = arith.addi %add3A_315, %iota3A : vector<16xi32>
    %broadcast_in_dim3A_317 = arith.constant 4096 : i32
    %broadcast_in_dim3A_318 = vector.broadcast %broadcast_in_dim3A_317 : i32 to vector<16xi32>
    tpu.vector_store_idx %arg10[%add3A_316], %broadcast_in_dim3A_318 : memref<4112xi32, #tpu.memory_space<vmem>>[vector<16xi32>], vector<16xi32>,
    %ge3A_319 = arith.constant 8 : i32
    %ge3A_320 = vector.broadcast %ge3A_319 : i32 to vector<16xi32>
    %ge3A_321 = arith.cmpi sge, %iota3A, %ge3A_320 : vector<16xi32>
    %convert_element_type3A_322 = arith.extui %ge3A_321 : vector<16xi1> to vector<16xi32>
    %and3A_323 = arith.constant 7 : i32
    %and3A_324 = vector.broadcast %and3A_323 : i32 to vector<16xi32>
    %and3A_325 = arith.andi %iota3A, %and3A_324 : vector<16xi32>
    %shift_left3A_326 = arith.constant 4 : i32
    %shift_left3A_327 = vector.broadcast %shift_left3A_326 : i32 to vector<16xi32>
    %shift_left3A_328 = arith.shli %and3A_325, %shift_left3A_327 : vector<16xi32>
    %broadcast_in_dim3A_329 = arith.constant -1 : i32
    %broadcast_in_dim3A_330 = vector.broadcast %broadcast_in_dim3A_329 : i32 to vector<16xi32>
    %while3A_331 = arith.constant 0 : i32
    %while3A_332:2 = scf.while (%while3A_490 = %while3A_331, %while3A_491 = %broadcast_in_dim3A_330) : (i32, vector<16xi32>) -> (i32, vector<16xi32>) {
      %lt3A = arith.cmpi slt, %while3A_490, %add3A_314 : i32
      scf.condition(%lt3A) %while3A_490, %while3A_491 : i32, vector<16xi32>
    } do {
    ^bb0(%while3A_490: i32, %while3A_491: vector<16xi32>):
      %add3A_492 = vector.broadcast %while3A_490 : i32 to vector<16xi32>
      %add3A_493 = arith.addi %convert_element_type3A_322, %add3A_492 : vector<16xi32>
      %gather3A = tpu.vector_load_idx %arg10[%add3A_493] : memref<4112xi32, #tpu.memory_space<vmem>>[vector<16xi32>], vector<16xi32>,
      %and3A_494 = arith.constant -16 : i32
      %and3A_495 = vector.broadcast %and3A_494 : i32 to vector<16xi32>
      %and3A_496 = arith.andi %gather3A, %and3A_495 : vector<16xi32>
      %shift_left3A_497 = arith.constant 3 : i32
      %shift_left3A_498 = vector.broadcast %shift_left3A_497 : i32 to vector<16xi32>
      %shift_left3A_499 = arith.shli %and3A_496, %shift_left3A_498 : vector<16xi32>
      %and3A_500 = arith.constant 15 : i32
      %and3A_501 = vector.broadcast %and3A_500 : i32 to vector<16xi32>
      %and3A_502 = arith.andi %gather3A, %and3A_501 : vector<16xi32>
      %or3A = arith.ori %shift_left3A_499, %and3A_502 : vector<16xi32>
      %add3A_503 = arith.addi %or3A, %shift_left3A_328 : vector<16xi32>
      %gather3A_504 = tpu.vector_load_idx %arg6[%add3A_503] : memref<32896xf32, #tpu.memory_space<vmem>>[vector<16xi32>], vector<16xf32>,
      %ge3A_505 = arith.cmpf oge, %gather3A_504, %broadcast_in_dim3A_298 : vector<16xf32>
      %convert_element_type3A_506 = arith.extui %ge3A_505 : vector<16xi1> to vector<16xi32>
      %broadcast_in_dim3A_507 = arith.constant true
      %broadcast_in_dim3A_508 = vector.broadcast %broadcast_in_dim3A_507 : i1 to vector<16xi1>
      %masked_cumsum3A = tpu.scan <sum>, %convert_element_type3A_506 masked %broadcast_in_dim3A_508 : vector<16xi32>, vector<16xi1> -> vector<16xi32>
      %add3A_509 = arith.addi %while3A_491, %masked_cumsum3A : vector<16xi32>
      tpu.vector_store_idx %arg8[%add3A_509], %add3A_503 masked %ge3A_505 : memref<32768xi32, #tpu.memory_space<vmem>>[vector<16xi32>], vector<16xi32>, vector<16xi1>
      %all_reduce_population_count3A = tpu.all_reduce %ge3A_505 {dim = 0 : i64, kind = #tpu.reduction_kind<sum>} : vector<16xi1> -> vector<16xi32>
      %add3A_510 = arith.addi %while3A_491, %all_reduce_population_count3A : vector<16xi32>
      %add3A_511 = arith.constant 2 : i32
      %add3A_512 = arith.addi %while3A_490, %add3A_511 : i32
      scf.yield %add3A_512, %add3A_510 : i32, vector<16xi32>
    }
    %reduce_max3A_333 = arith.constant true
    %reduce_max3A_334 = vector.broadcast %reduce_max3A_333 : i1 to vector<16xi1>
    %reduce_max3A_335 = arith.constant -2147483648 : i32
    %reduce_max3A_336 = vector.broadcast %reduce_max3A_335 : i32 to vector<16xi32>
    %reduce_max3A_337 = arith.xori %while3A_332#1, %reduce_max3A_336 : vector<16xi32>
    %reduce_max3A_338 = tpu.scan <max>, %reduce_max3A_337 masked %reduce_max3A_334 : vector<16xi32>, vector<16xi1> -> vector<16xi32>
    %reduce_max3A_339 = arith.xori %reduce_max3A_338, %reduce_max3A_336 : vector<16xi32>
    %reduce_max3A_340 = vector.extract %reduce_max3A_339[15] : i32 from vector<16xi32>
    %add3A_341 = arith.constant 1 : i32
    %add3A_342 = arith.addi %reduce_max3A_340, %add3A_341 : i32
    %xor3A_343 = arith.constant 1 : i32
    %xor3A_344 = vector.broadcast %xor3A_343 : i32 to vector<16xi32>
    %xor3A_345 = arith.xori %iota3A, %xor3A_344 : vector<16xi32>
    %sub3A_346 = arith.constant 1 : i32
    %sub3A_347 = vector.broadcast %sub3A_346 : i32 to vector<16xi32>
    %sub3A_348 = arith.subi %iota3A, %sub3A_347 : vector<16xi32>
    %xor3A_349 = arith.constant 1 : i32
    %xor3A_350 = vector.broadcast %xor3A_349 : i32 to vector<16xi32>
    %xor3A_351 = arith.xori %sub3A_348, %xor3A_350 : vector<16xi32>
    %add3A_352 = arith.constant 1 : i32
    %add3A_353 = vector.broadcast %add3A_352 : i32 to vector<16xi32>
    %add3A_354 = arith.addi %xor3A_351, %add3A_353 : vector<16xi32>
    %jit3A_355 = arith.constant 0 : i32
    %jit3A_356 = arith.constant 15 : i32
    %max3A_357 = vector.broadcast %jit3A_355 : i32 to vector<16xi32>
    %max3A_358 = arith.maxsi %max3A_357, %add3A_354 : vector<16xi32>
    %min3A_359 = vector.broadcast %jit3A_356 : i32 to vector<16xi32>
    %min3A_360 = arith.minsi %min3A_359, %max3A_358 : vector<16xi32>
    %xor3A_361 = arith.constant 8 : i32
    %xor3A_362 = vector.broadcast %xor3A_361 : i32 to vector<16xi32>
    %xor3A_363 = arith.xori %iota3A, %xor3A_362 : vector<16xi32>
    %xor3A_364 = arith.constant 4 : i32
    %xor3A_365 = vector.broadcast %xor3A_364 : i32 to vector<16xi32>
    %xor3A_366 = arith.xori %iota3A, %xor3A_365 : vector<16xi32>
    %xor3A_367 = arith.constant 2 : i32
    %xor3A_368 = vector.broadcast %xor3A_367 : i32 to vector<16xi32>
    %xor3A_369 = arith.xori %iota3A, %xor3A_368 : vector<16xi32>
    %xor3A_370 = arith.constant 1 : i32
    %xor3A_371 = vector.broadcast %xor3A_370 : i32 to vector<16xi32>
    %xor3A_372 = arith.xori %iota3A, %xor3A_371 : vector<16xi32>
    %broadcast_in_dim3A_373 = arith.constant 0xFF800000 : f32
    %broadcast_in_dim3A_374 = vector.broadcast %broadcast_in_dim3A_373 : f32 to vector<16xf32>
    %while3A_375 = arith.constant 0 : i32
    %while3A_376:3 = scf.while (%while3A_490 = %while3A_375, %while3A_491 = %broadcast_in_dim3A_374, %while3A_492 = %iota3A) : (i32, vector<16xf32>, vector<16xi32>) -> (i32, vector<16xf32>, vector<16xi32>) {
      %lt3A = arith.cmpi slt, %while3A_490, %add3A_342 : i32
      scf.condition(%lt3A) %while3A_490, %while3A_491, %while3A_492 : i32, vector<16xf32>, vector<16xi32>
    } do {
    ^bb0(%while3A_490: i32, %while3A_491: vector<16xf32>, %while3A_492: vector<16xi32>):
      %add3A_493 = vector.broadcast %while3A_490 : i32 to vector<16xi32>
      %add3A_494 = arith.addi %iota3A, %add3A_493 : vector<16xi32>
      %lt3A = vector.broadcast %add3A_342 : i32 to vector<16xi32>
      %lt3A_495 = arith.cmpi slt, %add3A_494, %lt3A : vector<16xi32>
      %get3A = arith.index_cast %while3A_490 : i32 to index
      %get3A_496 = tpu.vector_load %arg8[%get3A] {strides = array<i32>} : memref<32768xi32, #tpu.memory_space<vmem>>, vector<16xi32>,
      %jit3A_497 = arith.constant 0 : i32
      %broadcast_in_dim3A_498 = vector.broadcast %jit3A_497 : i32 to vector<16xi32>
      %select_n3A = arith.select %lt3A_495, %get3A_496, %broadcast_in_dim3A_498 : vector<16xi1>, vector<16xi32>
      %gather3A = tpu.vector_load_idx %arg6[%select_n3A] : memref<32896xf32, #tpu.memory_space<vmem>>[vector<16xi32>], vector<16xf32>,
      %jit3A_499 = arith.constant 0xFF800000 : f32
      %broadcast_in_dim3A_500 = vector.broadcast %jit3A_499 : f32 to vector<16xf32>
      %select_n3A_501 = arith.select %lt3A_495, %gather3A, %broadcast_in_dim3A_500 : vector<16xi1>, vector<16xf32>
      %masked_sort3A = arith.constant dense<true> : vector<16xi1>
      %masked_sort3A_502, %masked_sort3A_503, %masked_sort3A_504 = tpu.sort %select_n3A_501, %select_n3A masked %masked_sort3A {descending = true} : (vector<16xf32>, vector<16xi32>, vector<16xi1>) -> (vector<16xi1>, vector<16xf32>, vector<16xi32>)
      %swap3A_505 = arith.constant 0 : index
      %swap3A_506 = tpu.vector_load %arg11[%swap3A_505] {strides = array<i32>} : memref<16xf32, #tpu.memory_space<vmem>>, vector<16xf32>,
      tpu.vector_store %arg11[%swap3A_505], %masked_sort3A_503 {strides = array<i32>} : memref<16xf32, #tpu.memory_space<vmem>>, vector<16xf32>,
      %swap3A_507 = arith.constant 0 : index
      %swap3A_508 = tpu.vector_load %arg12[%swap3A_507] {strides = array<i32>} : memref<16xi32, #tpu.memory_space<vmem>>, vector<16xi32>,
      tpu.vector_store %arg12[%swap3A_507], %masked_sort3A_504 {strides = array<i32>} : memref<16xi32, #tpu.memory_space<vmem>>, vector<16xi32>,
      %gather3A_509 = tpu.vector_load_idx %arg11[%xor3A_345] : memref<16xf32, #tpu.memory_space<vmem>>[vector<16xi32>], vector<16xf32>,
      %gather3A_510 = tpu.vector_load_idx %arg12[%xor3A_345] : memref<16xi32, #tpu.memory_space<vmem>>[vector<16xi32>], vector<16xi32>,
      %lt3A_511 = arith.cmpi slt, %iota3A, %xor3A_345 : vector<16xi32>
      %gt3A = arith.cmpf ogt, %masked_sort3A_503, %gather3A_509 : vector<16xf32>
      %eq3A = arith.cmpf oeq, %masked_sort3A_503, %gather3A_509 : vector<16xf32>
      %lt3A_512 = arith.cmpi slt, %masked_sort3A_504, %gather3A_510 : vector<16xi32>
      %and3A_513 = arith.andi %eq3A, %lt3A_512 : vector<16xi1>
      %or3A = arith.ori %gt3A, %and3A_513 : vector<16xi1>
      %eq3A_514 = arith.xori %or3A, %lt3A_511 : vector<16xi1>
      %eq3A_515 = arith.constant dense<true> : vector<16xi1>
      %eq3A_516 = arith.xori %eq3A_514, %eq3A_515 : vector<16xi1>
      %eq3A_517 = arith.cmpi eq, %xor3A_345, %iota3A : vector<16xi32>
      %or3A_518 = arith.ori %eq3A_516, %eq3A_517 : vector<16xi1>
      %select_n3A_519 = arith.select %or3A_518, %masked_sort3A_503, %gather3A_509 : vector<16xi1>, vector<16xf32>
      %select_n3A_520 = arith.select %or3A_518, %masked_sort3A_504, %gather3A_510 : vector<16xi1>, vector<16xi32>
      %swap3A_521 = arith.constant 0 : index
      %swap3A_522 = tpu.vector_load %arg11[%swap3A_521] {strides = array<i32>} : memref<16xf32, #tpu.memory_space<vmem>>, vector<16xf32>,
      tpu.vector_store %arg11[%swap3A_521], %select_n3A_519 {strides = array<i32>} : memref<16xf32, #tpu.memory_space<vmem>>, vector<16xf32>,
      %swap3A_523 = arith.constant 0 : index
      %swap3A_524 = tpu.vector_load %arg12[%swap3A_523] {strides = array<i32>} : memref<16xi32, #tpu.memory_space<vmem>>, vector<16xi32>,
      tpu.vector_store %arg12[%swap3A_523], %select_n3A_520 {strides = array<i32>} : memref<16xi32, #tpu.memory_space<vmem>>, vector<16xi32>,
      %gather3A_525 = tpu.vector_load_idx %arg11[%min3A_360] : memref<16xf32, #tpu.memory_space<vmem>>[vector<16xi32>], vector<16xf32>,
      %gather3A_526 = tpu.vector_load_idx %arg12[%min3A_360] : memref<16xi32, #tpu.memory_space<vmem>>[vector<16xi32>], vector<16xi32>,
      %lt3A_527 = arith.cmpi slt, %iota3A, %min3A_360 : vector<16xi32>
      %gt3A_528 = arith.cmpf ogt, %select_n3A_519, %gather3A_525 : vector<16xf32>
      %eq3A_529 = arith.cmpf oeq, %select_n3A_519, %gather3A_525 : vector<16xf32>
      %lt3A_530 = arith.cmpi slt, %select_n3A_520, %gather3A_526 : vector<16xi32>
      %and3A_531 = arith.andi %eq3A_529, %lt3A_530 : vector<16xi1>
      %or3A_532 = arith.ori %gt3A_528, %and3A_531 : vector<16xi1>
      %eq3A_533 = arith.xori %or3A_532, %lt3A_527 : vector<16xi1>
      %eq3A_534 = arith.constant dense<true> : vector<16xi1>
      %eq3A_535 = arith.xori %eq3A_533, %eq3A_534 : vector<16xi1>
      %eq3A_536 = arith.cmpi eq, %min3A_360, %iota3A : vector<16xi32>
      %or3A_537 = arith.ori %eq3A_535, %eq3A_536 : vector<16xi1>
      %select_n3A_538 = arith.select %or3A_537, %select_n3A_519, %gather3A_525 : vector<16xi1>, vector<16xf32>
      %select_n3A_539 = arith.select %or3A_537, %select_n3A_520, %gather3A_526 : vector<16xi1>, vector<16xi32>
      %swap3A_540 = arith.constant 0 : index
      %swap3A_541 = tpu.vector_load %arg11[%swap3A_540] {strides = array<i32>} : memref<16xf32, #tpu.memory_space<vmem>>, vector<16xf32>,
      tpu.vector_store %arg11[%swap3A_540], %select_n3A_538 {strides = array<i32>} : memref<16xf32, #tpu.memory_space<vmem>>, vector<16xf32>,
      %swap3A_542 = arith.constant 0 : index
      %swap3A_543 = tpu.vector_load %arg12[%swap3A_542] {strides = array<i32>} : memref<16xi32, #tpu.memory_space<vmem>>, vector<16xi32>,
      tpu.vector_store %arg12[%swap3A_542], %select_n3A_539 {strides = array<i32>} : memref<16xi32, #tpu.memory_space<vmem>>, vector<16xi32>,
      %gather3A_544 = tpu.vector_load_idx %arg11[%xor3A_345] : memref<16xf32, #tpu.memory_space<vmem>>[vector<16xi32>], vector<16xf32>,
      %gather3A_545 = tpu.vector_load_idx %arg12[%xor3A_345] : memref<16xi32, #tpu.memory_space<vmem>>[vector<16xi32>], vector<16xi32>,
      %lt3A_546 = arith.cmpi slt, %iota3A, %xor3A_345 : vector<16xi32>
      %gt3A_547 = arith.cmpf ogt, %select_n3A_538, %gather3A_544 : vector<16xf32>
      %eq3A_548 = arith.cmpf oeq, %select_n3A_538, %gather3A_544 : vector<16xf32>
      %lt3A_549 = arith.cmpi slt, %select_n3A_539, %gather3A_545 : vector<16xi32>
      %and3A_550 = arith.andi %eq3A_548, %lt3A_549 : vector<16xi1>
      %or3A_551 = arith.ori %gt3A_547, %and3A_550 : vector<16xi1>
      %eq3A_552 = arith.xori %or3A_551, %lt3A_546 : vector<16xi1>
      %eq3A_553 = arith.constant dense<true> : vector<16xi1>
      %eq3A_554 = arith.xori %eq3A_552, %eq3A_553 : vector<16xi1>
      %eq3A_555 = arith.cmpi eq, %xor3A_345, %iota3A : vector<16xi32>
      %or3A_556 = arith.ori %eq3A_554, %eq3A_555 : vector<16xi1>
      %select_n3A_557 = arith.select %or3A_556, %select_n3A_538, %gather3A_544 : vector<16xi1>, vector<16xf32>
      %select_n3A_558 = arith.select %or3A_556, %select_n3A_539, %gather3A_545 : vector<16xi1>, vector<16xi32>
      %swap3A_559 = arith.constant 0 : index
      %swap3A_560 = tpu.vector_load %arg11[%swap3A_559] {strides = array<i32>} : memref<16xf32, #tpu.memory_space<vmem>>, vector<16xf32>,
      tpu.vector_store %arg11[%swap3A_559], %select_n3A_557 {strides = array<i32>} : memref<16xf32, #tpu.memory_space<vmem>>, vector<16xf32>,
      %swap3A_561 = arith.constant 0 : index
      %swap3A_562 = tpu.vector_load %arg12[%swap3A_561] {strides = array<i32>} : memref<16xi32, #tpu.memory_space<vmem>>, vector<16xi32>,
      tpu.vector_store %arg12[%swap3A_561], %select_n3A_558 {strides = array<i32>} : memref<16xi32, #tpu.memory_space<vmem>>, vector<16xi32>,
      %gather3A_563 = tpu.vector_load_idx %arg11[%min3A_360] : memref<16xf32, #tpu.memory_space<vmem>>[vector<16xi32>], vector<16xf32>,
      %gather3A_564 = tpu.vector_load_idx %arg12[%min3A_360] : memref<16xi32, #tpu.memory_space<vmem>>[vector<16xi32>], vector<16xi32>,
      %lt3A_565 = arith.cmpi slt, %iota3A, %min3A_360 : vector<16xi32>
      %gt3A_566 = arith.cmpf ogt, %select_n3A_557, %gather3A_563 : vector<16xf32>
      %eq3A_567 = arith.cmpf oeq, %select_n3A_557, %gather3A_563 : vector<16xf32>
      %lt3A_568 = arith.cmpi slt, %select_n3A_558, %gather3A_564 : vector<16xi32>
      %and3A_569 = arith.andi %eq3A_567, %lt3A_568 : vector<16xi1>
      %or3A_570 = arith.ori %gt3A_566, %and3A_569 : vector<16xi1>
      %eq3A_571 = arith.xori %or3A_570, %lt3A_565 : vector<16xi1>
      %eq3A_572 = arith.constant dense<true> : vector<16xi1>
      %eq3A_573 = arith.xori %eq3A_571, %eq3A_572 : vector<16xi1>
      %eq3A_574 = arith.cmpi eq, %min3A_360, %iota3A : vector<16xi32>
      %or3A_575 = arith.ori %eq3A_573, %eq3A_574 : vector<16xi1>
      %select_n3A_576 = arith.select %or3A_575, %select_n3A_557, %gather3A_563 : vector<16xi1>, vector<16xf32>
      %select_n3A_577 = arith.select %or3A_575, %select_n3A_558, %gather3A_564 : vector<16xi1>, vector<16xi32>
      %rev3A = arith.constant 15 : i32
      %rev3A_578 = vector.broadcast %rev3A : i32 to vector<16xi32>
      %rev3A_579 = tpu.iota {dimensions = array<i32: 0>} : vector<16xi32>
      %rev3A_580 = arith.subi %rev3A_578, %rev3A_579 : vector<16xi32>
      %rev3A_581 = tpu.dynamic_gather %select_n3A_576[%rev3A_580] in [0] : vector<16xf32>, vector<16xi32> -> vector<16xf32>
      %rev3A_582 = arith.constant 15 : i32
      %rev3A_583 = vector.broadcast %rev3A_582 : i32 to vector<16xi32>
      %rev3A_584 = tpu.iota {dimensions = array<i32: 0>} : vector<16xi32>
      %rev3A_585 = arith.subi %rev3A_583, %rev3A_584 : vector<16xi32>
      %rev3A_586 = tpu.dynamic_gather %select_n3A_577[%rev3A_585] in [0] : vector<16xi32>, vector<16xi32> -> vector<16xi32>
      %gt3A_587 = arith.cmpf ogt, %while3A_491, %rev3A_581 : vector<16xf32>
      %eq3A_588 = arith.cmpf oeq, %while3A_491, %rev3A_581 : vector<16xf32>
      %lt3A_589 = arith.cmpi slt, %while3A_492, %rev3A_586 : vector<16xi32>
      %and3A_590 = arith.andi %eq3A_588, %lt3A_589 : vector<16xi1>
      %or3A_591 = arith.ori %gt3A_587, %and3A_590 : vector<16xi1>
      %select_n3A_592 = arith.select %or3A_591, %while3A_491, %rev3A_581 : vector<16xi1>, vector<16xf32>
      %select_n3A_593 = arith.select %or3A_591, %while3A_492, %rev3A_586 : vector<16xi1>, vector<16xi32>
      %swap3A_594 = arith.constant 0 : index
      %swap3A_595 = tpu.vector_load %arg11[%swap3A_594] {strides = array<i32>} : memref<16xf32, #tpu.memory_space<vmem>>, vector<16xf32>,
      tpu.vector_store %arg11[%swap3A_594], %select_n3A_592 {strides = array<i32>} : memref<16xf32, #tpu.memory_space<vmem>>, vector<16xf32>,
      %swap3A_596 = arith.constant 0 : index
      %swap3A_597 = tpu.vector_load %arg12[%swap3A_596] {strides = array<i32>} : memref<16xi32, #tpu.memory_space<vmem>>, vector<16xi32>,
      tpu.vector_store %arg12[%swap3A_596], %select_n3A_593 {strides = array<i32>} : memref<16xi32, #tpu.memory_space<vmem>>, vector<16xi32>,
      %gather3A_598 = tpu.vector_load_idx %arg11[%xor3A_363] : memref<16xf32, #tpu.memory_space<vmem>>[vector<16xi32>], vector<16xf32>,
      %gather3A_599 = tpu.vector_load_idx %arg12[%xor3A_363] : memref<16xi32, #tpu.memory_space<vmem>>[vector<16xi32>], vector<16xi32>,
      %lt3A_600 = arith.cmpi slt, %iota3A, %xor3A_363 : vector<16xi32>
      %gt3A_601 = arith.cmpf ogt, %select_n3A_592, %gather3A_598 : vector<16xf32>
      %eq3A_602 = arith.cmpf oeq, %select_n3A_592, %gather3A_598 : vector<16xf32>
      %lt3A_603 = arith.cmpi slt, %select_n3A_593, %gather3A_599 : vector<16xi32>
      %and3A_604 = arith.andi %eq3A_602, %lt3A_603 : vector<16xi1>
      %or3A_605 = arith.ori %gt3A_601, %and3A_604 : vector<16xi1>
      %eq3A_606 = arith.xori %or3A_605, %lt3A_600 : vector<16xi1>
      %eq3A_607 = arith.constant dense<true> : vector<16xi1>
      %eq3A_608 = arith.xori %eq3A_606, %eq3A_607 : vector<16xi1>
      %eq3A_609 = arith.cmpi eq, %xor3A_363, %iota3A : vector<16xi32>
      %or3A_610 = arith.ori %eq3A_608, %eq3A_609 : vector<16xi1>
      %select_n3A_611 = arith.select %or3A_610, %select_n3A_592, %gather3A_598 : vector<16xi1>, vector<16xf32>
      %select_n3A_612 = arith.select %or3A_610, %select_n3A_593, %gather3A_599 : vector<16xi1>, vector<16xi32>
      %swap3A_613 = arith.constant 0 : index
      %swap3A_614 = tpu.vector_load %arg11[%swap3A_613] {strides = array<i32>} : memref<16xf32, #tpu.memory_space<vmem>>, vector<16xf32>,
      tpu.vector_store %arg11[%swap3A_613], %select_n3A_611 {strides = array<i32>} : memref<16xf32, #tpu.memory_space<vmem>>, vector<16xf32>,
      %swap3A_615 = arith.constant 0 : index
      %swap3A_616 = tpu.vector_load %arg12[%swap3A_615] {strides = array<i32>} : memref<16xi32, #tpu.memory_space<vmem>>, vector<16xi32>,
      tpu.vector_store %arg12[%swap3A_615], %select_n3A_612 {strides = array<i32>} : memref<16xi32, #tpu.memory_space<vmem>>, vector<16xi32>,
      %gather3A_617 = tpu.vector_load_idx %arg11[%xor3A_366] : memref<16xf32, #tpu.memory_space<vmem>>[vector<16xi32>], vector<16xf32>,
      %gather3A_618 = tpu.vector_load_idx %arg12[%xor3A_366] : memref<16xi32, #tpu.memory_space<vmem>>[vector<16xi32>], vector<16xi32>,
      %lt3A_619 = arith.cmpi slt, %iota3A, %xor3A_366 : vector<16xi32>
      %gt3A_620 = arith.cmpf ogt, %select_n3A_611, %gather3A_617 : vector<16xf32>
      %eq3A_621 = arith.cmpf oeq, %select_n3A_611, %gather3A_617 : vector<16xf32>
      %lt3A_622 = arith.cmpi slt, %select_n3A_612, %gather3A_618 : vector<16xi32>
      %and3A_623 = arith.andi %eq3A_621, %lt3A_622 : vector<16xi1>
      %or3A_624 = arith.ori %gt3A_620, %and3A_623 : vector<16xi1>
      %eq3A_625 = arith.xori %or3A_624, %lt3A_619 : vector<16xi1>
      %eq3A_626 = arith.constant dense<true> : vector<16xi1>
      %eq3A_627 = arith.xori %eq3A_625, %eq3A_626 : vector<16xi1>
      %eq3A_628 = arith.cmpi eq, %xor3A_366, %iota3A : vector<16xi32>
      %or3A_629 = arith.ori %eq3A_627, %eq3A_628 : vector<16xi1>
      %select_n3A_630 = arith.select %or3A_629, %select_n3A_611, %gather3A_617 : vector<16xi1>, vector<16xf32>
      %select_n3A_631 = arith.select %or3A_629, %select_n3A_612, %gather3A_618 : vector<16xi1>, vector<16xi32>
      %swap3A_632 = arith.constant 0 : index
      %swap3A_633 = tpu.vector_load %arg11[%swap3A_632] {strides = array<i32>} : memref<16xf32, #tpu.memory_space<vmem>>, vector<16xf32>,
      tpu.vector_store %arg11[%swap3A_632], %select_n3A_630 {strides = array<i32>} : memref<16xf32, #tpu.memory_space<vmem>>, vector<16xf32>,
      %swap3A_634 = arith.constant 0 : index
      %swap3A_635 = tpu.vector_load %arg12[%swap3A_634] {strides = array<i32>} : memref<16xi32, #tpu.memory_space<vmem>>, vector<16xi32>,
      tpu.vector_store %arg12[%swap3A_634], %select_n3A_631 {strides = array<i32>} : memref<16xi32, #tpu.memory_space<vmem>>, vector<16xi32>,
      %gather3A_636 = tpu.vector_load_idx %arg11[%xor3A_369] : memref<16xf32, #tpu.memory_space<vmem>>[vector<16xi32>], vector<16xf32>,
      %gather3A_637 = tpu.vector_load_idx %arg12[%xor3A_369] : memref<16xi32, #tpu.memory_space<vmem>>[vector<16xi32>], vector<16xi32>,
      %lt3A_638 = arith.cmpi slt, %iota3A, %xor3A_369 : vector<16xi32>
      %gt3A_639 = arith.cmpf ogt, %select_n3A_630, %gather3A_636 : vector<16xf32>
      %eq3A_640 = arith.cmpf oeq, %select_n3A_630, %gather3A_636 : vector<16xf32>
      %lt3A_641 = arith.cmpi slt, %select_n3A_631, %gather3A_637 : vector<16xi32>
      %and3A_642 = arith.andi %eq3A_640, %lt3A_641 : vector<16xi1>
      %or3A_643 = arith.ori %gt3A_639, %and3A_642 : vector<16xi1>
      %eq3A_644 = arith.xori %or3A_643, %lt3A_638 : vector<16xi1>
      %eq3A_645 = arith.constant dense<true> : vector<16xi1>
      %eq3A_646 = arith.xori %eq3A_644, %eq3A_645 : vector<16xi1>
      %eq3A_647 = arith.cmpi eq, %xor3A_369, %iota3A : vector<16xi32>
      %or3A_648 = arith.ori %eq3A_646, %eq3A_647 : vector<16xi1>
      %select_n3A_649 = arith.select %or3A_648, %select_n3A_630, %gather3A_636 : vector<16xi1>, vector<16xf32>
      %select_n3A_650 = arith.select %or3A_648, %select_n3A_631, %gather3A_637 : vector<16xi1>, vector<16xi32>
      %swap3A_651 = arith.constant 0 : index
      %swap3A_652 = tpu.vector_load %arg11[%swap3A_651] {strides = array<i32>} : memref<16xf32, #tpu.memory_space<vmem>>, vector<16xf32>,
      tpu.vector_store %arg11[%swap3A_651], %select_n3A_649 {strides = array<i32>} : memref<16xf32, #tpu.memory_space<vmem>>, vector<16xf32>,
      %swap3A_653 = arith.constant 0 : index
      %swap3A_654 = tpu.vector_load %arg12[%swap3A_653] {strides = array<i32>} : memref<16xi32, #tpu.memory_space<vmem>>, vector<16xi32>,
      tpu.vector_store %arg12[%swap3A_653], %select_n3A_650 {strides = array<i32>} : memref<16xi32, #tpu.memory_space<vmem>>, vector<16xi32>,
      %gather3A_655 = tpu.vector_load_idx %arg11[%xor3A_372] : memref<16xf32, #tpu.memory_space<vmem>>[vector<16xi32>], vector<16xf32>,
      %gather3A_656 = tpu.vector_load_idx %arg12[%xor3A_372] : memref<16xi32, #tpu.memory_space<vmem>>[vector<16xi32>], vector<16xi32>,
      %lt3A_657 = arith.cmpi slt, %iota3A, %xor3A_372 : vector<16xi32>
      %gt3A_658 = arith.cmpf ogt, %select_n3A_649, %gather3A_655 : vector<16xf32>
      %eq3A_659 = arith.cmpf oeq, %select_n3A_649, %gather3A_655 : vector<16xf32>
      %lt3A_660 = arith.cmpi slt, %select_n3A_650, %gather3A_656 : vector<16xi32>
      %and3A_661 = arith.andi %eq3A_659, %lt3A_660 : vector<16xi1>
      %or3A_662 = arith.ori %gt3A_658, %and3A_661 : vector<16xi1>
      %eq3A_663 = arith.xori %or3A_662, %lt3A_657 : vector<16xi1>
      %eq3A_664 = arith.constant dense<true> : vector<16xi1>
      %eq3A_665 = arith.xori %eq3A_663, %eq3A_664 : vector<16xi1>
      %eq3A_666 = arith.cmpi eq, %xor3A_372, %iota3A : vector<16xi32>
      %or3A_667 = arith.ori %eq3A_665, %eq3A_666 : vector<16xi1>
      %select_n3A_668 = arith.select %or3A_667, %select_n3A_649, %gather3A_655 : vector<16xi1>, vector<16xf32>
      %select_n3A_669 = arith.select %or3A_667, %select_n3A_650, %gather3A_656 : vector<16xi1>, vector<16xi32>
      %add3A_670 = arith.constant 16 : i32
      %add3A_671 = arith.addi %while3A_490, %add3A_670 : i32
      scf.yield %add3A_671, %select_n3A_668, %select_n3A_669 : i32, vector<16xf32>, vector<16xi32>
    }
    %swap3A_377 = arith.constant 32 : index
    %swap3A_378 = tpu.vector_load %arg13[%swap3A_377] {strides = array<i32>} : memref<64xf32, #tpu.memory_space<vmem>>, vector<16xf32>,
    tpu.vector_store %arg13[%swap3A_377], %while3A_376#1 {strides = array<i32>} : memref<64xf32, #tpu.memory_space<vmem>>, vector<16xf32>,
    %swap3A_379 = arith.constant 32 : index
    %swap3A_380 = tpu.vector_load %arg14[%swap3A_379] {strides = array<i32>} : memref<64xi32, #tpu.memory_space<vmem>>, vector<16xi32>,
    tpu.vector_store %arg14[%swap3A_379], %while3A_376#2 {strides = array<i32>} : memref<64xi32, #tpu.memory_space<vmem>>, vector<16xi32>,
    %dma_wait3A_381 = arith.constant 0 : i32
    %dma_wait3A_382 = tpu.memref_slice %arg7[%dma_wait3A_381] : memref<32896xf32, #tpu.memory_space<vmem>> -> memref<32768xf32, #tpu.memory_space<vmem>>
    %dma_wait3A_383 = arith.constant 0 : i32
    %dma_wait3A_384 = tpu.memref_slice %arg2[%add3A_267, %dma_wait3A_383] : memref<128x32768xf32, #tpu.memory_space<hbm>> -> memref<1x32768xf32, #tpu.memory_space<hbm>>
    %dma_wait3A_385 = tpu.memref_squeeze %dma_wait3A_384 : memref<1x32768xf32, #tpu.memory_space<hbm>> -> memref<32768xf32, #tpu.memory_space<hbm>>
    %dma_wait3A_386 = arith.constant 0 : i32
    %dma_wait3A_387 = tpu.memref_slice %arg7[%dma_wait3A_386] : memref<32896xf32, #tpu.memory_space<vmem>> -> memref<32768xf32, #tpu.memory_space<vmem>>
    %dma_wait3A_388 = arith.constant 0 : i32
    %dma_wait3A_389 = tpu.memref_slice %arg2[%add3A_267, %dma_wait3A_388] : memref<128x32768xf32, #tpu.memory_space<hbm>> -> memref<1x32768xf32, #tpu.memory_space<hbm>>
    %dma_wait3A_390 = tpu.memref_squeeze %dma_wait3A_389 : memref<1x32768xf32, #tpu.memory_space<hbm>> -> memref<32768xf32, #tpu.memory_space<hbm>>
    tpu.wait_dma2 semaphore(%arg17 : memref<!tpu.dma_semaphore, #tpu.memory_space<semaphore_mem>>) src(%dma_wait3A_390 : memref<32768xf32, #tpu.memory_space<hbm>>) dst(%dma_wait3A_387 : memref<32768xf32, #tpu.memory_space<vmem>>)
    %broadcast_in_dim3A_391 = arith.constant 0xFF800000 : f32
    %broadcast_in_dim3A_392 = vector.broadcast %broadcast_in_dim3A_391 : f32 to vector<16xf32>
    %parallel_loop3A_393 = arith.constant 0 : i32
    %parallel_loop3A_394 = arith.constant 256 : i32
    %parallel_loop3A_395 = arith.constant 1 : i32
    %parallel_loop3A_396 = scf.for %parallel_loop3A_490 = %parallel_loop3A_393 to %parallel_loop3A_394 step %parallel_loop3A_395 iter_args(%parallel_loop3A_491 = %broadcast_in_dim3A_392) -> (vector<16xf32>)  : i32 {
      %parallel_loop3A_492 = arith.constant 128 : i32
      %parallel_loop3A_493 = arith.muli %parallel_loop3A_490, %parallel_loop3A_492 : i32
      %parallel_loop3A_494 = arith.index_cast %parallel_loop3A_493 : i32 to index
      %parallel_loop3A_495 = tpu.vector_load %arg7[%parallel_loop3A_494] {strides = array<i32>} : memref<32896xf32, #tpu.memory_space<vmem>>, vector<16xf32>,
      %parallel_loop3A_496 = arith.constant 128 : i32
      %parallel_loop3A_497 = arith.muli %parallel_loop3A_490, %parallel_loop3A_496 : i32
      %parallel_loop3A_498 = arith.constant 16 : i32
      %parallel_loop3A_499 = arith.addi %parallel_loop3A_497, %parallel_loop3A_498 : i32
      %parallel_loop3A_500 = arith.index_cast %parallel_loop3A_499 : i32 to index
      %parallel_loop3A_501 = tpu.vector_load %arg7[%parallel_loop3A_500] {strides = array<i32>} : memref<32896xf32, #tpu.memory_space<vmem>>, vector<16xf32>,
      %parallel_loop3A_502 = arith.maximumf %parallel_loop3A_495, %parallel_loop3A_501 : vector<16xf32>
      %parallel_loop3A_503 = arith.constant 128 : i32
      %parallel_loop3A_504 = arith.muli %parallel_loop3A_490, %parallel_loop3A_503 : i32
      %parallel_loop3A_505 = arith.constant 32 : i32
      %parallel_loop3A_506 = arith.addi %parallel_loop3A_504, %parallel_loop3A_505 : i32
      %parallel_loop3A_507 = arith.index_cast %parallel_loop3A_506 : i32 to index
      %parallel_loop3A_508 = tpu.vector_load %arg7[%parallel_loop3A_507] {strides = array<i32>} : memref<32896xf32, #tpu.memory_space<vmem>>, vector<16xf32>,
      %parallel_loop3A_509 = arith.maximumf %parallel_loop3A_502, %parallel_loop3A_508 : vector<16xf32>
      %parallel_loop3A_510 = arith.constant 128 : i32
      %parallel_loop3A_511 = arith.muli %parallel_loop3A_490, %parallel_loop3A_510 : i32
      %parallel_loop3A_512 = arith.constant 48 : i32
      %parallel_loop3A_513 = arith.addi %parallel_loop3A_511, %parallel_loop3A_512 : i32
      %parallel_loop3A_514 = arith.index_cast %parallel_loop3A_513 : i32 to index
      %parallel_loop3A_515 = tpu.vector_load %arg7[%parallel_loop3A_514] {strides = array<i32>} : memref<32896xf32, #tpu.memory_space<vmem>>, vector<16xf32>,
      %parallel_loop3A_516 = arith.maximumf %parallel_loop3A_509, %parallel_loop3A_515 : vector<16xf32>
      %parallel_loop3A_517 = arith.constant 128 : i32
      %parallel_loop3A_518 = arith.muli %parallel_loop3A_490, %parallel_loop3A_517 : i32
      %parallel_loop3A_519 = arith.constant 64 : i32
      %parallel_loop3A_520 = arith.addi %parallel_loop3A_518, %parallel_loop3A_519 : i32
      %parallel_loop3A_521 = arith.index_cast %parallel_loop3A_520 : i32 to index
      %parallel_loop3A_522 = tpu.vector_load %arg7[%parallel_loop3A_521] {strides = array<i32>} : memref<32896xf32, #tpu.memory_space<vmem>>, vector<16xf32>,
      %parallel_loop3A_523 = arith.maximumf %parallel_loop3A_516, %parallel_loop3A_522 : vector<16xf32>
      %parallel_loop3A_524 = arith.constant 128 : i32
      %parallel_loop3A_525 = arith.muli %parallel_loop3A_490, %parallel_loop3A_524 : i32
      %parallel_loop3A_526 = arith.constant 80 : i32
      %parallel_loop3A_527 = arith.addi %parallel_loop3A_525, %parallel_loop3A_526 : i32
      %parallel_loop3A_528 = arith.index_cast %parallel_loop3A_527 : i32 to index
      %parallel_loop3A_529 = tpu.vector_load %arg7[%parallel_loop3A_528] {strides = array<i32>} : memref<32896xf32, #tpu.memory_space<vmem>>, vector<16xf32>,
      %parallel_loop3A_530 = arith.maximumf %parallel_loop3A_523, %parallel_loop3A_529 : vector<16xf32>
      %parallel_loop3A_531 = arith.constant 128 : i32
      %parallel_loop3A_532 = arith.muli %parallel_loop3A_490, %parallel_loop3A_531 : i32
      %parallel_loop3A_533 = arith.constant 96 : i32
      %parallel_loop3A_534 = arith.addi %parallel_loop3A_532, %parallel_loop3A_533 : i32
      %parallel_loop3A_535 = arith.index_cast %parallel_loop3A_534 : i32 to index
      %parallel_loop3A_536 = tpu.vector_load %arg7[%parallel_loop3A_535] {strides = array<i32>} : memref<32896xf32, #tpu.memory_space<vmem>>, vector<16xf32>,
      %parallel_loop3A_537 = arith.maximumf %parallel_loop3A_530, %parallel_loop3A_536 : vector<16xf32>
      %parallel_loop3A_538 = arith.constant 128 : i32
      %parallel_loop3A_539 = arith.muli %parallel_loop3A_490, %parallel_loop3A_538 : i32
      %parallel_loop3A_540 = arith.constant 112 : i32
      %parallel_loop3A_541 = arith.addi %parallel_loop3A_539, %parallel_loop3A_540 : i32
      %parallel_loop3A_542 = arith.index_cast %parallel_loop3A_541 : i32 to index
      %parallel_loop3A_543 = tpu.vector_load %arg7[%parallel_loop3A_542] {strides = array<i32>} : memref<32896xf32, #tpu.memory_space<vmem>>, vector<16xf32>,
      %parallel_loop3A_544 = arith.maximumf %parallel_loop3A_537, %parallel_loop3A_543 : vector<16xf32>
      %parallel_loop3A_545 = arith.constant 16 : i32
      %parallel_loop3A_546 = arith.muli %parallel_loop3A_490, %parallel_loop3A_545 : i32
      %parallel_loop3A_547 = arith.index_cast %parallel_loop3A_546 : i32 to index
      %parallel_loop3A_548 = tpu.vector_load %arg9[%parallel_loop3A_547] {strides = array<i32>} : memref<4096xf32, #tpu.memory_space<vmem>>, vector<16xf32>,
      tpu.vector_store %arg9[%parallel_loop3A_547], %parallel_loop3A_544 {strides = array<i32>} : memref<4096xf32, #tpu.memory_space<vmem>>, vector<16xf32>,
      %parallel_loop3A_549 = arith.maximumf %parallel_loop3A_491, %parallel_loop3A_544 : vector<16xf32>
      scf.yield %parallel_loop3A_549 : vector<16xf32>
    } {sc.loop_unroll_factor = 4 : i64, sc.parallel_access}
    %reduce_min3A_397 = arith.constant true
    %reduce_min3A_398 = vector.broadcast %reduce_min3A_397 : i1 to vector<16xi1>
    %reduce_min3A_399 = tpu.scan <min>, %parallel_loop3A_396 masked %reduce_min3A_398 : vector<16xf32>, vector<16xi1> -> vector<16xf32>
    %reduce_min3A_400 = vector.extract %reduce_min3A_399[15] : f32 from vector<16xf32>
    %broadcast_in_dim3A_401 = vector.broadcast %reduce_min3A_400 : f32 to vector<16xf32>
    %broadcast_in_dim3A_402 = arith.constant -1 : i32
    %broadcast_in_dim3A_403 = vector.broadcast %broadcast_in_dim3A_402 : i32 to vector<16xi32>
    %parallel_loop3A_404 = arith.constant 0 : i32
    %parallel_loop3A_405 = arith.constant 256 : i32
    %parallel_loop3A_406 = arith.constant 1 : i32
    %parallel_loop3A_407 = scf.for %parallel_loop3A_490 = %parallel_loop3A_404 to %parallel_loop3A_405 step %parallel_loop3A_406 iter_args(%parallel_loop3A_491 = %broadcast_in_dim3A_403) -> (vector<16xi32>)  : i32 {
      %parallel_loop3A_492 = arith.constant 16 : i32
      %parallel_loop3A_493 = arith.muli %parallel_loop3A_490, %parallel_loop3A_492 : i32
      %parallel_loop3A_494 = arith.index_cast %parallel_loop3A_493 : i32 to index
      %parallel_loop3A_495 = tpu.vector_load %arg9[%parallel_loop3A_494] {strides = array<i32>} : memref<4096xf32, #tpu.memory_space<vmem>>, vector<16xf32>,
      %parallel_loop3A_496 = arith.constant 16 : i32
      %parallel_loop3A_497 = arith.muli %parallel_loop3A_490, %parallel_loop3A_496 : i32
      %parallel_loop3A_498 = vector.broadcast %parallel_loop3A_497 : i32 to vector<16xi32>
      %parallel_loop3A_499 = arith.addi %iota3A, %parallel_loop3A_498 : vector<16xi32>
      %parallel_loop3A_500 = arith.cmpf oge, %parallel_loop3A_495, %broadcast_in_dim3A_401 : vector<16xf32>
      %parallel_loop3A_501 = arith.extui %parallel_loop3A_500 : vector<16xi1> to vector<16xi32>
      %parallel_loop3A_502 = arith.constant true
      %parallel_loop3A_503 = vector.broadcast %parallel_loop3A_502 : i1 to vector<16xi1>
      %parallel_loop3A_504 = tpu.scan <sum>, %parallel_loop3A_501 masked %parallel_loop3A_503 : vector<16xi32>, vector<16xi1> -> vector<16xi32>
      %parallel_loop3A_505 = arith.addi %parallel_loop3A_491, %parallel_loop3A_504 : vector<16xi32>
      tpu.vector_store_idx %arg10[%parallel_loop3A_505], %parallel_loop3A_499 masked %parallel_loop3A_500 : memref<4112xi32, #tpu.memory_space<vmem>>[vector<16xi32>], vector<16xi32>, vector<16xi1>
      %parallel_loop3A_506 = tpu.all_reduce %parallel_loop3A_500 {dim = 0 : i64, kind = #tpu.reduction_kind<sum>} : vector<16xi1> -> vector<16xi32>
      %parallel_loop3A_507 = arith.addi %parallel_loop3A_491, %parallel_loop3A_506 : vector<16xi32>
      scf.yield %parallel_loop3A_507 : vector<16xi32>
    } {sc.loop_unroll_factor = 4 : i64, sc.parallel_access}
    %reduce_max3A_408 = arith.constant true
    %reduce_max3A_409 = vector.broadcast %reduce_max3A_408 : i1 to vector<16xi1>
    %reduce_max3A_410 = arith.constant -2147483648 : i32
    %reduce_max3A_411 = vector.broadcast %reduce_max3A_410 : i32 to vector<16xi32>
    %reduce_max3A_412 = arith.xori %parallel_loop3A_407, %reduce_max3A_411 : vector<16xi32>
    %reduce_max3A_413 = tpu.scan <max>, %reduce_max3A_412 masked %reduce_max3A_409 : vector<16xi32>, vector<16xi1> -> vector<16xi32>
    %reduce_max3A_414 = arith.xori %reduce_max3A_413, %reduce_max3A_411 : vector<16xi32>
    %reduce_max3A_415 = vector.extract %reduce_max3A_414[15] : i32 from vector<16xi32>
    %add3A_416 = arith.constant 1 : i32
    %add3A_417 = arith.addi %reduce_max3A_415, %add3A_416 : i32
    %add3A_418 = vector.broadcast %add3A_417 : i32 to vector<16xi32>
    %add3A_419 = arith.addi %add3A_418, %iota3A : vector<16xi32>
    %broadcast_in_dim3A_420 = arith.constant 4096 : i32
    %broadcast_in_dim3A_421 = vector.broadcast %broadcast_in_dim3A_420 : i32 to vector<16xi32>
    tpu.vector_store_idx %arg10[%add3A_419], %broadcast_in_dim3A_421 : memref<4112xi32, #tpu.memory_space<vmem>>[vector<16xi32>], vector<16xi32>,
    %ge3A_422 = arith.constant 8 : i32
    %ge3A_423 = vector.broadcast %ge3A_422 : i32 to vector<16xi32>
    %ge3A_424 = arith.cmpi sge, %iota3A, %ge3A_423 : vector<16xi32>
    %convert_element_type3A_425 = arith.extui %ge3A_424 : vector<16xi1> to vector<16xi32>
    %and3A_426 = arith.constant 7 : i32
    %and3A_427 = vector.broadcast %and3A_426 : i32 to vector<16xi32>
    %and3A_428 = arith.andi %iota3A, %and3A_427 : vector<16xi32>
    %shift_left3A_429 = arith.constant 4 : i32
    %shift_left3A_430 = vector.broadcast %shift_left3A_429 : i32 to vector<16xi32>
    %shift_left3A_431 = arith.shli %and3A_428, %shift_left3A_430 : vector<16xi32>
    %broadcast_in_dim3A_432 = arith.constant -1 : i32
    %broadcast_in_dim3A_433 = vector.broadcast %broadcast_in_dim3A_432 : i32 to vector<16xi32>
    %while3A_434 = arith.constant 0 : i32
    %while3A_435:2 = scf.while (%while3A_490 = %while3A_434, %while3A_491 = %broadcast_in_dim3A_433) : (i32, vector<16xi32>) -> (i32, vector<16xi32>) {
      %lt3A = arith.cmpi slt, %while3A_490, %add3A_417 : i32
      scf.condition(%lt3A) %while3A_490, %while3A_491 : i32, vector<16xi32>
    } do {
    ^bb0(%while3A_490: i32, %while3A_491: vector<16xi32>):
      %add3A_492 = vector.broadcast %while3A_490 : i32 to vector<16xi32>
      %add3A_493 = arith.addi %convert_element_type3A_425, %add3A_492 : vector<16xi32>
      %gather3A = tpu.vector_load_idx %arg10[%add3A_493] : memref<4112xi32, #tpu.memory_space<vmem>>[vector<16xi32>], vector<16xi32>,
      %and3A_494 = arith.constant -16 : i32
      %and3A_495 = vector.broadcast %and3A_494 : i32 to vector<16xi32>
      %and3A_496 = arith.andi %gather3A, %and3A_495 : vector<16xi32>
      %shift_left3A_497 = arith.constant 3 : i32
      %shift_left3A_498 = vector.broadcast %shift_left3A_497 : i32 to vector<16xi32>
      %shift_left3A_499 = arith.shli %and3A_496, %shift_left3A_498 : vector<16xi32>
      %and3A_500 = arith.constant 15 : i32
      %and3A_501 = vector.broadcast %and3A_500 : i32 to vector<16xi32>
      %and3A_502 = arith.andi %gather3A, %and3A_501 : vector<16xi32>
      %or3A = arith.ori %shift_left3A_499, %and3A_502 : vector<16xi32>
      %add3A_503 = arith.addi %or3A, %shift_left3A_431 : vector<16xi32>
      %gather3A_504 = tpu.vector_load_idx %arg7[%add3A_503] : memref<32896xf32, #tpu.memory_space<vmem>>[vector<16xi32>], vector<16xf32>,
      %ge3A_505 = arith.cmpf oge, %gather3A_504, %broadcast_in_dim3A_401 : vector<16xf32>
      %convert_element_type3A_506 = arith.extui %ge3A_505 : vector<16xi1> to vector<16xi32>
      %broadcast_in_dim3A_507 = arith.constant true
      %broadcast_in_dim3A_508 = vector.broadcast %broadcast_in_dim3A_507 : i1 to vector<16xi1>
      %masked_cumsum3A = tpu.scan <sum>, %convert_element_type3A_506 masked %broadcast_in_dim3A_508 : vector<16xi32>, vector<16xi1> -> vector<16xi32>
      %add3A_509 = arith.addi %while3A_491, %masked_cumsum3A : vector<16xi32>
      tpu.vector_store_idx %arg8[%add3A_509], %add3A_503 masked %ge3A_505 : memref<32768xi32, #tpu.memory_space<vmem>>[vector<16xi32>], vector<16xi32>, vector<16xi1>
      %all_reduce_population_count3A = tpu.all_reduce %ge3A_505 {dim = 0 : i64, kind = #tpu.reduction_kind<sum>} : vector<16xi1> -> vector<16xi32>
      %add3A_510 = arith.addi %while3A_491, %all_reduce_population_count3A : vector<16xi32>
      %add3A_511 = arith.constant 2 : i32
      %add3A_512 = arith.addi %while3A_490, %add3A_511 : i32
      scf.yield %add3A_512, %add3A_510 : i32, vector<16xi32>
    }
    %reduce_max3A_436 = arith.constant true
    %reduce_max3A_437 = vector.broadcast %reduce_max3A_436 : i1 to vector<16xi1>
    %reduce_max3A_438 = arith.constant -2147483648 : i32
    %reduce_max3A_439 = vector.broadcast %reduce_max3A_438 : i32 to vector<16xi32>
    %reduce_max3A_440 = arith.xori %while3A_435#1, %reduce_max3A_439 : vector<16xi32>
    %reduce_max3A_441 = tpu.scan <max>, %reduce_max3A_440 masked %reduce_max3A_437 : vector<16xi32>, vector<16xi1> -> vector<16xi32>
    %reduce_max3A_442 = arith.xori %reduce_max3A_441, %reduce_max3A_439 : vector<16xi32>
    %reduce_max3A_443 = vector.extract %reduce_max3A_442[15] : i32 from vector<16xi32>
    %add3A_444 = arith.constant 1 : i32
    %add3A_445 = arith.addi %reduce_max3A_443, %add3A_444 : i32
    %xor3A_446 = arith.constant 1 : i32
    %xor3A_447 = vector.broadcast %xor3A_446 : i32 to vector<16xi32>
    %xor3A_448 = arith.xori %iota3A, %xor3A_447 : vector<16xi32>
    %sub3A_449 = arith.constant 1 : i32
    %sub3A_450 = vector.broadcast %sub3A_449 : i32 to vector<16xi32>
    %sub3A_451 = arith.subi %iota3A, %sub3A_450 : vector<16xi32>
    %xor3A_452 = arith.constant 1 : i32
    %xor3A_453 = vector.broadcast %xor3A_452 : i32 to vector<16xi32>
    %xor3A_454 = arith.xori %sub3A_451, %xor3A_453 : vector<16xi32>
    %add3A_455 = arith.constant 1 : i32
    %add3A_456 = vector.broadcast %add3A_455 : i32 to vector<16xi32>
    %add3A_457 = arith.addi %xor3A_454, %add3A_456 : vector<16xi32>
    %jit3A_458 = arith.constant 0 : i32
    %jit3A_459 = arith.constant 15 : i32
    %max3A_460 = vector.broadcast %jit3A_458 : i32 to vector<16xi32>
    %max3A_461 = arith.maxsi %max3A_460, %add3A_457 : vector<16xi32>
    %min3A_462 = vector.broadcast %jit3A_459 : i32 to vector<16xi32>
    %min3A_463 = arith.minsi %min3A_462, %max3A_461 : vector<16xi32>
    %xor3A_464 = arith.constant 8 : i32
    %xor3A_465 = vector.broadcast %xor3A_464 : i32 to vector<16xi32>
    %xor3A_466 = arith.xori %iota3A, %xor3A_465 : vector<16xi32>
    %xor3A_467 = arith.constant 4 : i32
    %xor3A_468 = vector.broadcast %xor3A_467 : i32 to vector<16xi32>
    %xor3A_469 = arith.xori %iota3A, %xor3A_468 : vector<16xi32>
    %xor3A_470 = arith.constant 2 : i32
    %xor3A_471 = vector.broadcast %xor3A_470 : i32 to vector<16xi32>
    %xor3A_472 = arith.xori %iota3A, %xor3A_471 : vector<16xi32>
    %xor3A_473 = arith.constant 1 : i32
    %xor3A_474 = vector.broadcast %xor3A_473 : i32 to vector<16xi32>
    %xor3A_475 = arith.xori %iota3A, %xor3A_474 : vector<16xi32>
    %broadcast_in_dim3A_476 = arith.constant 0xFF800000 : f32
    %broadcast_in_dim3A_477 = vector.broadcast %broadcast_in_dim3A_476 : f32 to vector<16xf32>
    %while3A_478 = arith.constant 0 : i32
    %while3A_479:3 = scf.while (%while3A_490 = %while3A_478, %while3A_491 = %broadcast_in_dim3A_477, %while3A_492 = %iota3A) : (i32, vector<16xf32>, vector<16xi32>) -> (i32, vector<16xf32>, vector<16xi32>) {
      %lt3A = arith.cmpi slt, %while3A_490, %add3A_445 : i32
      scf.condition(%lt3A) %while3A_490, %while3A_491, %while3A_492 : i32, vector<16xf32>, vector<16xi32>
    } do {
    ^bb0(%while3A_490: i32, %while3A_491: vector<16xf32>, %while3A_492: vector<16xi32>):
      %add3A_493 = vector.broadcast %while3A_490 : i32 to vector<16xi32>
      %add3A_494 = arith.addi %iota3A, %add3A_493 : vector<16xi32>
      %lt3A = vector.broadcast %add3A_445 : i32 to vector<16xi32>
      %lt3A_495 = arith.cmpi slt, %add3A_494, %lt3A : vector<16xi32>
      %get3A = arith.index_cast %while3A_490 : i32 to index
      %get3A_496 = tpu.vector_load %arg8[%get3A] {strides = array<i32>} : memref<32768xi32, #tpu.memory_space<vmem>>, vector<16xi32>,
      %jit3A_497 = arith.constant 0 : i32
      %broadcast_in_dim3A_498 = vector.broadcast %jit3A_497 : i32 to vector<16xi32>
      %select_n3A = arith.select %lt3A_495, %get3A_496, %broadcast_in_dim3A_498 : vector<16xi1>, vector<16xi32>
      %gather3A = tpu.vector_load_idx %arg7[%select_n3A] : memref<32896xf32, #tpu.memory_space<vmem>>[vector<16xi32>], vector<16xf32>,
      %jit3A_499 = arith.constant 0xFF800000 : f32
      %broadcast_in_dim3A_500 = vector.broadcast %jit3A_499 : f32 to vector<16xf32>
      %select_n3A_501 = arith.select %lt3A_495, %gather3A, %broadcast_in_dim3A_500 : vector<16xi1>, vector<16xf32>
      %masked_sort3A = arith.constant dense<true> : vector<16xi1>
      %masked_sort3A_502, %masked_sort3A_503, %masked_sort3A_504 = tpu.sort %select_n3A_501, %select_n3A masked %masked_sort3A {descending = true} : (vector<16xf32>, vector<16xi32>, vector<16xi1>) -> (vector<16xi1>, vector<16xf32>, vector<16xi32>)
      %swap3A_505 = arith.constant 0 : index
      %swap3A_506 = tpu.vector_load %arg11[%swap3A_505] {strides = array<i32>} : memref<16xf32, #tpu.memory_space<vmem>>, vector<16xf32>,
      tpu.vector_store %arg11[%swap3A_505], %masked_sort3A_503 {strides = array<i32>} : memref<16xf32, #tpu.memory_space<vmem>>, vector<16xf32>,
      %swap3A_507 = arith.constant 0 : index
      %swap3A_508 = tpu.vector_load %arg12[%swap3A_507] {strides = array<i32>} : memref<16xi32, #tpu.memory_space<vmem>>, vector<16xi32>,
      tpu.vector_store %arg12[%swap3A_507], %masked_sort3A_504 {strides = array<i32>} : memref<16xi32, #tpu.memory_space<vmem>>, vector<16xi32>,
      %gather3A_509 = tpu.vector_load_idx %arg11[%xor3A_448] : memref<16xf32, #tpu.memory_space<vmem>>[vector<16xi32>], vector<16xf32>,
      %gather3A_510 = tpu.vector_load_idx %arg12[%xor3A_448] : memref<16xi32, #tpu.memory_space<vmem>>[vector<16xi32>], vector<16xi32>,
      %lt3A_511 = arith.cmpi slt, %iota3A, %xor3A_448 : vector<16xi32>
      %gt3A = arith.cmpf ogt, %masked_sort3A_503, %gather3A_509 : vector<16xf32>
      %eq3A = arith.cmpf oeq, %masked_sort3A_503, %gather3A_509 : vector<16xf32>
      %lt3A_512 = arith.cmpi slt, %masked_sort3A_504, %gather3A_510 : vector<16xi32>
      %and3A_513 = arith.andi %eq3A, %lt3A_512 : vector<16xi1>
      %or3A = arith.ori %gt3A, %and3A_513 : vector<16xi1>
      %eq3A_514 = arith.xori %or3A, %lt3A_511 : vector<16xi1>
      %eq3A_515 = arith.constant dense<true> : vector<16xi1>
      %eq3A_516 = arith.xori %eq3A_514, %eq3A_515 : vector<16xi1>
      %eq3A_517 = arith.cmpi eq, %xor3A_448, %iota3A : vector<16xi32>
      %or3A_518 = arith.ori %eq3A_516, %eq3A_517 : vector<16xi1>
      %select_n3A_519 = arith.select %or3A_518, %masked_sort3A_503, %gather3A_509 : vector<16xi1>, vector<16xf32>
      %select_n3A_520 = arith.select %or3A_518, %masked_sort3A_504, %gather3A_510 : vector<16xi1>, vector<16xi32>
      %swap3A_521 = arith.constant 0 : index
      %swap3A_522 = tpu.vector_load %arg11[%swap3A_521] {strides = array<i32>} : memref<16xf32, #tpu.memory_space<vmem>>, vector<16xf32>,
      tpu.vector_store %arg11[%swap3A_521], %select_n3A_519 {strides = array<i32>} : memref<16xf32, #tpu.memory_space<vmem>>, vector<16xf32>,
      %swap3A_523 = arith.constant 0 : index
      %swap3A_524 = tpu.vector_load %arg12[%swap3A_523] {strides = array<i32>} : memref<16xi32, #tpu.memory_space<vmem>>, vector<16xi32>,
      tpu.vector_store %arg12[%swap3A_523], %select_n3A_520 {strides = array<i32>} : memref<16xi32, #tpu.memory_space<vmem>>, vector<16xi32>,
      %gather3A_525 = tpu.vector_load_idx %arg11[%min3A_463] : memref<16xf32, #tpu.memory_space<vmem>>[vector<16xi32>], vector<16xf32>,
      %gather3A_526 = tpu.vector_load_idx %arg12[%min3A_463] : memref<16xi32, #tpu.memory_space<vmem>>[vector<16xi32>], vector<16xi32>,
      %lt3A_527 = arith.cmpi slt, %iota3A, %min3A_463 : vector<16xi32>
      %gt3A_528 = arith.cmpf ogt, %select_n3A_519, %gather3A_525 : vector<16xf32>
      %eq3A_529 = arith.cmpf oeq, %select_n3A_519, %gather3A_525 : vector<16xf32>
      %lt3A_530 = arith.cmpi slt, %select_n3A_520, %gather3A_526 : vector<16xi32>
      %and3A_531 = arith.andi %eq3A_529, %lt3A_530 : vector<16xi1>
      %or3A_532 = arith.ori %gt3A_528, %and3A_531 : vector<16xi1>
      %eq3A_533 = arith.xori %or3A_532, %lt3A_527 : vector<16xi1>
      %eq3A_534 = arith.constant dense<true> : vector<16xi1>
      %eq3A_535 = arith.xori %eq3A_533, %eq3A_534 : vector<16xi1>
      %eq3A_536 = arith.cmpi eq, %min3A_463, %iota3A : vector<16xi32>
      %or3A_537 = arith.ori %eq3A_535, %eq3A_536 : vector<16xi1>
      %select_n3A_538 = arith.select %or3A_537, %select_n3A_519, %gather3A_525 : vector<16xi1>, vector<16xf32>
      %select_n3A_539 = arith.select %or3A_537, %select_n3A_520, %gather3A_526 : vector<16xi1>, vector<16xi32>
      %swap3A_540 = arith.constant 0 : index
      %swap3A_541 = tpu.vector_load %arg11[%swap3A_540] {strides = array<i32>} : memref<16xf32, #tpu.memory_space<vmem>>, vector<16xf32>,
      tpu.vector_store %arg11[%swap3A_540], %select_n3A_538 {strides = array<i32>} : memref<16xf32, #tpu.memory_space<vmem>>, vector<16xf32>,
      %swap3A_542 = arith.constant 0 : index
      %swap3A_543 = tpu.vector_load %arg12[%swap3A_542] {strides = array<i32>} : memref<16xi32, #tpu.memory_space<vmem>>, vector<16xi32>,
      tpu.vector_store %arg12[%swap3A_542], %select_n3A_539 {strides = array<i32>} : memref<16xi32, #tpu.memory_space<vmem>>, vector<16xi32>,
      %gather3A_544 = tpu.vector_load_idx %arg11[%xor3A_448] : memref<16xf32, #tpu.memory_space<vmem>>[vector<16xi32>], vector<16xf32>,
      %gather3A_545 = tpu.vector_load_idx %arg12[%xor3A_448] : memref<16xi32, #tpu.memory_space<vmem>>[vector<16xi32>], vector<16xi32>,
      %lt3A_546 = arith.cmpi slt, %iota3A, %xor3A_448 : vector<16xi32>
      %gt3A_547 = arith.cmpf ogt, %select_n3A_538, %gather3A_544 : vector<16xf32>
      %eq3A_548 = arith.cmpf oeq, %select_n3A_538, %gather3A_544 : vector<16xf32>
      %lt3A_549 = arith.cmpi slt, %select_n3A_539, %gather3A_545 : vector<16xi32>
      %and3A_550 = arith.andi %eq3A_548, %lt3A_549 : vector<16xi1>
      %or3A_551 = arith.ori %gt3A_547, %and3A_550 : vector<16xi1>
      %eq3A_552 = arith.xori %or3A_551, %lt3A_546 : vector<16xi1>
      %eq3A_553 = arith.constant dense<true> : vector<16xi1>
      %eq3A_554 = arith.xori %eq3A_552, %eq3A_553 : vector<16xi1>
      %eq3A_555 = arith.cmpi eq, %xor3A_448, %iota3A : vector<16xi32>
      %or3A_556 = arith.ori %eq3A_554, %eq3A_555 : vector<16xi1>
      %select_n3A_557 = arith.select %or3A_556, %select_n3A_538, %gather3A_544 : vector<16xi1>, vector<16xf32>
      %select_n3A_558 = arith.select %or3A_556, %select_n3A_539, %gather3A_545 : vector<16xi1>, vector<16xi32>
      %swap3A_559 = arith.constant 0 : index
      %swap3A_560 = tpu.vector_load %arg11[%swap3A_559] {strides = array<i32>} : memref<16xf32, #tpu.memory_space<vmem>>, vector<16xf32>,
      tpu.vector_store %arg11[%swap3A_559], %select_n3A_557 {strides = array<i32>} : memref<16xf32, #tpu.memory_space<vmem>>, vector<16xf32>,
      %swap3A_561 = arith.constant 0 : index
      %swap3A_562 = tpu.vector_load %arg12[%swap3A_561] {strides = array<i32>} : memref<16xi32, #tpu.memory_space<vmem>>, vector<16xi32>,
      tpu.vector_store %arg12[%swap3A_561], %select_n3A_558 {strides = array<i32>} : memref<16xi32, #tpu.memory_space<vmem>>, vector<16xi32>,
      %gather3A_563 = tpu.vector_load_idx %arg11[%min3A_463] : memref<16xf32, #tpu.memory_space<vmem>>[vector<16xi32>], vector<16xf32>,
      %gather3A_564 = tpu.vector_load_idx %arg12[%min3A_463] : memref<16xi32, #tpu.memory_space<vmem>>[vector<16xi32>], vector<16xi32>,
      %lt3A_565 = arith.cmpi slt, %iota3A, %min3A_463 : vector<16xi32>
      %gt3A_566 = arith.cmpf ogt, %select_n3A_557, %gather3A_563 : vector<16xf32>
      %eq3A_567 = arith.cmpf oeq, %select_n3A_557, %gather3A_563 : vector<16xf32>
      %lt3A_568 = arith.cmpi slt, %select_n3A_558, %gather3A_564 : vector<16xi32>
      %and3A_569 = arith.andi %eq3A_567, %lt3A_568 : vector<16xi1>
      %or3A_570 = arith.ori %gt3A_566, %and3A_569 : vector<16xi1>
      %eq3A_571 = arith.xori %or3A_570, %lt3A_565 : vector<16xi1>
      %eq3A_572 = arith.constant dense<true> : vector<16xi1>
      %eq3A_573 = arith.xori %eq3A_571, %eq3A_572 : vector<16xi1>
      %eq3A_574 = arith.cmpi eq, %min3A_463, %iota3A : vector<16xi32>
      %or3A_575 = arith.ori %eq3A_573, %eq3A_574 : vector<16xi1>
      %select_n3A_576 = arith.select %or3A_575, %select_n3A_557, %gather3A_563 : vector<16xi1>, vector<16xf32>
      %select_n3A_577 = arith.select %or3A_575, %select_n3A_558, %gather3A_564 : vector<16xi1>, vector<16xi32>
      %rev3A = arith.constant 15 : i32
      %rev3A_578 = vector.broadcast %rev3A : i32 to vector<16xi32>
      %rev3A_579 = tpu.iota {dimensions = array<i32: 0>} : vector<16xi32>
      %rev3A_580 = arith.subi %rev3A_578, %rev3A_579 : vector<16xi32>
      %rev3A_581 = tpu.dynamic_gather %select_n3A_576[%rev3A_580] in [0] : vector<16xf32>, vector<16xi32> -> vector<16xf32>
      %rev3A_582 = arith.constant 15 : i32
      %rev3A_583 = vector.broadcast %rev3A_582 : i32 to vector<16xi32>
      %rev3A_584 = tpu.iota {dimensions = array<i32: 0>} : vector<16xi32>
      %rev3A_585 = arith.subi %rev3A_583, %rev3A_584 : vector<16xi32>
      %rev3A_586 = tpu.dynamic_gather %select_n3A_577[%rev3A_585] in [0] : vector<16xi32>, vector<16xi32> -> vector<16xi32>
      %gt3A_587 = arith.cmpf ogt, %while3A_491, %rev3A_581 : vector<16xf32>
      %eq3A_588 = arith.cmpf oeq, %while3A_491, %rev3A_581 : vector<16xf32>
      %lt3A_589 = arith.cmpi slt, %while3A_492, %rev3A_586 : vector<16xi32>
      %and3A_590 = arith.andi %eq3A_588, %lt3A_589 : vector<16xi1>
      %or3A_591 = arith.ori %gt3A_587, %and3A_590 : vector<16xi1>
      %select_n3A_592 = arith.select %or3A_591, %while3A_491, %rev3A_581 : vector<16xi1>, vector<16xf32>
      %select_n3A_593 = arith.select %or3A_591, %while3A_492, %rev3A_586 : vector<16xi1>, vector<16xi32>
      %swap3A_594 = arith.constant 0 : index
      %swap3A_595 = tpu.vector_load %arg11[%swap3A_594] {strides = array<i32>} : memref<16xf32, #tpu.memory_space<vmem>>, vector<16xf32>,
      tpu.vector_store %arg11[%swap3A_594], %select_n3A_592 {strides = array<i32>} : memref<16xf32, #tpu.memory_space<vmem>>, vector<16xf32>,
      %swap3A_596 = arith.constant 0 : index
      %swap3A_597 = tpu.vector_load %arg12[%swap3A_596] {strides = array<i32>} : memref<16xi32, #tpu.memory_space<vmem>>, vector<16xi32>,
      tpu.vector_store %arg12[%swap3A_596], %select_n3A_593 {strides = array<i32>} : memref<16xi32, #tpu.memory_space<vmem>>, vector<16xi32>,
      %gather3A_598 = tpu.vector_load_idx %arg11[%xor3A_466] : memref<16xf32, #tpu.memory_space<vmem>>[vector<16xi32>], vector<16xf32>,
      %gather3A_599 = tpu.vector_load_idx %arg12[%xor3A_466] : memref<16xi32, #tpu.memory_space<vmem>>[vector<16xi32>], vector<16xi32>,
      %lt3A_600 = arith.cmpi slt, %iota3A, %xor3A_466 : vector<16xi32>
      %gt3A_601 = arith.cmpf ogt, %select_n3A_592, %gather3A_598 : vector<16xf32>
      %eq3A_602 = arith.cmpf oeq, %select_n3A_592, %gather3A_598 : vector<16xf32>
      %lt3A_603 = arith.cmpi slt, %select_n3A_593, %gather3A_599 : vector<16xi32>
      %and3A_604 = arith.andi %eq3A_602, %lt3A_603 : vector<16xi1>
      %or3A_605 = arith.ori %gt3A_601, %and3A_604 : vector<16xi1>
      %eq3A_606 = arith.xori %or3A_605, %lt3A_600 : vector<16xi1>
      %eq3A_607 = arith.constant dense<true> : vector<16xi1>
      %eq3A_608 = arith.xori %eq3A_606, %eq3A_607 : vector<16xi1>
      %eq3A_609 = arith.cmpi eq, %xor3A_466, %iota3A : vector<16xi32>
      %or3A_610 = arith.ori %eq3A_608, %eq3A_609 : vector<16xi1>
      %select_n3A_611 = arith.select %or3A_610, %select_n3A_592, %gather3A_598 : vector<16xi1>, vector<16xf32>
      %select_n3A_612 = arith.select %or3A_610, %select_n3A_593, %gather3A_599 : vector<16xi1>, vector<16xi32>
      %swap3A_613 = arith.constant 0 : index
      %swap3A_614 = tpu.vector_load %arg11[%swap3A_613] {strides = array<i32>} : memref<16xf32, #tpu.memory_space<vmem>>, vector<16xf32>,
      tpu.vector_store %arg11[%swap3A_613], %select_n3A_611 {strides = array<i32>} : memref<16xf32, #tpu.memory_space<vmem>>, vector<16xf32>,
      %swap3A_615 = arith.constant 0 : index
      %swap3A_616 = tpu.vector_load %arg12[%swap3A_615] {strides = array<i32>} : memref<16xi32, #tpu.memory_space<vmem>>, vector<16xi32>,
      tpu.vector_store %arg12[%swap3A_615], %select_n3A_612 {strides = array<i32>} : memref<16xi32, #tpu.memory_space<vmem>>, vector<16xi32>,
      %gather3A_617 = tpu.vector_load_idx %arg11[%xor3A_469] : memref<16xf32, #tpu.memory_space<vmem>>[vector<16xi32>], vector<16xf32>,
      %gather3A_618 = tpu.vector_load_idx %arg12[%xor3A_469] : memref<16xi32, #tpu.memory_space<vmem>>[vector<16xi32>], vector<16xi32>,
      %lt3A_619 = arith.cmpi slt, %iota3A, %xor3A_469 : vector<16xi32>
      %gt3A_620 = arith.cmpf ogt, %select_n3A_611, %gather3A_617 : vector<16xf32>
      %eq3A_621 = arith.cmpf oeq, %select_n3A_611, %gather3A_617 : vector<16xf32>
      %lt3A_622 = arith.cmpi slt, %select_n3A_612, %gather3A_618 : vector<16xi32>
      %and3A_623 = arith.andi %eq3A_621, %lt3A_622 : vector<16xi1>
      %or3A_624 = arith.ori %gt3A_620, %and3A_623 : vector<16xi1>
      %eq3A_625 = arith.xori %or3A_624, %lt3A_619 : vector<16xi1>
      %eq3A_626 = arith.constant dense<true> : vector<16xi1>
      %eq3A_627 = arith.xori %eq3A_625, %eq3A_626 : vector<16xi1>
      %eq3A_628 = arith.cmpi eq, %xor3A_469, %iota3A : vector<16xi32>
      %or3A_629 = arith.ori %eq3A_627, %eq3A_628 : vector<16xi1>
      %select_n3A_630 = arith.select %or3A_629, %select_n3A_611, %gather3A_617 : vector<16xi1>, vector<16xf32>
      %select_n3A_631 = arith.select %or3A_629, %select_n3A_612, %gather3A_618 : vector<16xi1>, vector<16xi32>
      %swap3A_632 = arith.constant 0 : index
      %swap3A_633 = tpu.vector_load %arg11[%swap3A_632] {strides = array<i32>} : memref<16xf32, #tpu.memory_space<vmem>>, vector<16xf32>,
      tpu.vector_store %arg11[%swap3A_632], %select_n3A_630 {strides = array<i32>} : memref<16xf32, #tpu.memory_space<vmem>>, vector<16xf32>,
      %swap3A_634 = arith.constant 0 : index
      %swap3A_635 = tpu.vector_load %arg12[%swap3A_634] {strides = array<i32>} : memref<16xi32, #tpu.memory_space<vmem>>, vector<16xi32>,
      tpu.vector_store %arg12[%swap3A_634], %select_n3A_631 {strides = array<i32>} : memref<16xi32, #tpu.memory_space<vmem>>, vector<16xi32>,
      %gather3A_636 = tpu.vector_load_idx %arg11[%xor3A_472] : memref<16xf32, #tpu.memory_space<vmem>>[vector<16xi32>], vector<16xf32>,
      %gather3A_637 = tpu.vector_load_idx %arg12[%xor3A_472] : memref<16xi32, #tpu.memory_space<vmem>>[vector<16xi32>], vector<16xi32>,
      %lt3A_638 = arith.cmpi slt, %iota3A, %xor3A_472 : vector<16xi32>
      %gt3A_639 = arith.cmpf ogt, %select_n3A_630, %gather3A_636 : vector<16xf32>
      %eq3A_640 = arith.cmpf oeq, %select_n3A_630, %gather3A_636 : vector<16xf32>
      %lt3A_641 = arith.cmpi slt, %select_n3A_631, %gather3A_637 : vector<16xi32>
      %and3A_642 = arith.andi %eq3A_640, %lt3A_641 : vector<16xi1>
      %or3A_643 = arith.ori %gt3A_639, %and3A_642 : vector<16xi1>
      %eq3A_644 = arith.xori %or3A_643, %lt3A_638 : vector<16xi1>
      %eq3A_645 = arith.constant dense<true> : vector<16xi1>
      %eq3A_646 = arith.xori %eq3A_644, %eq3A_645 : vector<16xi1>
      %eq3A_647 = arith.cmpi eq, %xor3A_472, %iota3A : vector<16xi32>
      %or3A_648 = arith.ori %eq3A_646, %eq3A_647 : vector<16xi1>
      %select_n3A_649 = arith.select %or3A_648, %select_n3A_630, %gather3A_636 : vector<16xi1>, vector<16xf32>
      %select_n3A_650 = arith.select %or3A_648, %select_n3A_631, %gather3A_637 : vector<16xi1>, vector<16xi32>
      %swap3A_651 = arith.constant 0 : index
      %swap3A_652 = tpu.vector_load %arg11[%swap3A_651] {strides = array<i32>} : memref<16xf32, #tpu.memory_space<vmem>>, vector<16xf32>,
      tpu.vector_store %arg11[%swap3A_651], %select_n3A_649 {strides = array<i32>} : memref<16xf32, #tpu.memory_space<vmem>>, vector<16xf32>,
      %swap3A_653 = arith.constant 0 : index
      %swap3A_654 = tpu.vector_load %arg12[%swap3A_653] {strides = array<i32>} : memref<16xi32, #tpu.memory_space<vmem>>, vector<16xi32>,
      tpu.vector_store %arg12[%swap3A_653], %select_n3A_650 {strides = array<i32>} : memref<16xi32, #tpu.memory_space<vmem>>, vector<16xi32>,
      %gather3A_655 = tpu.vector_load_idx %arg11[%xor3A_475] : memref<16xf32, #tpu.memory_space<vmem>>[vector<16xi32>], vector<16xf32>,
      %gather3A_656 = tpu.vector_load_idx %arg12[%xor3A_475] : memref<16xi32, #tpu.memory_space<vmem>>[vector<16xi32>], vector<16xi32>,
      %lt3A_657 = arith.cmpi slt, %iota3A, %xor3A_475 : vector<16xi32>
      %gt3A_658 = arith.cmpf ogt, %select_n3A_649, %gather3A_655 : vector<16xf32>
      %eq3A_659 = arith.cmpf oeq, %select_n3A_649, %gather3A_655 : vector<16xf32>
      %lt3A_660 = arith.cmpi slt, %select_n3A_650, %gather3A_656 : vector<16xi32>
      %and3A_661 = arith.andi %eq3A_659, %lt3A_660 : vector<16xi1>
      %or3A_662 = arith.ori %gt3A_658, %and3A_661 : vector<16xi1>
      %eq3A_663 = arith.xori %or3A_662, %lt3A_657 : vector<16xi1>
      %eq3A_664 = arith.constant dense<true> : vector<16xi1>
      %eq3A_665 = arith.xori %eq3A_663, %eq3A_664 : vector<16xi1>
      %eq3A_666 = arith.cmpi eq, %xor3A_475, %iota3A : vector<16xi32>
      %or3A_667 = arith.ori %eq3A_665, %eq3A_666 : vector<16xi1>
      %select_n3A_668 = arith.select %or3A_667, %select_n3A_649, %gather3A_655 : vector<16xi1>, vector<16xf32>
      %select_n3A_669 = arith.select %or3A_667, %select_n3A_650, %gather3A_656 : vector<16xi1>, vector<16xi32>
      %add3A_670 = arith.constant 16 : i32
      %add3A_671 = arith.addi %while3A_490, %add3A_670 : i32
      scf.yield %add3A_671, %select_n3A_668, %select_n3A_669 : i32, vector<16xf32>, vector<16xi32>
    }
    %swap3A_480 = arith.constant 48 : index
    %swap3A_481 = tpu.vector_load %arg13[%swap3A_480] {strides = array<i32>} : memref<64xf32, #tpu.memory_space<vmem>>, vector<16xf32>,
    tpu.vector_store %arg13[%swap3A_480], %while3A_479#1 {strides = array<i32>} : memref<64xf32, #tpu.memory_space<vmem>>, vector<16xf32>,
    %swap3A_482 = arith.constant 48 : index
    %swap3A_483 = tpu.vector_load %arg14[%swap3A_482] {strides = array<i32>} : memref<64xi32, #tpu.memory_space<vmem>>, vector<16xi32>,
    tpu.vector_store %arg14[%swap3A_482], %while3A_479#2 {strides = array<i32>} : memref<64xi32, #tpu.memory_space<vmem>>, vector<16xi32>,
    %dma_start3A_484 = arith.constant 0 : i32
    %dma_start3A_485 = tpu.memref_slice %arg3[%dma_start3A_484] : memref<32768xi32, #tpu.memory_space<hbm>> -> memref<32768xi32, #tpu.memory_space<hbm>>
    tpu.enqueue_indirect_dma source(%dma_start3A_485 : memref<32768xi32, #tpu.memory_space<hbm>>) target(%arg15 : memref<64xi32, #tpu.memory_space<vmem>>) offsets(%arg14 : memref<64xi32, #tpu.memory_space<vmem>>) semaphore(%arg18 : memref<!tpu.dma_semaphore, #tpu.memory_space<semaphore_mem>>)
    %dma_wait3A_486 = arith.constant 0 : i32
    %dma_wait3A_487 = tpu.memref_slice %arg3[%dma_wait3A_486] : memref<32768xi32, #tpu.memory_space<hbm>> -> memref<32768xi32, #tpu.memory_space<hbm>>
    tpu.wait_indirect_dma semaphore(%arg18 : memref<!tpu.dma_semaphore, #tpu.memory_space<semaphore_mem>>) src(%dma_wait3A_487 : memref<32768xi32, #tpu.memory_space<hbm>>) dst(%arg15 : memref<64xi32, #tpu.memory_space<vmem>>)
    %mul3A_488 = arith.constant 16 : i32
    %mul3A_489 = arith.muli %mul3A_2, %mul3A_488 : i32
    "tpu.region"() ({
      %run_scoped3A = tpu.sem_alloc : memref<!tpu.dma_semaphore, #tpu.memory_space<semaphore_mem>>
      %dma_start3A_490 = tpu.memref_slice %arg4[%mul3A_489] : memref<2048xf32, #tpu.memory_space<hbm>> -> memref<64xf32, #tpu.memory_space<hbm>>
      %dma_start3A_491 = tpu.memref_slice %arg4[%mul3A_489] : memref<2048xf32, #tpu.memory_space<hbm>> -> memref<64xf32, #tpu.memory_space<hbm>>
      tpu.enqueue_dma source(%arg13 : memref<64xf32, #tpu.memory_space<vmem>>) target(%dma_start3A_491 : memref<64xf32, #tpu.memory_space<hbm>>) target_semaphore(%run_scoped3A : memref<!tpu.dma_semaphore, #tpu.memory_space<semaphore_mem>>)
      %dma_wait3A_492 = tpu.memref_slice %arg4[%mul3A_489] : memref<2048xf32, #tpu.memory_space<hbm>> -> memref<64xf32, #tpu.memory_space<hbm>>
      %dma_wait3A_493 = tpu.memref_slice %arg4[%mul3A_489] : memref<2048xf32, #tpu.memory_space<hbm>> -> memref<64xf32, #tpu.memory_space<hbm>>
      tpu.wait_dma2 semaphore(%run_scoped3A : memref<!tpu.dma_semaphore, #tpu.memory_space<semaphore_mem>>) src(%arg13 : memref<64xf32, #tpu.memory_space<vmem>>) dst(%dma_wait3A_493 : memref<64xf32, #tpu.memory_space<hbm>>)
      tpu.yield
    }) : () -> ()
    "tpu.region"() ({
      %run_scoped3A = tpu.sem_alloc : memref<!tpu.dma_semaphore, #tpu.memory_space<semaphore_mem>>
      %dma_start3A_490 = tpu.memref_slice %arg5[%mul3A_489] : memref<2048xi32, #tpu.memory_space<hbm>> -> memref<64xi32, #tpu.memory_space<hbm>>
      %dma_start3A_491 = tpu.memref_slice %arg5[%mul3A_489] : memref<2048xi32, #tpu.memory_space<hbm>> -> memref<64xi32, #tpu.memory_space<hbm>>
      tpu.enqueue_dma source(%arg15 : memref<64xi32, #tpu.memory_space<vmem>>) target(%dma_start3A_491 : memref<64xi32, #tpu.memory_space<hbm>>) target_semaphore(%run_scoped3A : memref<!tpu.dma_semaphore, #tpu.memory_space<semaphore_mem>>)
      %dma_wait3A_492 = tpu.memref_slice %arg5[%mul3A_489] : memref<2048xi32, #tpu.memory_space<hbm>> -> memref<64xi32, #tpu.memory_space<hbm>>
      %dma_wait3A_493 = tpu.memref_slice %arg5[%mul3A_489] : memref<2048xi32, #tpu.memory_space<hbm>> -> memref<64xi32, #tpu.memory_space<hbm>>
      tpu.wait_dma2 semaphore(%run_scoped3A : memref<!tpu.dma_semaphore, #tpu.memory_space<semaphore_mem>>) src(%arg15 : memref<64xi32, #tpu.memory_space<vmem>>) dst(%dma_wait3A_493 : memref<64xi32, #tpu.memory_space<hbm>>)
      tpu.yield
    }) : () -> ()
    return
  }
}

</mosaic_0001>

<sc_bundles>
// kernel: kernel.3.cloned.1.call-start
scs
__scs_entry_jumppad:
0x0: {  	(pc) =	sbr.rel $0x88, $3  }
0x1: {  	(tag) =	ssettag $0x0;
	lr =	simm.s32 $0x1  }
0x2: {  	[smem:$0x3F9F] =	sst lr;
	_ =	strace $0xD0000000  }
0x3: {  	_ = 	snop  }
0x4: {  	_ = 	snop  }
0x5: {  	_ = 	snop  }
0x6: {  	_ = 	snop  }
0x7: {  	_ = 	snop  }
__scs_overlays_trampoline_lowered:
0x8: {  	[smem:$0x3FAE] =	sst s0  }
0x9: {  	[smem:$0x3FAF] =	sst s1  }
0xa: {  	[smem:$0x3FB0] =	sst s2  }
0xb: {  	[smem:$0x3FB1] =	sst s3  }
0xc: {  	[smem:$0x3FB2] =	sst s4  }
0xd: {  	[smem:$0x3FB3] =	sst s5  }
0xe: {  	[smem:$0x3FB4] =	sst s6  }
0xf: {  	[smem:$0x3FB5] =	sst s7  }
0x10: {  	[smem:$0x3FB6] =	sst s8  }
0x11: {  	[smem:$0x3FB7] =	sst s9;
	s0 =	simm.s32 @!p0 $0x0  }
0x12: {  	s1 =	sld [smem:$0x3F9D];
	s0 =	simm.s32 @p0 $0x1  }
0x13: {  	[smem:$0x3FB8] =	sst s0;
	s0 =	simm.s32 @!p1 $0x0  }
0x14: {  	s2 =	sld [smem:$0x3F9C];
	s0 =	simm.s32 @p1 $0x1  }
0x15: {  	[smem:$0x3FB9] =	sst s0;
	s0 =	simm.s32 @!p2 $0x0  }
0x16: {  	s3 =	sld [smem:$0x3FDB];
	s0 =	simm.s32 @p2 $0x1  }
0x17: {  	s4 =	simm.s32 $0x1BF5;
	[smem:$0x3FBB] =	sst s0  }
0x18: {  	s0 =	sld [smem:$0x3F9E];
	_ =	swait.ge [sflag:s4], $0x0  }
0x19: {  	s7 =	sld [smem:$0x3F9F]  }
0x1a: {  	s8 =	sadd.s32 $0xFFFFE003, lr  }
0x1b: {  	s9 =	sadd.s32 $0xFFFFFEF7, lr;
	s5 =	simm.s32 $0xFFFFFFFF;
	p2 =	slt.u32 s8, $0xFFFFF086  }
0x1c: {  	p1 =	slt.u32 s9, $0xF7A;
	s5 =	simm.s32 @!p2 $0x0  }
0x1d: {  	s5 =	simm.s32 @p1 $0x1;
	p0 =	seq.s32 s7, s2  }
0x1e: {  	s7 =	smul.u32 @!p0 $0xF7A, s2;
	p2 =	seq.s32 @!p0 s5, $0x0  }
0x1f: {  	s9 =	smul.u32 $0xF7A, s1;
	s8 =	simm.s32 @!p0 $0x1BF5;
	p2 =	por !p2, p0  }
0x20: {  	[sflag:s8] =	ssyncset.s32 @!p0 $0xFFFFF086;
	s6 =	sadd.s32 @!p0 s3, s7;
	s7 =	simm.s32 @!p0 $0x108  }
0x21: {  	s3 =	sadd.s32 s3, s9;
	s6 =	sadd.s32 @!p0 $0x88, s6;
	s7 =	simm.s32 @p2 $0x1082  }
0x22: {  	[simem:s7], [sflag:s8] =	dma.local @!p0 [hbm:s6], $0xF7A  }
0x23: {  	s9 =	sor.u32 $0xD0000000, s2;
	s6 =	simm.s32 $0x108;
	_ =	swait.ge @!p0 [sflag:s8], $0x0  }
0x24: {  	s3 =	sadd.s32 $0x88, s3;
	s6 =	simm.s32 @!p1 $0x1082;
	[sflag:s4] =	ssyncset.s32 $0xFFFFF086  }
0x25: {  	[simem:s6], [sflag:s4] =	dma.local [hbm:s3], $0xF7A  }
0x26: {  	[smem:$0x3F9F] =	sst s1;
	(tag) =	ssettag s2;
	_ =	strace s9  }
0x27: {  	s1 =	sld [smem:$0x3FAF]  }
0x28: {  	s2 =	sld [smem:$0x3FB0]  }
0x29: {  	s4 =	sld [smem:$0x3FB2]  }
0x2a: {  	p0 =	seq.s32 s5, $0x0;
	s5 =	sld [smem:$0x3FB3]  }
0x2b: {  	s6 =	sld [smem:$0x3FB4]  }
0x2c: {  	s7 =	sld [smem:$0x3FB5]  }
0x2d: {  	s3 =	simm.s32 $0x108;
	s8 =	sld [smem:$0x3FB6]  }
0x2e: {  	s3 =	simm.s32 @!p0 $0x1082;
	s9 =	sld [smem:$0x3FB7]  }
0x2f: {  	lr =	sadd.s32 s0, s3;
	s0 =	sld [smem:$0x3FAE]  }
0x30: {  	s3 =	sld [smem:$0x3FB1]  }
0x31: {  	[smem:$0x3FBA] =	sst s10  }
0x32: {  	s10 =	sld [smem:$0x3FB8];
	_ =	sdelay $0x3  }
0x33: {  	p0 =	seq.s32 s10, $0x1;
	s10 =	sld [smem:$0x3FBA];
	_ =	sdelay $0x3  }
0x34: {  	[smem:$0x3FBA] =	sst s10  }
0x35: {  	s10 =	sld [smem:$0x3FB9];
	_ =	sdelay $0x3  }
0x36: {  	p1 =	seq.s32 s10, $0x1;
	s10 =	sld [smem:$0x3FBA];
	_ =	sdelay $0x3  }
0x37: {  	[smem:$0x3FBA] =	sst s10  }
0x38: {  	s10 =	sld [smem:$0x3FBB]  }
0x39: {  	_ = 	snop;
	(pc) =	sbr.ind lr, $3  }
0x3a: {  	_ = 	snop  }
0x3b: {  	_ = 	snop  }
0x3c: {  	p2 =	seq.s32 s10, $0x1;
	s10 =	sld [smem:$0x3FBA]  }
0x3d: {  	_ =	shalt  }
0x3e: {  	_ =	shalt  }
0x3f: {  	_ =	shalt  }
0x40: {  	_ =	shalt  }
0x41: {  	_ =	shalt  }
0x42: {  	_ =	shalt  }
0x43: {  	_ =	shalt  }
0x44: {  	_ =	shalt  }
0x45: {  	_ =	shalt  }
0x46: {  	_ =	shalt  }
0x47: {  	_ =	shalt  }
0x48: {  	_ =	shalt  }
0x49: {  	_ =	shalt  }
0x4a: {  	_ =	shalt  }
0x4b: {  	_ =	shalt  }
0x4c: {  	_ =	shalt  }
0x4d: {  	_ =	shalt  }
0x4e: {  	_ =	shalt  }
0x4f: {  	_ =	shalt  }
0x50: {  	_ =	shalt  }
0x51: {  	_ =	shalt  }
0x52: {  	_ =	shalt  }
0x53: {  	_ =	shalt  }
0x54: {  	_ =	shalt  }
0x55: {  	_ =	shalt  }
0x56: {  	_ =	shalt  }
0x57: {  	_ =	shalt  }
0x58: {  	_ =	shalt  }
0x59: {  	_ =	shalt  }
0x5a: {  	_ =	shalt  }
0x5b: {  	_ =	shalt  }
0x5c: {  	_ =	shalt  }
0x5d: {  	_ =	shalt  }
0x5e: {  	_ =	shalt  }
0x5f: {  	_ =	shalt  }
0x60: {  	_ =	shalt  }
0x61: {  	_ =	shalt  }
0x62: {  	_ =	shalt  }
0x63: {  	_ =	shalt  }
0x64: {  	_ =	shalt  }
0x65: {  	_ =	shalt  }
0x66: {  	_ =	shalt  }
0x67: {  	_ =	shalt  }
0x68: {  	_ =	shalt  }
0x69: {  	_ =	shalt  }
0x6a: {  	_ =	shalt  }
0x6b: {  	_ =	shalt  }
0x6c: {  	_ =	shalt  }
0x6d: {  	_ =	shalt  }
0x6e: {  	_ =	shalt  }
0x6f: {  	_ =	shalt  }
0x70: {  	_ =	shalt  }
0x71: {  	_ =	shalt  }
0x72: {  	_ =	shalt  }
0x73: {  	_ =	shalt  }
0x74: {  	_ =	shalt  }
0x75: {  	_ =	shalt  }
0x76: {  	_ =	shalt  }
0x77: {  	_ =	shalt  }
0x78: {  	_ =	shalt  }
0x79: {  	_ =	shalt  }
0x7a: {  	_ =	shalt  }
0x7b: {  	_ =	shalt  }
0x7c: {  	_ =	shalt  }
0x7d: {  	_ =	shalt  }
0x7e: {  	_ =	shalt  }
0x7f: {  	_ =	shalt  }
0x80: {  	_ =	shalt  }
0x81: {  	_ =	shalt  }
0x82: {  	_ =	shalt  }
0x83: {  	_ =	shalt  }
0x84: {  	_ =	shalt  }
0x85: {  	_ =	shalt  }
0x86: {  	_ =	shalt  }
0x87: {  	_ =	shalt  }
.Lfunc_end0:
.L_simem_size_0:
called_computation_lowered:
.L_overlay_start_0:
0x88: {  	s2 =	sld [smem:$0x3FD9]  }
0x89: {  	s3 =	sld [smem:$0x3FFE];
	_ =	sdelay $0x1  }
0x8a: {  	s1 =	srdreg.scid  }
0x8b: {  	s0 =	sand.u32 $0x1, s1  }
0x8c: {  	s14 =	sshll.u32 s0, $0xA;
	s2 =	sadd.s32 s3, s2  }
0x8d: {  	s2 =	sadd.s32 s2, s14  }
0x8e: {  	[smem:$0x3FC6] =	sst s2  }
0x8f: {  	_ = 	snop  }
0x90: {  	s2 =	sld [smem:$0x3FD0];
	_ =	sdelay $0x1  }
0x91: {  	s15 =	sld [smem:$0x3FC9]  }
0x92: {  	s5 =	simm.s32 $0xA;
	s6 =	simm.s32 $0x10;
	s4 =	sld [smem:$0x3FC8]  }
0x93: {  	[smem:s6], [sflag:s5] =	dma.local [hbm:s2], $0x1  }
0x94: {  	_ =	swait.eq [sflag:s5], $0x1  }
0x95: {  	[sflag:s5] =	ssyncset.done $0x0  }
0x96: {  	[sflag:s5] =	ssyncadd.s32 $0xFFFFFFFF  }
0x97: {  	s16 =	sld [smem:$0x11];
	(tm) =	ssettm $0x1  }
0x98: {  	s17 =	sld [smem:$0x3FFB];
	_ =	sdelay $0x3  }
0x99: {  	_ =	strace s17  }
0x9a: {  	s5 =	sld [smem:$0x3FFC];
	_ =	sdelay $0x3  }
0x9b: {  	_ =	strace s5  }
0x9c: {  	s5 =	sld [smem:$0x3FFD];
	_ =	sdelay $0x3  }
0x9d: {  	_ =	strace s5  }
0x9e: {  	_ =	strace $0x8FFFFFFF  }
0x9f: {  	s18 =	sld [smem:$0x3FDB];
	_ =	sdelay $0x1  }
0xa0: {  	s19 =	simm.s32 $_scs_section_size  }
0xa1: {  	s7 =	simm.s32 $_size__tile_overlayer_lowered;
	s8 =	simm.s32 $_tile_overlayer_lowered  }
0xa2: {  	s22 =	simm.s32 $0x1BFF;
	s21 =	sshll.u32 s8, $0x1;
	s5 =	sadd.s32 s19, s18  }
0xa3: {  	s9 =	simm.s32 $0x0;
	s20 =	sshll.u32 s7, $0x1;
	s7 =	sadd.s32 s21, s5  }
0xa4: {  	[timem:s9], [sflag:s22] =	dma.local [hbm:s7], s20  }
0xa5: {  	_ =	swait.ge [sflag:s22], s20  }
0xa6: {  	s6 =	ssub.s32 $0x0, s20;
	[sflag:s22] =	ssyncset.done $0x0  }
0xa7: {  	[sflag:s22] =	ssyncadd.s32 s6;
	_ =	sdelay $0x1  }
0xa8: {  	s23 =	simm.s32 $0x1B8B  }
0xa9: {  	_ =	swait.ge [sflag:s23], $0x1  }
0xaa: {  	[sflag:s23] =	ssyncset.done $0x0  }
0xab: {  	s25 =	simm.s32 $0x1B8E;
	s24 =	sld [smem:$0x3FFE];
	[sflag:s23] =	ssyncadd.s32 $0xFFFFFFFF  }
0xac: {  	s26 =	simm.s32 $execute0_lowered;
	[smem:$0x3FD2] =	sst s25  }
0xad: {  	s7 =	sshll.u32 s26, $0x1;
	_ =	strace $0x80000046;
	[dreg:$0x1] =	wrdreg $0xFFFFFFFF  }
0xae: {  	s28 =	simm.s32 $_size_execute0_lowered;
	s5 =	sadd.s32 s5, s7;
	[dreg:$0x0] =	wrdreg $0x0  }
0xaf: {  	s7 =	sshll.u32 s28, $0x1;
	[dreg:$0x2] =	wrdreg s5  }
0xb0: {  	[dreg:$0x3] =	wrdreg s7  }
0xb1: {  	[dreg:$0x4] =	wrdreg $0xC0  }
0xb2: {  	_ =	task [dreg:s9], $0x5FFFF  }
0xb3: {  	[dreg:$0x1] =	wrdreg $0xFFFFFFFF  }
0xb4: {  	[dreg:$0x0] =	wrdreg $0x60  }
0xb5: {  	[dreg:$0x2] =	wrdreg s15  }
0xb6: {  	[dreg:$0x3] =	wrdreg s4  }
0xb7: {  	[dreg:$0x4] =	wrdreg s16  }
0xb8: {  	[dreg:$0x5] =	wrdreg s24  }
0xb9: {  	[dreg:$0x6] =	wrdreg $0x9  }
0xba: {  	_ =	task.clear_ibuf [dreg:s9], $0x7FFFF;
	_ =	strace $0x90000046  }
0xbb: {  	s29 =	simm.s32 $0x9;
	_ =	strace $0x80000048  }
0xbc: {  	_ =	swait.ge [sflag:s29], $0x1  }
0xbd: {  	[sflag:s29] =	ssyncadd.s32 $0xFFFFFFFF  }
0xbe: {  	_ =	strace $0x90000048  }
0xbf: {  	_ =	sfence  }
0xc0: {  	s30 =	sld [smem:$0x0];
	_ =	sdelay $0x2  }
0xc1: {  	s31 =	sshll.u32 s1, $0xD;
	s1 =	sshrl.u32 s1, $0x2  }
0xc2: {  	s3 =	sand.u32 $0x4000, s31;
	s1 =	sadd.s32 s1, s30  }
0xc3: {  	s0 =	sor.u32 s3, s0;
	s1 =	sshll.u32 s1, $0x11  }
0xc4: {  	s0 =	sor.u32 s1, s0  }
0xc5: {  	s0 =	sadd.s32 $0x8F2B, s0  }
0xc6: {  	[sflag:s0] =	ssyncadd.remote.s32 $0x1  }
0xc7: {  	_ =	sfence.sel $0xFFFF  }
0xc8: {  	[dreg:$0x0] =	wrdreg $0xFFFFFFFF;
	(pc) =	sbr.abs _section_cstart, $3  }
0xc9: {  	[dreg:$0x1] =	wrdreg $0xFFFFFFFF  }
0xca: {  	_ =	task.clear_ibuf [dreg:s9], $0x2FFFF;
	_ =	strace $0x9FFFFFFF  }
0xcb: {  	(tm) =	ssettm $0x7FFFFFFF  }
tec
execute0_lowered:
.L_overlay_start_1:
0x0: {  	(tag) =	ssettag $0x1  }
0x1: {  	v0 =	vlaneseq.u32  }
0x2: {  	v1 =	vimm.s32 $0x0;
	v2 =	vimm.s32 $0x1000;
	v4 =	vimm.s32 $0xEFCDAB89  }
0x3: {  	v5 =	vimm.s32 $0x67452301;
	vm0 =	vcmask $0xF0C;
	vm1 =	vcmask $0x704  }
0x4: {  	v7 =	vimm.s32 $0x85634120;
	vm2 =	vcmask $0xB08;
	vm3 =	vcmask $0x338  }
0x5: {  	v8 =	vimm.s32 $0x76543210;
	v9 =	vimm.s32 $0xBA98FEDC;
	v10 =	vimm.s32 $0x32107654  }
0x6: {  	vm4 =	vcmask $0x1F10;
	vm5 =	vcmask $0xF08;
	vm6 =	vcmask $0x2F28  }
0x7: {  	v3 =	vshrl.u32 v0, $0x3;
	v4 =	vunpack.c.l.s4.s8 v4;
	v5 =	vunpack.c.l.s4.s8 v5  }
0x8: {  	vm0 =	vmor vm1, vm0;
	vm1 =	vcmask $0x1714;
	v6 =	vand.u32 $0x7, v0  }
0x9: {  	v7 =	vunpack.c.l.s4.s8 v7;
	vm2 =	vmor vm3, vm2;
	vm3 =	vcmask $0x1310  }
0xa: {  	v8 =	vunpack.c.l.s4.s8 v8;
	v4 =	vunpack.c.0.s8.s32 v4;
	v5 =	vunpack.c.0.s8.s32 v5  }
0xb: {  	v9 =	vunpack.c.l.s4.s8 v9;
	v10 =	vunpack.c.l.s4.s8 v10;
	v11 =	vmul.u32 $0xFFFFFFFF, v0  }
0xc: {  	v5 =	vcombine.low v5, v4;
	v4 =	vmul.u32 $0x10, v6;
	v6 =	vimm.s32 $0xFDEBC9A7  }
0xd: {  	vm0 =	vmor vm0, vm1;
	vm1 =	vcmask $0x1F1C;
	v6 =	vunpack.c.l.s4.s8 v6  }
0xe: {  	vm2 =	vmor vm2, vm3;
	vm3 =	vcmask $0x1B18;
	vm0 =	vmor vm0, vm1  }
0xf: {  	vm1 =	vcmask $0x2724;
	v7 =	vunpack.c.0.s8.s32 v7;
	v6 =	vunpack.c.0.s8.s32 v6  }
0x10: {  	s0 =	rddreg [dreg:$0x0];
	v9 =	vunpack.c.0.s8.s32 v9;
	v10 =	vunpack.c.0.s8.s32 v10;
	vm0 =	vmor vm0, vm1  }
0x11: {  	s1 =	rddreg [dreg:$0x2];
	vm1 =	vcmask $0x2F2C;
	v6 =	vcombine.low v7, v6;
	v7 =	vimm.s32 $0xFEDCBA98  }
0x12: {  	s3 =	rddreg [dreg:$0x3];
	s2 =	simm.s32 $0x0;
	s4 =	srdreg.scid;
	v8 =	vunpack.c.0.s8.s32 v8;
	vm0 =	vmor vm0, vm1;
	v7 =	vunpack.c.l.s4.s8 v7  }
0x13: {  	s7 =	stileid.u32;
	s11 =	simm.s32 $0x80;
	s12 =	simm.s32 $0x400;
	vm1 =	vcmask $0x3734;
	v9 =	vcombine.low v10, v9;
	v10 =	vimm.s32 $0x54761032  }
0x14: {  	s13 =	simm.s32 $0x8080;
	s14 =	simm.s32 $0x1;
	s15 =	simm.s32 $0x19100;
	vm0 =	vmor vm0, vm1;
	vm1 =	vcmask $0x3F3C;
	v7 =	vunpack.c.0.s8.s32 v7  }
0x15: {  	s16 =	simm.s32 $0x10100;
	s17 =	simm.s32 $0x1A180;
	s18 =	simm.s32 $0x1A200;
	v10 =	vunpack.c.l.s4.s8 v10;
	v5 =	vand.u32 $0xF, v5;
	vm0 =	vmor vm0, vm1  }
0x16: {  	s19 =	simm.s32 $0x2;
	s22 =	simm.s32 $0x1A380;
	s23 =	simm.s32 $0x3;
	vm1 =	vmor vm2, vm3;
	vm2 =	vcmask $0x2320;
	v7 =	vand.u32 $0xF, v7  }
0x17: {  	s24 =	simm.s32 $0x1A280;
	s25 =	simm.s32 $0x4;
	s26 =	simm.s32 $0x0;
	vm3 =	vcmask $0x3F30;
	v7 =	vcombine.low v7, v8;
	v8 =	vimm.s32 $0xDCFE98BA  }
0x18: {  	[smem:$0x7FF] =	sst s2;
	s4 =	sand.u32 $0x1, s4;
	s5 =	sshll.u32 s7, $0x4;
	v9 =	vand.u32 $0xF, v9;
	vm1 =	vmor vm1, vm2;
	v12 =	vunpack.c.l.s4.s8 v8  }
0x19: {  	s7 =	sshll.u32 s7, $0xF;
	_ =	strace $0x80000047;
	s6 =	sshll.u32 s4, $0x6;
	vm2 =	vcmask $0x2B28;
	v10 =	vunpack.c.0.s8.s32 v10;
	vm3 =	vmor vm4, vm3  }
.Ltmp0:
0x1a: {  	s8 =	sshll.u32 s4, $0x3;
	s9 =	ssub.s32 $0x2, s4;
	vm4 =	vcmask $0x1F18;
	v8 =	vadd.s32 $0xF, v11;
	v11 =	vunpack.c.0.s8.s32 v12;
	(pc) =	sbr.rel .LBB2_1-.Ltmp0, $4  }
0x1b: {  	s28 =	sor.u32 s6, s7;
	s8 =	sor.u32 s8, s5;
	s29 =	sshrl.u32 s9, $0x1;
	vm1 =	vmor vm1, vm2;
	vm2 =	vcmask $0x3330;
	vm5 =	vmor vm5, vm4  }
0x1c: {  	s4 =	sadd.s32 s0, s28;
	s30 =	sadd.s32 s8, s3;
	s31 =	ssub.s32 s9, s29;
	vm4 =	vcmask $0x3F20;
	vm1 =	vmor vm1, vm2;
	v10 =	vcombine.low v10, v11  }
0x1d: {  	s8 =	sadd.s32 s1, s8;
	s5 =	sadd.s32 $0x10, s4;
	s6 =	sadd.s32 $0x20, s4;
	vm2 =	vcmask $0x33C;
	vm5 =	vmor vm5, vm6;
	vm6 =	vcmask $0x3F38  }
0x1e: {  	s7 =	sadd.s32 $0x30, s4;
	s9 =	sadd.s32 $0x800, s30;
	s10 =	smax.u32 s31, $0x1;
	vm5 =	vmor vm5, vm6;
	v6 =	vand.u32 $0xF, v6;
	v10 =	vand.u32 $0xF, v10  }
.LBB2_46:
0x1f: {  	v11 =	vlaneseq.u32;
	v12 =	vimm.f32 $-Inf  }
.LBB2_50:
0x20: {  	[tilespmem:$0x1A2B0] =	vst v12  }
0x21: {  	[tilespmem:$0x1A330] =	vst v11;
	s0 =	rddreg [dreg:$0x1];
	s1 =	simm.s32 $0x40;
	s3 =	simm.s32 $0x1A300  }
0x22: {  	[tilespmem:s22], [sflag:$0x3] =	stream.indirect.gather [hbm4b:s0+s1], $0x1, s3, s1, $0xb8;
	[tilespmem:$0x1A400] =	vst v63  }
0x23: {  	_ =	swait.ge [sflag:s23], $0x40  }
0x24: {  	[sflag:s23] =	ssyncset.done $0x0  }
0x25: {  	[sflag:s23] =	ssyncadd.s32 $0xFFFFFFC0  }
0x26: {  	[hbm4b:s8+s2] =	stream.linear.scatter [tilespmem:s24], [sflag:$0x4], $0x40, $0x38;
	[tilespmem:$0x1A400] =	vst v63  }
0x27: {  	s26 =	sadd.s32 $0x1, s26;
	_ =	swait.ge [sflag:s25], $0x40  }
0x28: {  	p0 =	sne.s32 s26, s10;
	[sflag:s25] =	ssyncset.done $0x0  }
.Ltmp1:
0x29: {  	[sflag:s25] =	ssyncadd.s32 $0xFFFFFFC0;
	(pc) =	sbr.rel @!p0 .LBB2_51-.Ltmp1, $4  }
0x2a: {  	[hbm4b:s9+s2] =	stream.linear.scatter [tilespmem:s22], [sflag:$0x4], $0x40, $0x38;
	[tilespmem:$0x1A400] =	vst v63  }
0x2b: {  	_ =	swait.ge [sflag:s25], $0x40  }
0x2c: {  	[sflag:s25] =	ssyncset.done $0x0  }
0x2d: {  	[sflag:s25] =	ssyncadd.s32 $0xFFFFFFC0  }
.LBB2_1:
0x2e: {  	v17 =	vimm.f32 $-Inf  }
0x2f: {  	[tilespmem:$0x8000] =	vst v17  }
0x30: {  	[tilespmem:$0x10080] =	vst v17  }
0x31: {  	[tilespmem:$0x8010] =	vst v17  }
0x32: {  	[tilespmem:$0x10090] =	vst v17  }
0x33: {  	[tilespmem:$0x8020] =	vst v17  }
0x34: {  	[tilespmem:$0x100A0] =	vst v17  }
0x35: {  	[tilespmem:$0x8030] =	vst v17  }
0x36: {  	[tilespmem:$0x100B0] =	vst v17  }
0x37: {  	[tilespmem:$0x8040] =	vst v17  }
0x38: {  	[tilespmem:$0x100C0] =	vst v17  }
0x39: {  	[tilespmem:$0x8050] =	vst v17  }
0x3a: {  	[tilespmem:$0x100D0] =	vst v17  }
0x3b: {  	[tilespmem:$0x8060] =	vst v17  }
0x3c: {  	[tilespmem:$0x100E0] =	vst v17  }
0x3d: {  	[tilespmem:$0x8070] =	vst v17  }
0x3e: {  	[tilespmem:$0x100F0] =	vst v17  }
0x3f: {  	[tilespmem:s2], [sflag:$0x1] =	stream.strided.gather [hbm4b:s4+s11], $0x8000, s12, s11, $0x38;
	[tilespmem:$0x1A400] =	vst v63  }
0x40: {  	_ = 	snop  }
0x41: {  	[tilespmem:s13], [sflag:$0x2] =	stream.strided.gather [hbm4b:s5+s11], $0x8000, s12, s11, $0x38;
	[tilespmem:$0x1A400] =	vst v63  }
0x42: {  	_ =	swait.ge [sflag:s14], $0x8000  }
0x43: {  	[sflag:s14] =	ssyncset.done $0x0  }
0x44: {  	s0 =	simm.s32 $0x100;
	[sflag:s14] =	ssyncadd.s32 $0xFFFF8000  }
0x45: {  	v18 =	vld [tilespmem:s0+$0x70]  }
0x46: {  	v19 =	vld [tilespmem:s0+$0xFFFFFFF0]  }
0x47: {  	v20 =	vld [tilespmem:s0+$0xD0]  }
0x48: {  	v21 =	vld [tilespmem:s0+$0xFFFFFF70]  }
0x49: {  	v22 =	vld [tilespmem:s0+$0xFFFFFFE0]  }
0x4a: {  	v23 =	vld [tilespmem:s0+$0xC0]  }
0x4b: {  	v24 =	vld [tilespmem:s0+$0xFFFFFF60]  }
0x4c: {  	v25 =	vld [tilespmem:s0+$0x40]  }
0x4d: {  	v26 =	vld [tilespmem:s0+$0xB0]  }
0x4e: {  	v27 =	vld [tilespmem:s0+$0xFFFFFF50]  }
0x4f: {  	v28 =	vld [tilespmem:s0+$0x30]  }
0x50: {  	v29 =	vld [tilespmem:s0+$0xA0]  }
0x51: {  	v30 =	vld [tilespmem:s0+$0xFFFFFF40]  }
0x52: {  	v31 =	vld [tilespmem:s0+$0x20]  }
0x53: {  	v32 =	vld [tilespmem:s0+$0x80]  }
0x54: {  	v33 =	vld [tilespmem:s0+$0x90]  }
0x55: {  	v34 =	vld [tilespmem:s0+$0xFFFFFFA0]  }
0x56: {  	v35 =	vld [tilespmem:s0+$0x0]  }
0x57: {  	v36 =	vld [tilespmem:s0+$0x10]  }
0x58: {  	v37 =	vld [tilespmem:s0+$0xFFFFFF80]  }
0x59: {  	v38 =	vld [tilespmem:s0+$0xFFFFFF90]  }
0x5a: {  	v39 =	vld [tilespmem:s0+$0xFFFFFF00]  }
0x5b: {  	v40 =	vld [tilespmem:s0+$0xFFFFFF10]  }
0x5c: {  	v41 =	vld [tilespmem:s0+$0xFFFFFF20]  }
0x5d: {  	v42 =	vld [tilespmem:s0+$0xFFFFFF30]  }
0x5e: {  	v43 =	vld [tilespmem:s0+$0xFFFFFFB0]  }
0x5f: {  	v44 =	vld [tilespmem:s0+$0xFFFFFFC0]  }
0x60: {  	v45 =	vld [tilespmem:s0+$0xFFFFFFD0]  }
0x61: {  	v46 =	vld [tilespmem:s0+$0x50]  }
0x62: {  	v47 =	vld [tilespmem:s0+$0x60]  }
0x63: {  	v48 =	vld [tilespmem:s0+$0xE0]  }
0x64: {  	s1 =	simm.s32 $0x300;
	v49 =	vld [tilespmem:s0+$0xF0]  }
0x65: {  	v11 =	vld [tilespmem:s1+$0x70]  }
0x66: {  	v14 =	vld [tilespmem:s1+$0xFFFFFFF0]  }
0x67: {  	v12 =	vld [tilespmem:s1+$0xD0]  }
0x68: {  	v13 =	vld [tilespmem:s1+$0xFFFFFF70]  }
0x69: {  	v15 =	vld [tilespmem:s1+$0xFFFFFFE0]  }
0x6a: {  	v50 =	vld [tilespmem:s1+$0xC0]  }
0x6b: {  	v16 =	vld [tilespmem:s1+$0xFFFFFF60]  }
0x6c: {  	v51 =	vld [tilespmem:s1+$0x40]  }
0x6d: {  	v52 =	vld [tilespmem:s1+$0xB0]  }
0x6e: {  	v53 =	vld [tilespmem:s1+$0xFFFFFF50]  }
0x6f: {  	v54 =	vld [tilespmem:s1+$0x30]  }
0x70: {  	v55 =	vld [tilespmem:s1+$0xA0]  }
0x71: {  	v56 =	vld [tilespmem:s1+$0xFFFFFF40]  }
0x72: {  	v57 =	vld [tilespmem:s1+$0x20]  }
0x73: {  	v58 =	vld [tilespmem:s1+$0x80]  }
0x74: {  	v59 =	vld [tilespmem:s1+$0xFFFFFF80];
	v35 =	vmax.f32 v35, v36  }
0x75: {  	v60 =	vld [tilespmem:s1+$0xFFFFFF00];
	v32 =	vmax.f32 v32, v33;
	v63 =	vmax.f32 v39, v40;
	v37 =	vmax.f32 v37, v38  }
0x76: {  	v36 =	vld [tilespmem:s1+$0x90];
	v29 =	vmax.f32 v32, v29;
	v39 =	vmax.f32 v63, v41;
	v31 =	vmax.f32 v35, v31  }
0x77: {  	v38 =	vld [tilespmem:s1+$0xFFFFFFA0];
	v34 =	vmax.f32 v37, v34;
	v32 =	vmax.f32 v39, v42;
	v28 =	vmax.f32 v31, v28  }
0x78: {  	v40 =	vld [tilespmem:s1+$0x0];
	v26 =	vmax.f32 v29, v26;
	v43 =	vmax.f32 v34, v43;
	v42 =	vmax.f32 v32, v30  }
0x79: {  	v41 =	vld [tilespmem:s1+$0x10];
	v23 =	vmax.f32 v26, v23;
	v26 =	vmax.f32 v42, v27;
	v27 =	vmax.f32 v43, v44  }
0x7a: {  	v25 =	vmax.f32 v28, v25;
	v24 =	vmax.f32 v26, v24;
	v26 =	vmax.f32 v27, v45;
	v27 =	vld [tilespmem:s1+$0xFFFFFF10]  }
0x7b: {  	v20 =	vmax.f32 v23, v20;
	v23 =	vmax.f32 v25, v46;
	v25 =	vld [tilespmem:s1+$0xFFFFFF90];
	v22 =	vmax.f32 v26, v22  }
0x7c: {  	v21 =	vmax.f32 v24, v21;
	v22 =	vmax.f32 v22, v19;
	v19 =	vmax.f32 v23, v47;
	v23 =	vld [tilespmem:s1+$0xFFFFFF20]  }
0x7d: {  	v26 =	vld [tilespmem:s1+$0xFFFFFF30];
	v17 =	vmax.f32 v17, v21;
	v24 =	vmax.f32 v19, v18;
	v18 =	vmax.f32 v20, v48  }
0x7e: {  	v62 =	vld [tilespmem:s1+$0xFFFFFFB0];
	v17 =	vmax.f32 v17, v22;
	v19 =	vmax.f32 v58, v36;
	v61 =	vmax.f32 v18, v49  }
0x7f: {  	s28 =	simm.s32 $0x18120;
	v18 =	vmax.f32 v40, v41;
	v17 =	vmax.f32 v17, v24;
	v20 =	vmax.f32 v60, v27;
	v27 =	vld [tilespmem:s1+$0xFFFFFFC0]  }
0x80: {  	[tilespmem:s28+$0xFFFFFFE0] =	vst v21;
	v25 =	vmax.f32 v59, v25;
	v63 =	vmax.f32 v19, v55;
	v19 =	vld [tilespmem:s1+$0xFFFFFFD0];
	v18 =	vmax.f32 v18, v57  }
0x81: {  	[tilespmem:s28+$0xFFFFFFF0] =	vst v22;
	v17 =	vmax.f32 v17, v61;
	v22 =	vmax.f32 v18, v54;
	v21 =	vmax.f32 v20, v23;
	v20 =	vld [tilespmem:s1+$0x50]  }
0x82: {  	v18 =	vld [tilespmem:s1+$0x60];
	v23 =	vmax.f32 v25, v38;
	v25 =	vmax.f32 v63, v52;
	v21 =	vmax.f32 v21, v26  }
0x83: {  	[tilespmem:s28+$0x0] =	vst v24;
	v26 =	vmax.f32 v23, v62;
	v23 =	vmax.f32 v25, v50;
	v24 =	vmax.f32 v21, v56;
	v21 =	vld [tilespmem:s1+$0xE0]  }
0x84: {  	s29 =	simm.s32 $0x4;
	s30 =	simm.s32 $0x500;
	[tilespmem:s28+$0x10] =	vst v61;
	v25 =	vmax.f32 v24, v53;
	v26 =	vmax.f32 v26, v27;
	v24 =	vmax.f32 v22, v51;
	v22 =	vld [tilespmem:s1+$0xF0]  }
.LBB2_2:
0x85: {  	v27 =	vld [tilespmem:s30+$0x70];
	v16 =	vmax.f32 v25, v16;
	v19 =	vmax.f32 v26, v19;
	v23 =	vmax.f32 v23, v12  }
0x86: {  	s28 =	sadd.s32 $0x40, s28;
	v25 =	vld [tilespmem:s30+$0xFFFFFFF0];
	v13 =	vmax.f32 v16, v13;
	v15 =	vmax.f32 v19, v15;
	v16 =	vmax.f32 v24, v20  }
0x87: {  	v12 =	vld [tilespmem:s30+$0xD0];
	[tilespmem:s28+$0xFFFFFFE0] =	vst v13;
	v17 =	vmax.f32 v17, v13;
	v14 =	vmax.f32 v15, v14;
	v15 =	vmax.f32 v16, v18  }
0x88: {  	v13 =	vld [tilespmem:s30+$0xFFFFFF70];
	[tilespmem:s28+$0xFFFFFFF0] =	vst v14;
	v14 =	vmax.f32 v17, v14;
	v20 =	vmax.f32 v15, v11;
	v16 =	vmax.f32 v23, v21  }
0x89: {  	v15 =	vld [tilespmem:s30+$0xFFFFFFE0];
	[tilespmem:s28+$0x0] =	vst v20;
	v18 =	vmax.f32 v14, v20;
	v19 =	vmax.f32 v16, v22  }
0x8a: {  	v21 =	vld [tilespmem:s30+$0xC0];
	[tilespmem:s28+$0x10] =	vst v19;
	v17 =	vmax.f32 v18, v19;
	v11 =	vmov v27  }
0x8b: {  	v16 =	vld [tilespmem:s30+$0xFFFFFF60];
	v14 =	vmov v25  }
0x8c: {  	v22 =	vld [tilespmem:s30+$0x40]  }
0x8d: {  	v23 =	vld [tilespmem:s30+$0xB0]  }
0x8e: {  	v24 =	vld [tilespmem:s30+$0xFFFFFF50]  }
0x8f: {  	v18 =	vld [tilespmem:s30+$0x30]  }
0x90: {  	v20 =	vld [tilespmem:s30+$0xA0]  }
0x91: {  	v25 =	vld [tilespmem:s30+$0xFFFFFF40]  }
0x92: {  	v26 =	vld [tilespmem:s30+$0x20]  }
0x93: {  	v19 =	vld [tilespmem:s30+$0x80]  }
0x94: {  	v27 =	vld [tilespmem:s30+$0x90]  }
0x95: {  	v28 =	vld [tilespmem:s30+$0xFFFFFFA0]  }
0x96: {  	v29 =	vld [tilespmem:s30+$0x0]  }
0x97: {  	v30 =	vld [tilespmem:s30+$0x10]  }
0x98: {  	v31 =	vld [tilespmem:s30+$0xFFFFFF80]  }
0x99: {  	v32 =	vld [tilespmem:s30+$0xFFFFFF90]  }
0x9a: {  	v33 =	vld [tilespmem:s30+$0xFFFFFF00]  }
0x9b: {  	s29 =	sadd.s32 $0x4, s29;
	v34 =	vld [tilespmem:s30+$0xFFFFFF10]  }
0x9c: {  	p0 =	slt.u32 s29, $0xFC;
	v35 =	vld [tilespmem:s30+$0xFFFFFF20]  }
0x9d: {  	v36 =	vld [tilespmem:s30+$0xFFFFFF30]  }
0x9e: {  	v37 =	vld [tilespmem:s30+$0xFFFFFFB0]  }
0x9f: {  	v27 =	vmax.f32 v19, v27;
	v29 =	vmax.f32 v29, v30;
	v38 =	vld [tilespmem:s30+$0xFFFFFFC0]  }
.Ltmp2:
0xa0: {  	v27 =	vmax.f32 v27, v20;
	v31 =	vmax.f32 v31, v32;
	v30 =	vmax.f32 v33, v34;
	v19 =	vld [tilespmem:s30+$0xFFFFFFD0];
	(pc) =	sbr.rel @p0 .LBB2_2-.Ltmp2, $4  }
0xa1: {  	v26 =	vmax.f32 v29, v26;
	v28 =	vmax.f32 v31, v28;
	v30 =	vmax.f32 v30, v35;
	v20 =	vld [tilespmem:s30+$0x50]  }
0xa2: {  	v23 =	vmax.f32 v27, v23;
	v29 =	vmax.f32 v30, v36;
	v30 =	vmax.f32 v26, v18;
	v18 =	vld [tilespmem:s30+$0x60]  }
0xa3: {  	v23 =	vmax.f32 v23, v21;
	v25 =	vmax.f32 v29, v25;
	v26 =	vmax.f32 v28, v37;
	v21 =	vld [tilespmem:s30+$0xE0]  }
0xa4: {  	v25 =	vmax.f32 v25, v24;
	v26 =	vmax.f32 v26, v38;
	v24 =	vmax.f32 v30, v22;
	v22 =	vld [tilespmem:s30+$0xF0];
	s30 =	sadd.s32 $0x200, s30  }
0xa5: {  	v16 =	vmax.f32 v25, v16;
	v19 =	vmax.f32 v26, v19;
	v12 =	vmax.f32 v23, v12  }
0xa6: {  	v13 =	vmax.f32 v16, v13;
	v15 =	vmax.f32 v19, v15;
	v16 =	vmax.f32 v24, v20  }
0xa7: {  	v17 =	vmax.f32 v17, v13;
	v14 =	vmax.f32 v15, v14;
	v15 =	vmax.f32 v16, v18  }
0xa8: {  	v16 =	vmax.f32 v17, v14;
	v11 =	vmax.f32 v15, v11;
	v12 =	vmax.f32 v12, v21  }
0xa9: {  	v15 =	vmax.f32 v16, v11;
	v12 =	vmax.f32 v12, v22  }
0xaa: {  	s0 =	sadd.s32 $0x40, s28;
	v15 =	vmax.f32 v15, v12  }
0xab: {  	[tilespmem:s0+$0xFFFFFFE0] =	vst v13;
	(xrf0) =	vmin.scan.msk.f32 $0xffff, v15  }
0xac: {  	[tilespmem:s0+$0xFFFFFFF0] =	vst v14  }
0xad: {  	[tilespmem:s0+$0x0] =	vst v11  }
0xae: {  	s20 =	simm.s32 $0x18120;
	[tilespmem:s0+$0x10] =	vst v12  }
0xaf: {  	v12 =	vld [tilespmem:s20+$0x0]  }
0xb0: {  	v13 =	vld [tilespmem:s20+$0xFFFFFFE0]  }
0xb1: {  	v14 =	vld [tilespmem:s20+$0xFFFFFFF0];
	v11, _, _ =	vpop (xrf0)  }
0xb2: {  	v15 =	vld [tilespmem:s20+$0x10];
	v11 =	vbroadcast v11, $0xF  }
0xb3: {  	s21 =	simm.s32 $0x18160  }
0xb4: {  	v22 =	vld [tilespmem:s21+$0x10];
	vm6 =	vge.f32 v12, v11  }
0xb5: {  	vm7 =	vge.f32 v13, v11;
	v12 =	vsel vm6, $0x1, v1  }
0xb6: {  	v19 =	vld [tilespmem:s21+$0xFFFFFFE0];
	vm10 =	vge.f32 v14, v11;
	v13 =	vsel vm7, $0x1, v1;
	(xrf0) =	vadd.scan.msk.s32 $0xffff, v12  }
0xb7: {  	v20 =	vld [tilespmem:s21+$0xFFFFFFF0];
	vm11 =	vge.f32 v15, v11;
	v12 =	vsel vm10, $0x1, v1;
	(xrf0) =	vadd.scan.msk.s32 $0xffff, v13  }
0xb8: {  	v17 =	vimm.s32 $0xFFFFFFFF;
	v15 =	vld [tilespmem:s21+$0x0];
	v14 =	vsel vm11, $0x1, v1;
	(xrf0) =	vadd.scan.msk.s32 $0xffff, v12  }
0xb9: {  	s1 =	simm.s32 $0x20;
	vm13 =	vge.f32 v22, v11;
	v16 =	vmpcnt.ones.xlane vm7;
	v18 =	vmpcnt.ones.xlane vm10;
	(xrf0) =	vadd.scan.msk.s32 $0xffff, v14  }
0xba: {  	v22 =	vor.u32 s1, v0;
	vm8 =	vmmov vm6;
	vm9 =	vmmov vm7  }
0xbb: {  	vm7 =	vmmov vm10;
	vm6 =	vmmov vm11;
	v16 =	vadd.s32 v17, v16  }
0xbc: {  	vm11 =	vge.f32 v20, v11;
	v23 =	vmpcnt.ones.xlane vm8;
	v21 =	vadd.s32 v16, v18;
	v14, _, _ =	vpop (xrf0)  }
0xbd: {  	vm10 =	vge.f32 v19, v11;
	vm12 =	vge.f32 v15, v11;
	v14 =	vadd.s32 v21, v14;
	v18, _, _ =	vpop (xrf0)  }
0xbe: {  	v20 =	vmpcnt.ones.xlane vm11;
	v63 =	vsel vm12, $0x1, v1;
	v15 =	vadd.s32 v17, v18;
	v17, _, _ =	vpop (xrf0)  }
0xbf: {  	s28 =	simm.s32 $0x0;
	v19 =	vadd.s32 v21, v23;
	v23 =	vsel vm10, $0x1, v1;
	(xrf0) =	vadd.scan.msk.s32 $0xffff, v63;
	v17 =	vadd.s32 v16, v17;
	v16, _, _ =	vpop (xrf0)  }
0xc0: {  	s31 =	simm.s32 $0x40;
	s30 =	simm.s32 $0x30;
	s3 =	simm.s32 $0x4;
	v13 =	vor.u32 s28, v0;
	(xrf0) =	vadd.scan.msk.s32 $0xffff, v23;
	v18 =	vmpcnt.ones.xlane vm6;
	v16 =	vadd.s32 v19, v16  }
0xc1: {  	s29 =	simm.s32 $0x70;
	s0 =	simm.s32 $0x181A0;
	s1 =	simm.s32 $0x40;
	v12 =	vor.u32 s31, v0;
	v21 =	vsel vm11, $0x1, v1;
	v23 =	vsel vm13, $0x1, v1  }
.LBB2_4:
0xc2: {  	v24 =	vld [tilespmem:s0+$0x0];
	s3 =	sadd.s32 $0x4, s3;
	v25 =	vmpcnt.ones.xlane vm10;
	s31 =	sadd.s32 $0x40, s31;
	(xrf0) =	vadd.scan.msk.s32 $0xffff, v21;
	s28 =	sadd.s32 $0x10, s28;
	[tilespmem:v14+s15+$0x0] =	vst.idx.msk vm8, v22;
	v18 =	vadd.s32 v19, v18  }
0xc3: {  	v19 =	vld [tilespmem:s0+$0xFFFFFFE0];
	s20 =	sadd.s32 $0x30, s31;
	p0 =	slt.u32 s3, $0xFC;
	(xrf0) =	vadd.scan.msk.s32 $0xffff, v23;
	[tilespmem:v15+s15+$0x0] =	vst.idx.msk vm9, v13;
	v14 =	vor.u32 s28, v0;
	v13 =	vmovc v12;
	v12 =	vor.u32 s31, v0;
	s28 =	smov.u32 s1  }
0xc4: {  	vm8 =	vmmov vm12;
	s1 =	smov.u32 s31;
	v21 =	vld [tilespmem:s0+$0xFFFFFFF0];
	v22 =	vadd.s32 v18, v25;
	[tilespmem:v17+s15+$0x0] =	vst.idx.msk vm7, v14;
	v14 =	vor.u32 s30, v0;
	s30 =	smov.u32 s29;
	s29 =	smov.u32 s20  }
0xc5: {  	vm9 =	vmmov vm10;
	vm7 =	vmmov vm11;
	v23 =	vld [tilespmem:s0+$0x10];
	v17 =	vadd.s32 v22, v20;
	v15, _, _ =	vpop (xrf0);
	[tilespmem:v16+s15+$0x0] =	vst.idx.msk vm6, v14  }
0xc6: {  	v25 =	vmpcnt.ones.xlane vm8;
	vm6 =	vmmov vm13;
	v14 =	vadd.s32 v17, v15;
	v15, _, _ =	vpop (xrf0)  }
.Ltmp3:
0xc7: {  	vm12 =	vge.f32 v24, v11;
	v15 =	vadd.s32 v18, v15;
	v18 =	vmpcnt.ones.xlane vm6;
	(pc) =	sbr.rel @p0 .LBB2_4-.Ltmp3, $4  }
0xc8: {  	vm10 =	vge.f32 v19, v11;
	v20 =	vsel vm12, $0x1, v1;
	v19 =	vadd.s32 v17, v25;
	v16, _, _ =	vpop (xrf0)  }
0xc9: {  	s20 =	sadd.s32 $0x20, s28;
	v24 =	vsel vm10, $0x1, v1;
	vm11 =	vge.f32 v21, v11;
	(xrf0) =	vadd.scan.msk.s32 $0xffff, v20;
	v17 =	vadd.s32 v22, v16;
	v16, _, _ =	vpop (xrf0)  }
0xca: {  	v21 =	vsel vm11, $0x1, v1;
	vm13 =	vge.f32 v23, v11;
	(xrf0) =	vadd.scan.msk.s32 $0xffff, v24;
	v16 =	vadd.s32 v19, v16  }
0xcb: {  	s0 =	sadd.s32 $0x40, s0;
	v22 =	vor.u32 s20, v0;
	v20 =	vmpcnt.ones.xlane vm11;
	v23 =	vsel vm13, $0x1, v1  }
0xcc: {  	v24 =	vmpcnt.ones.xlane vm10  }
0xcd: {  	v18 =	vadd.s32 v19, v18;
	vm14 =	vmmov vm12  }
0xce: {  	vm12 =	vmmov vm13;
	v57 =	vmpcnt.ones.xlane vm14;
	v19 =	vadd.s32 v18, v24  }
0xcf: {  	v25 =	vmpcnt.ones.xlane vm12;
	v20 =	vadd.s32 v19, v20  }
0xd0: {  	v24 =	vadd.s32 v20, v57  }
0xd1: {  	(xrf0) =	vadd.scan.msk.s32 $0xffff, v21;
	v58 =	vadd.s32 v24, v25  }
0xd2: {  	(xrf0) =	vadd.scan.msk.s32 $0xffff, v23;
	v21 =	vxor.u32 $0x80000000, v58  }
0xd3: {  	(xrf0) =	vmax.scan.msk.u32 $0xffff, v21;
	_ =	sdelay $0x1  }
0xd4: {  	v59, _, _ =	vpop (xrf0)  }
0xd5: {  	v60, _, _ =	vpop (xrf0)  }
0xd6: {  	v61, _, _ =	vpop (xrf0)  }
0xd7: {  	v26, _, _ =	vpop (xrf0)  }
0xd8: {  	v27, _, _ =	vpop (xrf0)  }
0xd9: {  	(v2sf) =	vpush v27, $0xF;
	_ =	sdelay $0xc  }
0xda: {  	vm12 =	vmmov vm10;
	v20 =	vadd.s32 v20, v59  }
0xdb: {  	[tilespmem:v14+s15+$0x0] =	vst.idx.msk vm8, v22;
	s0 =	sadd.s32 $0x10, s28;
	v14 =	vadd.s32 v18, v60  }
0xdc: {  	[tilespmem:v15+s15+$0x0] =	vst.idx.msk vm9, v13;
	v13 =	vor.u32 s0, v0;
	v15 =	vadd.s32 v19, v61;
	s3 =	spop (v2sf)  }
0xdd: {  	s20 =	sadd.s32 $0x20, s1;
	[tilespmem:v17+s15+$0x0] =	vst.idx.msk vm7, v13;
	v13 =	vor.u32 s30, v0;
	v62 =	vadd.s32 v24, v26;
	s0 =	sadd.s32 $0x80000001, s3  }
0xde: {  	v63 =	vor.u32 s20, v0;
	[tilespmem:v16+s15+$0x0] =	vst.idx.msk vm6, v13;
	p0 =	sgt.s32 s3, $0xFFFFFFFE;
	v13 =	vadd.s32 s0, v0  }
.Ltmp4:
0xdf: {  	s31 =	sadd.s32 $0x10, s1;
	[tilespmem:v20+s15+$0x0] =	vst.idx.msk vm14, v63;
	(pc) =	sbr.rel @p0 .LBB2_9-.Ltmp4, $4  }
0xe0: {  	[tilespmem:v14+s15+$0x0] =	vst.idx.msk vm12, v12;
	v12 =	vor.u32 s31, v0  }
0xe1: {  	[tilespmem:v15+s15+$0x0] =	vst.idx.msk vm11, v12;
	v12 =	vor.u32 s29, v0  }
0xe2: {  	[tilespmem:v62+s15+$0x0] =	vst.idx.msk vm13, v12  }
0xe3: {  	vm15 =	vmmov vm11;
	v12 =	vimm.s32 $0x7FFFFFFF;
	[tilespmem:v13+s15+$0x0] =	vst.idx.msk $0xffff, v2  }
0xe4: {  	s1 =	simm.s32 $0x0;
	v12 =	vimm.s32 $0xFFFFFFFF  }
.LBB2_7:
0xe5: {  	v13 =	vor.u32 s1, v3;
	_ =	sdelay $0x4  }
0xe6: {  	v13 =	vld.idx.msk [tilespmem:v13+s15+$0x0], $0xffff;
	_ =	sdelay $0x4  }
0xe7: {  	v14 =	vshll.u32 v13, $0x3  }
0xe8: {  	v13 =	vand.u32 $0xF, v13;
	v14 =	vand.u32 $0xFFFFFF80, v14  }
0xe9: {  	v13 =	vor.u32 v14, v13  }
0xea: {  	v13 =	vor.u32 v4, v13;
	_ =	sdelay $0x4  }
0xeb: {  	v14 =	vld.idx.msk [tilespmem:v13+s2+$0x0], $0xffff;
	_ =	sdelay $0x4  }
0xec: {  	vm6 =	vge.f32 v14, v11  }
0xed: {  	v14 =	vsel vm6, $0x1, v1  }
0xee: {  	(xrf0) =	vadd.scan.msk.s32 $0xffff, v14;
	_ =	sdelay $0x5  }
0xef: {  	s1 =	sadd.s32 $0x2, s1;
	v14, _, _ =	vpop (xrf0)  }
0xf0: {  	p0 =	slt.s32 s1, s0;
	v14 =	vadd.s32 v12, v14  }
.Ltmp5:
0xf1: {  	_ = 	snop;
	(pc) =	sbr.rel @p0 .LBB2_7-.Ltmp5, $3  }
0xf2: {  	_ = 	snop  }
0xf3: {  	v15 =	vmpcnt.ones.xlane vm6;
	_ =	sdelay $0x1  }
0xf4: {  	v12 =	vadd.s32 v12, v15;
	[tilespmem:v14+s16+$0x0] =	vst.idx.msk vm6, v13  }
0xf5: {  	v12 =	vxor.u32 $0x80000000, v12  }
.LBB2_9:
0xf6: {  	(xrf0) =	vmax.scan.msk.u32 $0xffff, v12;
	_ =	sdelay $0x5  }
0xf7: {  	v11, _, _ =	vpop (xrf0)  }
0xf8: {  	(v2sf) =	vpush v11, $0xF;
	_ =	sdelay $0xe  }
0xf9: {  	s0 =	spop (v2sf)  }
0xfa: {  	p0 =	sgt.s32 s0, $0xFFFFFFFE  }
.Ltmp6:
0xfb: {  	_ = 	snop;
	(pc) =	sbr.rel @p0 .LBB2_13-.Ltmp6, $2  }
0xfc: {  	_ =	sdelay $0x2  }
0xfd: {  	v12 =	vlaneseq.u32;
	v13 =	vimm.f32 $-Inf;
	v11 =	vimm.f32 $-Inf  }
0xfe: {  	s28 =	simm.s32 $0x10100  }
0xff: {  	v13 =	vld [tilespmem:s28+$0x0];
	_ =	sdelay $0x1  }
0x100: {  	s29 =	sadd.s32 $0x80000001, s0;
	s31 =	simm.s32 $0x0  }
0x101: {  	v12 =	vmov s29;
	v14 =	vor.u32 s31, v0  }
0x102: {  	vm6 =	vlt.s32 v14, v12  }
0x103: {  	v13 =	vnsel vm6, $0x0, v13;
	_ =	sdelay $0x4  }
0x104: {  	v14 =	vld.idx.msk [tilespmem:v13+s2+$0x0], $0xffff;
	_ =	sdelay $0x4  }
0x105: {  	v14 =	vnsel vm6, $0xFF800000, v14  }
0x106: {  	(xrf1) =	vsort.dscd.msk.f32 $0xffff, v14, v13;
	_ =	sdelay $0xd  }
0x107: {  	v13, v14, _ =	vpop (xrf1)  }
0x108: {  	[tilespmem:$0x1A180] =	vst v13  }
0x109: {  	[tilespmem:$0x1A200] =	vst v14  }
0x10a: {  	v15 =	vld.idx.msk [tilespmem:v5+s17+$0x0], $0xffff  }
0x10b: {  	v16 =	vld.idx.msk [tilespmem:v5+s18+$0x0], $0xffff;
	_ =	sdelay $0x4  }
0x10c: {  	vm6 =	veq.f32 v13, v15;
	vm7 =	vlt.s32 v14, v16  }
0x10d: {  	vm8 =	vgt.f32 v13, v15;
	vm6 =	vmand vm6, vm7  }
0x10e: {  	vm6 =	vmor vm8, vm6  }
0x10f: {  	vm6 =	vmxor vm6, vm0  }
0x110: {  	v13 =	vsel vm6, v13, v15  }
0x111: {  	v14 =	vsel vm6, v14, v16;
	[tilespmem:$0x1A180] =	vst v13  }
0x112: {  	[tilespmem:$0x1A200] =	vst v14  }
0x113: {  	v15 =	vld.idx.msk [tilespmem:v6+s17+$0x0], $0xffff  }
0x114: {  	v16 =	vld.idx.msk [tilespmem:v6+s18+$0x0], $0xffff;
	_ =	sdelay $0x4  }
0x115: {  	vm6 =	veq.f32 v13, v15;
	vm7 =	vlt.s32 v14, v16  }
0x116: {  	vm8 =	vgt.f32 v13, v15;
	vm6 =	vmand vm6, vm7  }
0x117: {  	vm6 =	vmor vm8, vm6  }
0x118: {  	vm6 =	vmxor vm6, vm1  }
0x119: {  	vm6 =	vmor vm6, vm2  }
0x11a: {  	v13 =	vsel vm6, v13, v15  }
0x11b: {  	v14 =	vsel vm6, v14, v16;
	[tilespmem:$0x1A180] =	vst v13  }
0x11c: {  	[tilespmem:$0x1A200] =	vst v14  }
0x11d: {  	v15 =	vld.idx.msk [tilespmem:v5+s17+$0x0], $0xffff  }
0x11e: {  	v16 =	vld.idx.msk [tilespmem:v5+s18+$0x0], $0xffff;
	_ =	sdelay $0x4  }
0x11f: {  	vm6 =	veq.f32 v13, v15;
	vm7 =	vlt.s32 v14, v16  }
0x120: {  	vm8 =	vgt.f32 v13, v15;
	vm6 =	vmand vm6, vm7  }
0x121: {  	vm6 =	vmor vm8, vm6  }
0x122: {  	vm6 =	vmxor vm6, vm0  }
0x123: {  	v13 =	vsel vm6, v13, v15  }
0x124: {  	v14 =	vsel vm6, v14, v16;
	[tilespmem:$0x1A180] =	vst v13  }
0x125: {  	[tilespmem:$0x1A200] =	vst v14  }
0x126: {  	v15 =	vld.idx.msk [tilespmem:v6+s17+$0x0], $0xffff  }
0x127: {  	v16 =	vld.idx.msk [tilespmem:v6+s18+$0x0], $0xffff;
	_ =	sdelay $0x4  }
0x128: {  	vm6 =	veq.f32 v13, v15;
	vm7 =	vlt.s32 v14, v16  }
0x129: {  	vm8 =	vgt.f32 v13, v15;
	vm6 =	vmand vm6, vm7  }
0x12a: {  	vm6 =	vmor vm8, vm6  }
0x12b: {  	vm6 =	vmxor vm6, vm1  }
0x12c: {  	vm6 =	vmor vm6, vm2  }
0x12d: {  	v13 =	vsel vm6, v13, v15;
	v14 =	vsel vm6, v14, v16  }
0x12e: {  	v13 =	vperm.xlane v13, v8;
	v14 =	vperm.xlane v14, v8  }
0x12f: {  	v15 =	vimm.f32 $-Inf;
	v16 =	vlaneseq.u32  }
0x130: {  	vm6 =	veq.f32 v15, v13;
	vm7 =	vlt.s32 v16, v14  }
0x131: {  	vm8 =	vgt.f32 v15, v13;
	vm6 =	vmand vm6, vm7  }
0x132: {  	vm6 =	vmor vm8, vm6  }
0x133: {  	v13 =	vsel vm6, v15, v13  }
0x134: {  	v14 =	vsel vm6, v16, v14;
	[tilespmem:$0x1A180] =	vst v13  }
0x135: {  	[tilespmem:$0x1A200] =	vst v14  }
0x136: {  	v15 =	vld.idx.msk [tilespmem:v7+s17+$0x0], $0xffff  }
0x137: {  	v16 =	vld.idx.msk [tilespmem:v7+s18+$0x0], $0xffff;
	_ =	sdelay $0x4  }
0x138: {  	vm6 =	veq.f32 v13, v15;
	vm7 =	vlt.s32 v14, v16  }
0x139: {  	vm8 =	vgt.f32 v13, v15;
	vm6 =	vmand vm6, vm7  }
0x13a: {  	vm6 =	vmor vm8, vm6  }
0x13b: {  	vm6 =	vmxor vm6, vm4  }
0x13c: {  	v13 =	vsel vm6, v13, v15  }
0x13d: {  	v14 =	vsel vm6, v14, v16;
	[tilespmem:$0x1A180] =	vst v13  }
0x13e: {  	[tilespmem:$0x1A200] =	vst v14  }
0x13f: {  	v15 =	vld.idx.msk [tilespmem:v9+s17+$0x0], $0xffff  }
0x140: {  	v16 =	vld.idx.msk [tilespmem:v9+s18+$0x0], $0xffff;
	_ =	sdelay $0x4  }
0x141: {  	vm6 =	veq.f32 v13, v15;
	vm7 =	vlt.s32 v14, v16  }
0x142: {  	vm8 =	vgt.f32 v13, v15;
	vm6 =	vmand vm6, vm7  }
0x143: {  	vm6 =	vmor vm8, vm6  }
0x144: {  	vm6 =	vmxor vm6, vm3  }
0x145: {  	v13 =	vsel vm6, v13, v15  }
0x146: {  	v14 =	vsel vm6, v14, v16;
	[tilespmem:$0x1A180] =	vst v13  }
0x147: {  	[tilespmem:$0x1A200] =	vst v14  }
0x148: {  	v15 =	vld.idx.msk [tilespmem:v10+s17+$0x0], $0xffff  }
0x149: {  	p0 =	sgt.s32 s29, $0x10;
	v16 =	vld.idx.msk [tilespmem:v10+s18+$0x0], $0xffff  }
.Ltmp7:
0x14a: {  	_ = 	snop;
	(pc) =	sbr.rel @!p0 .LBB2_12-.Ltmp7, $2  }
0x14b: {  	_ =	sdelay $0x2  }
0x14c: {  	s30 =	simm.s32 $0x10;
	vm6 =	vgt.f32 v13, v15;
	vm7 =	veq.f32 v13, v15;
	vm8 =	vlt.s32 v14, v16  }
.LBB2_11:
0x14d: {  	vm7 =	vmand vm7, vm8;
	s28 =	sadd.s32 $0x10, s28;
	s0 =	smov.u32 s30;
	s30 =	sadd.s32 $0x10, s30  }
0x14e: {  	p0 =	slt.s32 s30, s29;
	vm6 =	vmor vm6, vm7  }
0x14f: {  	vm6 =	vmxor vm6, vm5  }
0x150: {  	v13 =	vsel vm6, v13, v15;
	v14 =	vsel vm6, v14, v16  }
0x151: {  	[tilespmem:$0x1A180] =	vst v13  }
0x152: {  	[tilespmem:$0x1A200] =	vst v14  }
0x153: {  	v15 =	vld [tilespmem:s28+$0x0]  }
0x154: {  	v16 =	vld.idx.msk [tilespmem:v5+s18+$0x0], $0xffff  }
0x155: {  	v17 =	vld.idx.msk [tilespmem:v5+s17+$0x0], $0xffff  }
0x156: {  	v18 =	vor.u32 s0, v0  }
0x157: {  	vm6 =	vlt.s32 v18, v12  }
0x158: {  	v15 =	vnsel vm6, $0x0, v15;
	_ =	sdelay $0x1  }
0x159: {  	vm7 =	vlt.s32 v14, v16  }
0x15a: {  	vm8 =	vgt.f32 v13, v17;
	vm9 =	veq.f32 v13, v17  }
0x15b: {  	vm7 =	vmand vm9, vm7  }
0x15c: {  	vm7 =	vmor vm8, vm7;
	v18 =	vld.idx.msk [tilespmem:v15+s2+$0x0], $0xffff  }
0x15d: {  	vm7 =	vmxor vm7, vm0  }
0x15e: {  	v13 =	vsel vm7, v13, v17;
	v14 =	vsel vm7, v14, v16;
	_ =	sdelay $0x3  }
0x15f: {  	v16 =	vnsel vm6, $0xFF800000, v18  }
0x160: {  	(xrf1) =	vsort.dscd.msk.f32 $0xffff, v16, v15;
	_ =	sdelay $0xd  }
0x161: {  	v15, v16, _ =	vpop (xrf1)  }
0x162: {  	[tilespmem:$0x1A180] =	vst v15  }
0x163: {  	[tilespmem:$0x1A200] =	vst v16  }
0x164: {  	v17 =	vld.idx.msk [tilespmem:v5+s17+$0x0], $0xffff  }
0x165: {  	v18 =	vld.idx.msk [tilespmem:v5+s18+$0x0], $0xffff;
	_ =	sdelay $0x4  }
0x166: {  	vm6 =	vgt.f32 v15, v17;
	vm7 =	veq.f32 v15, v17  }
0x167: {  	vm8 =	vlt.s32 v16, v18  }
0x168: {  	vm7 =	vmand vm7, vm8  }
0x169: {  	vm6 =	vmor vm6, vm7  }
0x16a: {  	vm6 =	vmxor vm6, vm0  }
0x16b: {  	v15 =	vsel vm6, v15, v17;
	v16 =	vsel vm6, v16, v18  }
0x16c: {  	[tilespmem:$0x1A180] =	vst v15  }
0x16d: {  	[tilespmem:$0x1A200] =	vst v16  }
0x16e: {  	v17 =	vld.idx.msk [tilespmem:v6+s17+$0x0], $0xffff  }
0x16f: {  	v18 =	vld.idx.msk [tilespmem:v6+s18+$0x0], $0xffff;
	_ =	sdelay $0x4  }
0x170: {  	vm6 =	vgt.f32 v15, v17;
	vm7 =	veq.f32 v15, v17  }
0x171: {  	vm8 =	vlt.s32 v16, v18  }
0x172: {  	vm7 =	vmand vm7, vm8  }
0x173: {  	vm6 =	vmor vm6, vm7  }
0x174: {  	vm6 =	vmxor vm6, vm1  }
0x175: {  	vm6 =	vmor vm6, vm2  }
0x176: {  	v15 =	vsel vm6, v15, v17;
	v16 =	vsel vm6, v16, v18  }
0x177: {  	[tilespmem:$0x1A180] =	vst v15  }
0x178: {  	[tilespmem:$0x1A200] =	vst v16  }
0x179: {  	v17 =	vld.idx.msk [tilespmem:v5+s17+$0x0], $0xffff  }
0x17a: {  	v18 =	vld.idx.msk [tilespmem:v5+s18+$0x0], $0xffff;
	_ =	sdelay $0x4  }
0x17b: {  	vm6 =	vgt.f32 v15, v17;
	vm7 =	veq.f32 v15, v17  }
0x17c: {  	vm8 =	vlt.s32 v16, v18  }
0x17d: {  	vm7 =	vmand vm7, vm8  }
0x17e: {  	vm6 =	vmor vm6, vm7  }
0x17f: {  	vm6 =	vmxor vm6, vm0  }
0x180: {  	v15 =	vsel vm6, v15, v17;
	v16 =	vsel vm6, v16, v18  }
0x181: {  	[tilespmem:$0x1A180] =	vst v15  }
0x182: {  	[tilespmem:$0x1A200] =	vst v16  }
0x183: {  	v17 =	vld.idx.msk [tilespmem:v6+s17+$0x0], $0xffff  }
0x184: {  	v18 =	vld.idx.msk [tilespmem:v6+s18+$0x0], $0xffff;
	_ =	sdelay $0x4  }
0x185: {  	vm6 =	vgt.f32 v15, v17;
	vm7 =	veq.f32 v15, v17  }
0x186: {  	vm8 =	vlt.s32 v16, v18  }
0x187: {  	vm7 =	vmand vm7, vm8  }
0x188: {  	vm6 =	vmor vm6, vm7  }
0x189: {  	vm6 =	vmxor vm6, vm1  }
0x18a: {  	vm6 =	vmor vm6, vm2  }
0x18b: {  	v15 =	vsel vm6, v15, v17;
	v16 =	vsel vm6, v16, v18  }
0x18c: {  	v15 =	vperm.xlane v15, v8;
	v16 =	vperm.xlane v16, v8;
	_ =	sdelay $0x1  }
0x18d: {  	vm6 =	veq.f32 v13, v15;
	vm7 =	vlt.s32 v14, v16  }
0x18e: {  	vm8 =	vgt.f32 v13, v15;
	vm6 =	vmand vm6, vm7  }
0x18f: {  	vm6 =	vmor vm8, vm6  }
0x190: {  	v13 =	vsel vm6, v13, v15;
	v14 =	vsel vm6, v14, v16  }
0x191: {  	[tilespmem:$0x1A180] =	vst v13  }
0x192: {  	[tilespmem:$0x1A200] =	vst v14  }
0x193: {  	v15 =	vld.idx.msk [tilespmem:v7+s17+$0x0], $0xffff  }
0x194: {  	v16 =	vld.idx.msk [tilespmem:v7+s18+$0x0], $0xffff;
	_ =	sdelay $0x4  }
0x195: {  	vm6 =	vgt.f32 v13, v15;
	vm7 =	veq.f32 v13, v15  }
0x196: {  	vm8 =	vlt.s32 v14, v16  }
0x197: {  	vm7 =	vmand vm7, vm8  }
0x198: {  	vm6 =	vmor vm6, vm7  }
0x199: {  	vm6 =	vmxor vm6, vm4  }
0x19a: {  	v13 =	vsel vm6, v13, v15;
	v14 =	vsel vm6, v14, v16  }
0x19b: {  	[tilespmem:$0x1A180] =	vst v13  }
0x19c: {  	[tilespmem:$0x1A200] =	vst v14  }
0x19d: {  	v15 =	vld.idx.msk [tilespmem:v9+s17+$0x0], $0xffff  }
0x19e: {  	v16 =	vld.idx.msk [tilespmem:v9+s18+$0x0], $0xffff;
	_ =	sdelay $0x4  }
0x19f: {  	vm6 =	vgt.f32 v13, v15;
	vm7 =	veq.f32 v13, v15  }
0x1a0: {  	vm8 =	vlt.s32 v14, v16  }
0x1a1: {  	vm7 =	vmand vm7, vm8  }
0x1a2: {  	vm6 =	vmor vm6, vm7  }
0x1a3: {  	vm6 =	vmxor vm6, vm3  }
0x1a4: {  	v13 =	vsel vm6, v13, v15;
	v14 =	vsel vm6, v14, v16  }
0x1a5: {  	[tilespmem:$0x1A180] =	vst v13  }
0x1a6: {  	[tilespmem:$0x1A200] =	vst v14  }
0x1a7: {  	v15 =	vld.idx.msk [tilespmem:v10+s17+$0x0], $0xffff  }
0x1a8: {  	v16 =	vld.idx.msk [tilespmem:v10+s18+$0x0], $0xffff;
	_ =	sdelay $0x1  }
.Ltmp8:
0x1a9: {  	(pc) =	sbr.rel @p0 .LBB2_11-.Ltmp8, $3  }
0x1aa: {  	_ =	sdelay $0x1  }
0x1ab: {  	vm6 =	vgt.f32 v13, v15;
	vm7 =	veq.f32 v13, v15  }
0x1ac: {  	vm8 =	vlt.s32 v14, v16  }
.LBB2_12:
0x1ad: {  	vm7 =	vmand vm7, vm8  }
0x1ae: {  	vm6 =	vmor vm6, vm7  }
0x1af: {  	vm6 =	vmxor vm6, vm5  }
0x1b0: {  	v12 =	vsel vm6, v13, v15  }
0x1b1: {  	v14 =	vsel vm6, v14, v16;
	[tilespmem:$0x1A180] =	vst v12  }
0x1b2: {  	[tilespmem:$0x1A200] =	vst v14  }
0x1b3: {  	v15 =	vld.idx.msk [tilespmem:v5+s18+$0x0], $0xffff  }
0x1b4: {  	v13 =	vld.idx.msk [tilespmem:v5+s17+$0x0], $0xffff;
	_ =	sdelay $0x4  }
0x1b5: {  	vm6 =	vlt.s32 v14, v15;
	vm7 =	veq.f32 v12, v13  }
0x1b6: {  	vm15 =	vgt.f32 v12, v13;
	vm6 =	vmand vm7, vm6  }
0x1b7: {  	vm6 =	vmor vm15, vm6  }
0x1b8: {  	vm6 =	vmxor vm6, vm0  }
0x1b9: {  	v13 =	vsel vm6, v12, v13;
	v12 =	vsel vm6, v14, v15  }
.LBB2_13:
0x1ba: {  	[tilespmem:$0x1A280] =	vst v13  }
0x1bb: {  	[tilespmem:$0x1A300] =	vst v12  }
0x1bc: {  	[tilespmem:s2], [sflag:$0x1] =	stream.strided.gather [hbm4b:s6+s11], $0x8000, s12, s11, $0x38;
	[tilespmem:$0x1A400] =	vst v63  }
0x1bd: {  	_ =	swait.ge [sflag:s19], $0x8000  }
0x1be: {  	[sflag:s19] =	ssyncset.done $0x0  }
0x1bf: {  	s0 =	simm.s32 $0x8180;
	[sflag:s19] =	ssyncadd.s32 $0xFFFF8000  }
0x1c0: {  	v18 =	vld [tilespmem:s0+$0x70]  }
0x1c1: {  	v19 =	vld [tilespmem:s0+$0xFFFFFFF0]  }
0x1c2: {  	v20 =	vld [tilespmem:s0+$0xD0]  }
0x1c3: {  	v21 =	vld [tilespmem:s0+$0xFFFFFF70]  }
0x1c4: {  	v22 =	vld [tilespmem:s0+$0xFFFFFFE0]  }
0x1c5: {  	v23 =	vld [tilespmem:s0+$0xC0]  }
0x1c6: {  	v24 =	vld [tilespmem:s0+$0xFFFFFF60]  }
0x1c7: {  	v25 =	vld [tilespmem:s0+$0x40]  }
0x1c8: {  	v26 =	vld [tilespmem:s0+$0xB0]  }
0x1c9: {  	v27 =	vld [tilespmem:s0+$0xFFFFFF50]  }
0x1ca: {  	v28 =	vld [tilespmem:s0+$0x30]  }
0x1cb: {  	v29 =	vld [tilespmem:s0+$0xA0]  }
0x1cc: {  	v30 =	vld [tilespmem:s0+$0xFFFFFF40]  }
0x1cd: {  	v31 =	vld [tilespmem:s0+$0x20]  }
0x1ce: {  	v32 =	vld [tilespmem:s0+$0x80]  }
0x1cf: {  	v33 =	vld [tilespmem:s0+$0x90]  }
0x1d0: {  	v34 =	vld [tilespmem:s0+$0xFFFFFFA0]  }
0x1d1: {  	v35 =	vld [tilespmem:s0+$0x0]  }
0x1d2: {  	v36 =	vld [tilespmem:s0+$0x10]  }
0x1d3: {  	v37 =	vld [tilespmem:s0+$0xFFFFFF80]  }
0x1d4: {  	v38 =	vld [tilespmem:s0+$0xFFFFFF90]  }
0x1d5: {  	v39 =	vld [tilespmem:s0+$0xFFFFFF00]  }
0x1d6: {  	v40 =	vld [tilespmem:s0+$0xFFFFFF10]  }
0x1d7: {  	v41 =	vld [tilespmem:s0+$0xFFFFFF20]  }
0x1d8: {  	v42 =	vld [tilespmem:s0+$0xFFFFFF30]  }
0x1d9: {  	v43 =	vld [tilespmem:s0+$0xFFFFFFB0]  }
0x1da: {  	v44 =	vld [tilespmem:s0+$0xFFFFFFC0]  }
0x1db: {  	v45 =	vld [tilespmem:s0+$0xFFFFFFD0]  }
0x1dc: {  	v46 =	vld [tilespmem:s0+$0x50]  }
0x1dd: {  	v47 =	vld [tilespmem:s0+$0x60]  }
0x1de: {  	v48 =	vld [tilespmem:s0+$0xE0]  }
0x1df: {  	s1 =	simm.s32 $0x8380;
	v49 =	vld [tilespmem:s0+$0xF0]  }
0x1e0: {  	v12 =	vld [tilespmem:s1+$0x70]  }
0x1e1: {  	v15 =	vld [tilespmem:s1+$0xFFFFFFF0]  }
0x1e2: {  	v13 =	vld [tilespmem:s1+$0xD0]  }
0x1e3: {  	v14 =	vld [tilespmem:s1+$0xFFFFFF70]  }
0x1e4: {  	v16 =	vld [tilespmem:s1+$0xFFFFFFE0]  }
0x1e5: {  	v50 =	vld [tilespmem:s1+$0xC0]  }
0x1e6: {  	v17 =	vld [tilespmem:s1+$0xFFFFFF60]  }
0x1e7: {  	v51 =	vld [tilespmem:s1+$0x40]  }
0x1e8: {  	v52 =	vld [tilespmem:s1+$0xB0]  }
0x1e9: {  	v53 =	vld [tilespmem:s1+$0xFFFFFF50]  }
0x1ea: {  	v54 =	vld [tilespmem:s1+$0x30]  }
0x1eb: {  	v55 =	vld [tilespmem:s1+$0xA0]  }
0x1ec: {  	v56 =	vld [tilespmem:s1+$0xFFFFFF40]  }
0x1ed: {  	v57 =	vld [tilespmem:s1+$0x20]  }
0x1ee: {  	v58 =	vld [tilespmem:s1+$0x80]  }
0x1ef: {  	v59 =	vld [tilespmem:s1+$0xFFFFFF80];
	v35 =	vmax.f32 v35, v36  }
0x1f0: {  	v60 =	vld [tilespmem:s1+$0xFFFFFF00];
	v32 =	vmax.f32 v32, v33;
	v63 =	vmax.f32 v39, v40;
	v37 =	vmax.f32 v37, v38  }
0x1f1: {  	v36 =	vld [tilespmem:s1+$0x90];
	v29 =	vmax.f32 v32, v29;
	v39 =	vmax.f32 v63, v41;
	v31 =	vmax.f32 v35, v31  }
0x1f2: {  	v38 =	vld [tilespmem:s1+$0xFFFFFFA0];
	v34 =	vmax.f32 v37, v34;
	v32 =	vmax.f32 v39, v42;
	v28 =	vmax.f32 v31, v28  }
0x1f3: {  	v40 =	vld [tilespmem:s1+$0x0];
	v26 =	vmax.f32 v29, v26;
	v43 =	vmax.f32 v34, v43;
	v42 =	vmax.f32 v32, v30  }
0x1f4: {  	v41 =	vld [tilespmem:s1+$0x10];
	v23 =	vmax.f32 v26, v23;
	v26 =	vmax.f32 v42, v27;
	v27 =	vmax.f32 v43, v44  }
0x1f5: {  	v25 =	vmax.f32 v28, v25;
	v24 =	vmax.f32 v26, v24;
	v26 =	vmax.f32 v27, v45;
	v27 =	vld [tilespmem:s1+$0xFFFFFF10]  }
0x1f6: {  	v20 =	vmax.f32 v23, v20;
	v23 =	vmax.f32 v25, v46;
	v25 =	vld [tilespmem:s1+$0xFFFFFF90];
	v22 =	vmax.f32 v26, v22  }
0x1f7: {  	v21 =	vmax.f32 v24, v21;
	v22 =	vmax.f32 v22, v19;
	v19 =	vmax.f32 v23, v47;
	v23 =	vld [tilespmem:s1+$0xFFFFFF20]  }
0x1f8: {  	v26 =	vld [tilespmem:s1+$0xFFFFFF30];
	v11 =	vmax.f32 v11, v21;
	v24 =	vmax.f32 v19, v18;
	v18 =	vmax.f32 v20, v48  }
0x1f9: {  	v62 =	vld [tilespmem:s1+$0xFFFFFFB0];
	v11 =	vmax.f32 v11, v22;
	v19 =	vmax.f32 v58, v36;
	v61 =	vmax.f32 v18, v49  }
0x1fa: {  	s28 =	simm.s32 $0x18120;
	v18 =	vmax.f32 v40, v41;
	v11 =	vmax.f32 v11, v24;
	v20 =	vmax.f32 v60, v27;
	v27 =	vld [tilespmem:s1+$0xFFFFFFC0]  }
0x1fb: {  	[tilespmem:s28+$0xFFFFFFE0] =	vst v21;
	v25 =	vmax.f32 v59, v25;
	v63 =	vmax.f32 v19, v55;
	v19 =	vld [tilespmem:s1+$0xFFFFFFD0];
	v18 =	vmax.f32 v18, v57  }
0x1fc: {  	[tilespmem:s28+$0xFFFFFFF0] =	vst v22;
	v11 =	vmax.f32 v11, v61;
	v22 =	vmax.f32 v18, v54;
	v21 =	vmax.f32 v20, v23;
	v20 =	vld [tilespmem:s1+$0x50]  }
0x1fd: {  	v18 =	vld [tilespmem:s1+$0x60];
	v23 =	vmax.f32 v25, v38;
	v25 =	vmax.f32 v63, v52;
	v21 =	vmax.f32 v21, v26  }
0x1fe: {  	[tilespmem:s28+$0x0] =	vst v24;
	v26 =	vmax.f32 v23, v62;
	v23 =	vmax.f32 v25, v50;
	v24 =	vmax.f32 v21, v56;
	v21 =	vld [tilespmem:s1+$0xE0]  }
0x1ff: {  	s29 =	simm.s32 $0x4;
	s30 =	simm.s32 $0x8580;
	[tilespmem:s28+$0x10] =	vst v61;
	v25 =	vmax.f32 v24, v53;
	v26 =	vmax.f32 v26, v27;
	v24 =	vmax.f32 v22, v51;
	v22 =	vld [tilespmem:s1+$0xF0]  }
.LBB2_14:
0x200: {  	v27 =	vld [tilespmem:s30+$0x70];
	v17 =	vmax.f32 v25, v17;
	v19 =	vmax.f32 v26, v19;
	v23 =	vmax.f32 v23, v13  }
0x201: {  	s28 =	sadd.s32 $0x40, s28;
	v25 =	vld [tilespmem:s30+$0xFFFFFFF0];
	v14 =	vmax.f32 v17, v14;
	v16 =	vmax.f32 v19, v16;
	v17 =	vmax.f32 v24, v20  }
0x202: {  	v13 =	vld [tilespmem:s30+$0xD0];
	[tilespmem:s28+$0xFFFFFFE0] =	vst v14;
	v11 =	vmax.f32 v11, v14;
	v15 =	vmax.f32 v16, v15;
	v16 =	vmax.f32 v17, v18  }
0x203: {  	v14 =	vld [tilespmem:s30+$0xFFFFFF70];
	[tilespmem:s28+$0xFFFFFFF0] =	vst v15;
	v11 =	vmax.f32 v11, v15;
	v17 =	vmax.f32 v16, v12;
	v15 =	vmax.f32 v23, v21  }
0x204: {  	v16 =	vld [tilespmem:s30+$0xFFFFFFE0];
	[tilespmem:s28+$0x0] =	vst v17;
	v11 =	vmax.f32 v11, v17;
	v18 =	vmax.f32 v15, v22  }
0x205: {  	v21 =	vld [tilespmem:s30+$0xC0];
	[tilespmem:s28+$0x10] =	vst v18;
	v11 =	vmax.f32 v11, v18;
	v12 =	vmov v27  }
0x206: {  	v17 =	vld [tilespmem:s30+$0xFFFFFF60];
	v15 =	vmov v25  }
0x207: {  	v22 =	vld [tilespmem:s30+$0x40]  }
0x208: {  	v23 =	vld [tilespmem:s30+$0xB0]  }
0x209: {  	v24 =	vld [tilespmem:s30+$0xFFFFFF50]  }
0x20a: {  	v18 =	vld [tilespmem:s30+$0x30]  }
0x20b: {  	v20 =	vld [tilespmem:s30+$0xA0]  }
0x20c: {  	v25 =	vld [tilespmem:s30+$0xFFFFFF40]  }
0x20d: {  	v26 =	vld [tilespmem:s30+$0x20]  }
0x20e: {  	v19 =	vld [tilespmem:s30+$0x80]  }
0x20f: {  	v27 =	vld [tilespmem:s30+$0x90]  }
0x210: {  	v28 =	vld [tilespmem:s30+$0xFFFFFFA0]  }
0x211: {  	v29 =	vld [tilespmem:s30+$0x0]  }
0x212: {  	v30 =	vld [tilespmem:s30+$0x10]  }
0x213: {  	v31 =	vld [tilespmem:s30+$0xFFFFFF80]  }
0x214: {  	v32 =	vld [tilespmem:s30+$0xFFFFFF90]  }
0x215: {  	v33 =	vld [tilespmem:s30+$0xFFFFFF00]  }
0x216: {  	s29 =	sadd.s32 $0x4, s29;
	v34 =	vld [tilespmem:s30+$0xFFFFFF10]  }
0x217: {  	p0 =	slt.u32 s29, $0xFC;
	v35 =	vld [tilespmem:s30+$0xFFFFFF20]  }
0x218: {  	v36 =	vld [tilespmem:s30+$0xFFFFFF30]  }
0x219: {  	v37 =	vld [tilespmem:s30+$0xFFFFFFB0]  }
0x21a: {  	v27 =	vmax.f32 v19, v27;
	v29 =	vmax.f32 v29, v30;
	v38 =	vld [tilespmem:s30+$0xFFFFFFC0]  }
.Ltmp9:
0x21b: {  	v27 =	vmax.f32 v27, v20;
	v31 =	vmax.f32 v31, v32;
	v30 =	vmax.f32 v33, v34;
	v19 =	vld [tilespmem:s30+$0xFFFFFFD0];
	(pc) =	sbr.rel @p0 .LBB2_14-.Ltmp9, $4  }
0x21c: {  	v26 =	vmax.f32 v29, v26;
	v28 =	vmax.f32 v31, v28;
	v30 =	vmax.f32 v30, v35;
	v20 =	vld [tilespmem:s30+$0x50]  }
0x21d: {  	v23 =	vmax.f32 v27, v23;
	v29 =	vmax.f32 v30, v36;
	v30 =	vmax.f32 v26, v18;
	v18 =	vld [tilespmem:s30+$0x60]  }
0x21e: {  	v23 =	vmax.f32 v23, v21;
	v25 =	vmax.f32 v29, v25;
	v26 =	vmax.f32 v28, v37;
	v21 =	vld [tilespmem:s30+$0xE0]  }
0x21f: {  	v25 =	vmax.f32 v25, v24;
	v26 =	vmax.f32 v26, v38;
	v24 =	vmax.f32 v30, v22;
	v22 =	vld [tilespmem:s30+$0xF0];
	s30 =	sadd.s32 $0x200, s30  }
0x220: {  	v17 =	vmax.f32 v25, v17;
	v19 =	vmax.f32 v26, v19;
	v13 =	vmax.f32 v23, v13  }
0x221: {  	v14 =	vmax.f32 v17, v14;
	v16 =	vmax.f32 v19, v16;
	v17 =	vmax.f32 v24, v20  }
0x222: {  	v11 =	vmax.f32 v11, v14;
	v15 =	vmax.f32 v16, v15;
	v16 =	vmax.f32 v17, v18  }
0x223: {  	v11 =	vmax.f32 v11, v15;
	v12 =	vmax.f32 v16, v12;
	v13 =	vmax.f32 v13, v21  }
0x224: {  	v11 =	vmax.f32 v11, v12;
	v13 =	vmax.f32 v13, v22  }
0x225: {  	s0 =	sadd.s32 $0x40, s28;
	v11 =	vmax.f32 v11, v13  }
0x226: {  	[tilespmem:s0+$0xFFFFFFE0] =	vst v14;
	(xrf0) =	vmin.scan.msk.f32 $0xffff, v11  }
0x227: {  	[tilespmem:s0+$0xFFFFFFF0] =	vst v15  }
0x228: {  	[tilespmem:s0+$0x0] =	vst v12  }
0x229: {  	s20 =	simm.s32 $0x18120;
	[tilespmem:s0+$0x10] =	vst v13  }
0x22a: {  	v12 =	vld [tilespmem:s20+$0x0]  }
0x22b: {  	v13 =	vld [tilespmem:s20+$0xFFFFFFE0]  }
0x22c: {  	v14 =	vld [tilespmem:s20+$0xFFFFFFF0];
	v11, _, _ =	vpop (xrf0)  }
0x22d: {  	v15 =	vld [tilespmem:s20+$0x10];
	v11 =	vbroadcast v11, $0xF  }
0x22e: {  	s21 =	simm.s32 $0x18160  }
0x22f: {  	v22 =	vld [tilespmem:s21+$0x10];
	vm6 =	vge.f32 v12, v11  }
0x230: {  	vm7 =	vge.f32 v13, v11;
	v12 =	vsel vm6, $0x1, v1  }
0x231: {  	v19 =	vld [tilespmem:s21+$0xFFFFFFE0];
	vm10 =	vge.f32 v14, v11;
	v13 =	vsel vm7, $0x1, v1;
	(xrf0) =	vadd.scan.msk.s32 $0xffff, v12  }
0x232: {  	v20 =	vld [tilespmem:s21+$0xFFFFFFF0];
	vm11 =	vge.f32 v15, v11;
	v12 =	vsel vm10, $0x1, v1;
	(xrf0) =	vadd.scan.msk.s32 $0xffff, v13  }
0x233: {  	v17 =	vimm.s32 $0xFFFFFFFF;
	v15 =	vld [tilespmem:s21+$0x0];
	v14 =	vsel vm11, $0x1, v1;
	(xrf0) =	vadd.scan.msk.s32 $0xffff, v12  }
0x234: {  	s1 =	simm.s32 $0x20;
	vm13 =	vge.f32 v22, v11;
	v16 =	vmpcnt.ones.xlane vm7;
	v18 =	vmpcnt.ones.xlane vm10;
	(xrf0) =	vadd.scan.msk.s32 $0xffff, v14  }
0x235: {  	v22 =	vor.u32 s1, v0;
	vm8 =	vmmov vm6;
	vm9 =	vmmov vm7  }
0x236: {  	vm7 =	vmmov vm10;
	vm6 =	vmmov vm11;
	v16 =	vadd.s32 v17, v16  }
0x237: {  	vm11 =	vge.f32 v20, v11;
	v23 =	vmpcnt.ones.xlane vm8;
	v21 =	vadd.s32 v16, v18;
	v14, _, _ =	vpop (xrf0)  }
0x238: {  	vm10 =	vge.f32 v19, v11;
	vm12 =	vge.f32 v15, v11;
	v14 =	vadd.s32 v21, v14;
	v18, _, _ =	vpop (xrf0)  }
0x239: {  	v20 =	vmpcnt.ones.xlane vm11;
	v63 =	vsel vm12, $0x1, v1;
	v15 =	vadd.s32 v17, v18;
	v17, _, _ =	vpop (xrf0)  }
0x23a: {  	s28 =	simm.s32 $0x0;
	v19 =	vadd.s32 v21, v23;
	v23 =	vsel vm10, $0x1, v1;
	(xrf0) =	vadd.scan.msk.s32 $0xffff, v63;
	v17 =	vadd.s32 v16, v17;
	v16, _, _ =	vpop (xrf0)  }
0x23b: {  	s31 =	simm.s32 $0x40;
	s30 =	simm.s32 $0x30;
	s3 =	simm.s32 $0x4;
	v13 =	vor.u32 s28, v0;
	(xrf0) =	vadd.scan.msk.s32 $0xffff, v23;
	v18 =	vmpcnt.ones.xlane vm6;
	v16 =	vadd.s32 v19, v16  }
0x23c: {  	s29 =	simm.s32 $0x70;
	s0 =	simm.s32 $0x181A0;
	s1 =	simm.s32 $0x40;
	v12 =	vor.u32 s31, v0;
	v21 =	vsel vm11, $0x1, v1;
	v23 =	vsel vm13, $0x1, v1  }
.LBB2_16:
0x23d: {  	v24 =	vld [tilespmem:s0+$0x0];
	s3 =	sadd.s32 $0x4, s3;
	v25 =	vmpcnt.ones.xlane vm10;
	s31 =	sadd.s32 $0x40, s31;
	(xrf0) =	vadd.scan.msk.s32 $0xffff, v21;
	s20 =	sadd.s32 $0x10, s28;
	[tilespmem:v14+s15+$0x0] =	vst.idx.msk vm8, v22;
	v18 =	vadd.s32 v19, v18  }
0x23e: {  	s28 =	smov.u32 s1;
	v19 =	vld [tilespmem:s0+$0xFFFFFFE0];
	s21 =	sadd.s32 $0x30, s31;
	p0 =	slt.u32 s3, $0xFC;
	(xrf0) =	vadd.scan.msk.s32 $0xffff, v23;
	[tilespmem:v15+s15+$0x0] =	vst.idx.msk vm9, v13;
	v14 =	vor.u32 s20, v0;
	v13 =	vmovc v12;
	v12 =	vor.u32 s31, v0  }
0x23f: {  	vm8 =	vmmov vm12;
	s1 =	smov.u32 s31;
	v21 =	vld [tilespmem:s0+$0xFFFFFFF0];
	v22 =	vadd.s32 v18, v25;
	[tilespmem:v17+s15+$0x0] =	vst.idx.msk vm7, v14;
	v14 =	vor.u32 s30, v0;
	s30 =	smov.u32 s29;
	s29 =	smov.u32 s21  }
0x240: {  	vm9 =	vmmov vm10;
	vm7 =	vmmov vm11;
	v23 =	vld [tilespmem:s0+$0x10];
	v17 =	vadd.s32 v22, v20;
	v15, _, _ =	vpop (xrf0);
	[tilespmem:v16+s15+$0x0] =	vst.idx.msk vm6, v14  }
0x241: {  	v25 =	vmpcnt.ones.xlane vm8;
	vm6 =	vmmov vm13;
	v14 =	vadd.s32 v17, v15;
	v15, _, _ =	vpop (xrf0)  }
.Ltmp10:
0x242: {  	vm12 =	vge.f32 v24, v11;
	v15 =	vadd.s32 v18, v15;
	v18 =	vmpcnt.ones.xlane vm6;
	(pc) =	sbr.rel @p0 .LBB2_16-.Ltmp10, $4  }
0x243: {  	vm10 =	vge.f32 v19, v11;
	v20 =	vsel vm12, $0x1, v1;
	v19 =	vadd.s32 v17, v25;
	v16, _, _ =	vpop (xrf0)  }
0x244: {  	s20 =	sadd.s32 $0x20, s28;
	v24 =	vsel vm10, $0x1, v1;
	vm11 =	vge.f32 v21, v11;
	(xrf0) =	vadd.scan.msk.s32 $0xffff, v20;
	v17 =	vadd.s32 v22, v16;
	v16, _, _ =	vpop (xrf0)  }
0x245: {  	v21 =	vsel vm11, $0x1, v1;
	vm13 =	vge.f32 v23, v11;
	(xrf0) =	vadd.scan.msk.s32 $0xffff, v24;
	v16 =	vadd.s32 v19, v16  }
0x246: {  	s0 =	sadd.s32 $0x40, s0;
	v22 =	vor.u32 s20, v0;
	v20 =	vmpcnt.ones.xlane vm11;
	v23 =	vsel vm13, $0x1, v1  }
0x247: {  	v24 =	vmpcnt.ones.xlane vm10  }
0x248: {  	v18 =	vadd.s32 v19, v18;
	vm14 =	vmmov vm12  }
0x249: {  	vm12 =	vmmov vm13;
	v57 =	vmpcnt.ones.xlane vm14;
	v19 =	vadd.s32 v18, v24  }
0x24a: {  	v25 =	vmpcnt.ones.xlane vm12;
	v20 =	vadd.s32 v19, v20  }
0x24b: {  	v24 =	vadd.s32 v20, v57  }
0x24c: {  	(xrf0) =	vadd.scan.msk.s32 $0xffff, v21;
	v58 =	vadd.s32 v24, v25  }
0x24d: {  	(xrf0) =	vadd.scan.msk.s32 $0xffff, v23;
	v21 =	vxor.u32 $0x80000000, v58  }
0x24e: {  	(xrf0) =	vmax.scan.msk.u32 $0xffff, v21;
	_ =	sdelay $0x1  }
0x24f: {  	v59, _, _ =	vpop (xrf0)  }
0x250: {  	v60, _, _ =	vpop (xrf0)  }
0x251: {  	v61, _, _ =	vpop (xrf0)  }
0x252: {  	v26, _, _ =	vpop (xrf0)  }
0x253: {  	v27, _, _ =	vpop (xrf0)  }
0x254: {  	(v2sf) =	vpush v27, $0xF;
	_ =	sdelay $0xc  }
0x255: {  	vm12 =	vmmov vm10;
	v20 =	vadd.s32 v20, v59  }
0x256: {  	[tilespmem:v14+s15+$0x0] =	vst.idx.msk vm8, v22;
	s0 =	sadd.s32 $0x10, s28;
	v14 =	vadd.s32 v18, v60  }
0x257: {  	[tilespmem:v15+s15+$0x0] =	vst.idx.msk vm9, v13;
	v13 =	vor.u32 s0, v0;
	v15 =	vadd.s32 v19, v61;
	s3 =	spop (v2sf)  }
0x258: {  	s20 =	sadd.s32 $0x20, s1;
	[tilespmem:v17+s15+$0x0] =	vst.idx.msk vm7, v13;
	v13 =	vor.u32 s30, v0;
	v62 =	vadd.s32 v24, v26;
	s0 =	sadd.s32 $0x80000001, s3  }
0x259: {  	v63 =	vor.u32 s20, v0;
	[tilespmem:v16+s15+$0x0] =	vst.idx.msk vm6, v13;
	p0 =	sgt.s32 s3, $0xFFFFFFFE;
	v13 =	vadd.s32 s0, v0  }
.Ltmp11:
0x25a: {  	s31 =	sadd.s32 $0x10, s1;
	[tilespmem:v20+s15+$0x0] =	vst.idx.msk vm14, v63;
	(pc) =	sbr.rel @p0 .LBB2_21-.Ltmp11, $4  }
0x25b: {  	[tilespmem:v14+s15+$0x0] =	vst.idx.msk vm12, v12;
	v12 =	vor.u32 s31, v0  }
0x25c: {  	[tilespmem:v15+s15+$0x0] =	vst.idx.msk vm11, v12;
	v12 =	vor.u32 s29, v0  }
0x25d: {  	[tilespmem:v62+s15+$0x0] =	vst.idx.msk vm13, v12  }
0x25e: {  	vm15 =	vmmov vm11;
	v12 =	vimm.s32 $0x7FFFFFFF;
	[tilespmem:v13+s15+$0x0] =	vst.idx.msk $0xffff, v2  }
0x25f: {  	s1 =	simm.s32 $0x0;
	v12 =	vimm.s32 $0xFFFFFFFF  }
.LBB2_19:
0x260: {  	v13 =	vor.u32 s1, v3;
	_ =	sdelay $0x4  }
0x261: {  	v13 =	vld.idx.msk [tilespmem:v13+s15+$0x0], $0xffff;
	_ =	sdelay $0x4  }
0x262: {  	v14 =	vshll.u32 v13, $0x3  }
0x263: {  	v13 =	vand.u32 $0xF, v13;
	v14 =	vand.u32 $0xFFFFFF80, v14  }
0x264: {  	v13 =	vor.u32 v14, v13  }
0x265: {  	v13 =	vor.u32 v4, v13;
	_ =	sdelay $0x4  }
0x266: {  	v14 =	vld.idx.msk [tilespmem:v13+s13+$0x0], $0xffff;
	_ =	sdelay $0x4  }
0x267: {  	vm6 =	vge.f32 v14, v11  }
0x268: {  	v14 =	vsel vm6, $0x1, v1  }
0x269: {  	(xrf0) =	vadd.scan.msk.s32 $0xffff, v14;
	_ =	sdelay $0x5  }
0x26a: {  	s1 =	sadd.s32 $0x2, s1;
	v14, _, _ =	vpop (xrf0)  }
0x26b: {  	p0 =	slt.s32 s1, s0;
	v14 =	vadd.s32 v12, v14  }
.Ltmp12:
0x26c: {  	_ = 	snop;
	(pc) =	sbr.rel @p0 .LBB2_19-.Ltmp12, $3  }
0x26d: {  	_ = 	snop  }
0x26e: {  	v15 =	vmpcnt.ones.xlane vm6;
	_ =	sdelay $0x1  }
0x26f: {  	v12 =	vadd.s32 v12, v15;
	[tilespmem:v14+s16+$0x0] =	vst.idx.msk vm6, v13  }
0x270: {  	v12 =	vxor.u32 $0x80000000, v12  }
.LBB2_21:
0x271: {  	(xrf0) =	vmax.scan.msk.u32 $0xffff, v12;
	_ =	sdelay $0x5  }
0x272: {  	v11, _, _ =	vpop (xrf0)  }
0x273: {  	(v2sf) =	vpush v11, $0xF;
	_ =	sdelay $0xe  }
0x274: {  	s0 =	spop (v2sf)  }
0x275: {  	p0 =	sgt.s32 s0, $0xFFFFFFFE  }
.Ltmp13:
0x276: {  	_ = 	snop;
	(pc) =	sbr.rel @p0 .LBB2_25-.Ltmp13, $2  }
0x277: {  	_ =	sdelay $0x2  }
0x278: {  	v12 =	vlaneseq.u32;
	v13 =	vimm.f32 $-Inf;
	v11 =	vimm.f32 $-Inf  }
0x279: {  	s28 =	simm.s32 $0x10100  }
0x27a: {  	v13 =	vld [tilespmem:s28+$0x0];
	_ =	sdelay $0x1  }
0x27b: {  	s29 =	sadd.s32 $0x80000001, s0;
	s31 =	simm.s32 $0x0  }
0x27c: {  	v12 =	vmov s29;
	v14 =	vor.u32 s31, v0  }
0x27d: {  	vm6 =	vlt.s32 v14, v12  }
0x27e: {  	v13 =	vnsel vm6, $0x0, v13;
	_ =	sdelay $0x4  }
0x27f: {  	v14 =	vld.idx.msk [tilespmem:v13+s13+$0x0], $0xffff;
	_ =	sdelay $0x4  }
0x280: {  	v14 =	vnsel vm6, $0xFF800000, v14  }
0x281: {  	(xrf1) =	vsort.dscd.msk.f32 $0xffff, v14, v13;
	_ =	sdelay $0xd  }
0x282: {  	v13, v14, _ =	vpop (xrf1)  }
0x283: {  	[tilespmem:$0x1A180] =	vst v13  }
0x284: {  	[tilespmem:$0x1A200] =	vst v14  }
0x285: {  	v15 =	vld.idx.msk [tilespmem:v5+s17+$0x0], $0xffff  }
0x286: {  	v16 =	vld.idx.msk [tilespmem:v5+s18+$0x0], $0xffff;
	_ =	sdelay $0x4  }
0x287: {  	vm6 =	veq.f32 v13, v15;
	vm7 =	vlt.s32 v14, v16  }
0x288: {  	vm8 =	vgt.f32 v13, v15;
	vm6 =	vmand vm6, vm7  }
0x289: {  	vm6 =	vmor vm8, vm6  }
0x28a: {  	vm6 =	vmxor vm6, vm0  }
0x28b: {  	v13 =	vsel vm6, v13, v15  }
0x28c: {  	v14 =	vsel vm6, v14, v16;
	[tilespmem:$0x1A180] =	vst v13  }
0x28d: {  	[tilespmem:$0x1A200] =	vst v14  }
0x28e: {  	v15 =	vld.idx.msk [tilespmem:v6+s17+$0x0], $0xffff  }
0x28f: {  	v16 =	vld.idx.msk [tilespmem:v6+s18+$0x0], $0xffff;
	_ =	sdelay $0x4  }
0x290: {  	vm6 =	veq.f32 v13, v15;
	vm7 =	vlt.s32 v14, v16  }
0x291: {  	vm8 =	vgt.f32 v13, v15;
	vm6 =	vmand vm6, vm7  }
0x292: {  	vm6 =	vmor vm8, vm6  }
0x293: {  	vm6 =	vmxor vm6, vm1  }
0x294: {  	vm6 =	vmor vm6, vm2  }
0x295: {  	v13 =	vsel vm6, v13, v15  }
0x296: {  	v14 =	vsel vm6, v14, v16;
	[tilespmem:$0x1A180] =	vst v13  }
0x297: {  	[tilespmem:$0x1A200] =	vst v14  }
0x298: {  	v15 =	vld.idx.msk [tilespmem:v5+s17+$0x0], $0xffff  }
0x299: {  	v16 =	vld.idx.msk [tilespmem:v5+s18+$0x0], $0xffff;
	_ =	sdelay $0x4  }
0x29a: {  	vm6 =	veq.f32 v13, v15;
	vm7 =	vlt.s32 v14, v16  }
0x29b: {  	vm8 =	vgt.f32 v13, v15;
	vm6 =	vmand vm6, vm7  }
0x29c: {  	vm6 =	vmor vm8, vm6  }
0x29d: {  	vm6 =	vmxor vm6, vm0  }
0x29e: {  	v13 =	vsel vm6, v13, v15  }
0x29f: {  	v14 =	vsel vm6, v14, v16;
	[tilespmem:$0x1A180] =	vst v13  }
0x2a0: {  	[tilespmem:$0x1A200] =	vst v14  }
0x2a1: {  	v15 =	vld.idx.msk [tilespmem:v6+s17+$0x0], $0xffff  }
0x2a2: {  	v16 =	vld.idx.msk [tilespmem:v6+s18+$0x0], $0xffff;
	_ =	sdelay $0x4  }
0x2a3: {  	vm6 =	veq.f32 v13, v15;
	vm7 =	vlt.s32 v14, v16  }
0x2a4: {  	vm8 =	vgt.f32 v13, v15;
	vm6 =	vmand vm6, vm7  }
0x2a5: {  	vm6 =	vmor vm8, vm6  }
0x2a6: {  	vm6 =	vmxor vm6, vm1  }
0x2a7: {  	vm6 =	vmor vm6, vm2  }
0x2a8: {  	v13 =	vsel vm6, v13, v15;
	v14 =	vsel vm6, v14, v16  }
0x2a9: {  	v13 =	vperm.xlane v13, v8;
	v14 =	vperm.xlane v14, v8  }
0x2aa: {  	v15 =	vimm.f32 $-Inf;
	v16 =	vlaneseq.u32  }
0x2ab: {  	vm6 =	veq.f32 v15, v13;
	vm7 =	vlt.s32 v16, v14  }
0x2ac: {  	vm8 =	vgt.f32 v15, v13;
	vm6 =	vmand vm6, vm7  }
0x2ad: {  	vm6 =	vmor vm8, vm6  }
0x2ae: {  	v13 =	vsel vm6, v15, v13  }
0x2af: {  	v14 =	vsel vm6, v16, v14;
	[tilespmem:$0x1A180] =	vst v13  }
0x2b0: {  	[tilespmem:$0x1A200] =	vst v14  }
0x2b1: {  	v15 =	vld.idx.msk [tilespmem:v7+s17+$0x0], $0xffff  }
0x2b2: {  	v16 =	vld.idx.msk [tilespmem:v7+s18+$0x0], $0xffff;
	_ =	sdelay $0x4  }
0x2b3: {  	vm6 =	veq.f32 v13, v15;
	vm7 =	vlt.s32 v14, v16  }
0x2b4: {  	vm8 =	vgt.f32 v13, v15;
	vm6 =	vmand vm6, vm7  }
0x2b5: {  	vm6 =	vmor vm8, vm6  }
0x2b6: {  	vm6 =	vmxor vm6, vm4  }
0x2b7: {  	v13 =	vsel vm6, v13, v15  }
0x2b8: {  	v14 =	vsel vm6, v14, v16;
	[tilespmem:$0x1A180] =	vst v13  }
0x2b9: {  	[tilespmem:$0x1A200] =	vst v14  }
0x2ba: {  	v15 =	vld.idx.msk [tilespmem:v9+s17+$0x0], $0xffff  }
0x2bb: {  	v16 =	vld.idx.msk [tilespmem:v9+s18+$0x0], $0xffff;
	_ =	sdelay $0x4  }
0x2bc: {  	vm6 =	veq.f32 v13, v15;
	vm7 =	vlt.s32 v14, v16  }
0x2bd: {  	vm8 =	vgt.f32 v13, v15;
	vm6 =	vmand vm6, vm7  }
0x2be: {  	vm6 =	vmor vm8, vm6  }
0x2bf: {  	vm6 =	vmxor vm6, vm3  }
0x2c0: {  	v13 =	vsel vm6, v13, v15  }
0x2c1: {  	v14 =	vsel vm6, v14, v16;
	[tilespmem:$0x1A180] =	vst v13  }
0x2c2: {  	[tilespmem:$0x1A200] =	vst v14  }
0x2c3: {  	v15 =	vld.idx.msk [tilespmem:v10+s17+$0x0], $0xffff  }
0x2c4: {  	p0 =	sgt.s32 s29, $0x10;
	v16 =	vld.idx.msk [tilespmem:v10+s18+$0x0], $0xffff  }
.Ltmp14:
0x2c5: {  	_ = 	snop;
	(pc) =	sbr.rel @!p0 .LBB2_24-.Ltmp14, $2  }
0x2c6: {  	_ =	sdelay $0x2  }
0x2c7: {  	s30 =	simm.s32 $0x10;
	vm6 =	vgt.f32 v13, v15;
	vm7 =	veq.f32 v13, v15;
	vm8 =	vlt.s32 v14, v16  }
.LBB2_23:
0x2c8: {  	vm7 =	vmand vm7, vm8;
	s28 =	sadd.s32 $0x10, s28;
	s0 =	smov.u32 s30;
	s30 =	sadd.s32 $0x10, s30  }
0x2c9: {  	p0 =	slt.s32 s30, s29;
	vm6 =	vmor vm6, vm7  }
0x2ca: {  	vm6 =	vmxor vm6, vm5  }
0x2cb: {  	v13 =	vsel vm6, v13, v15;
	v14 =	vsel vm6, v14, v16  }
0x2cc: {  	[tilespmem:$0x1A180] =	vst v13  }
0x2cd: {  	[tilespmem:$0x1A200] =	vst v14  }
0x2ce: {  	v15 =	vld [tilespmem:s28+$0x0]  }
0x2cf: {  	v16 =	vld.idx.msk [tilespmem:v5+s18+$0x0], $0xffff  }
0x2d0: {  	v17 =	vld.idx.msk [tilespmem:v5+s17+$0x0], $0xffff  }
0x2d1: {  	v18 =	vor.u32 s0, v0  }
0x2d2: {  	vm6 =	vlt.s32 v18, v12  }
0x2d3: {  	v15 =	vnsel vm6, $0x0, v15;
	_ =	sdelay $0x1  }
0x2d4: {  	vm7 =	vlt.s32 v14, v16  }
0x2d5: {  	vm8 =	vgt.f32 v13, v17;
	vm9 =	veq.f32 v13, v17  }
0x2d6: {  	vm7 =	vmand vm9, vm7  }
0x2d7: {  	vm7 =	vmor vm8, vm7;
	v18 =	vld.idx.msk [tilespmem:v15+s13+$0x0], $0xffff  }
0x2d8: {  	vm7 =	vmxor vm7, vm0  }
0x2d9: {  	v13 =	vsel vm7, v13, v17;
	v14 =	vsel vm7, v14, v16;
	_ =	sdelay $0x3  }
0x2da: {  	v16 =	vnsel vm6, $0xFF800000, v18  }
0x2db: {  	(xrf1) =	vsort.dscd.msk.f32 $0xffff, v16, v15;
	_ =	sdelay $0xd  }
0x2dc: {  	v15, v16, _ =	vpop (xrf1)  }
0x2dd: {  	[tilespmem:$0x1A180] =	vst v15  }
0x2de: {  	[tilespmem:$0x1A200] =	vst v16  }
0x2df: {  	v17 =	vld.idx.msk [tilespmem:v5+s17+$0x0], $0xffff  }
0x2e0: {  	v18 =	vld.idx.msk [tilespmem:v5+s18+$0x0], $0xffff;
	_ =	sdelay $0x4  }
0x2e1: {  	vm6 =	vgt.f32 v15, v17;
	vm7 =	veq.f32 v15, v17  }
0x2e2: {  	vm8 =	vlt.s32 v16, v18  }
0x2e3: {  	vm7 =	vmand vm7, vm8  }
0x2e4: {  	vm6 =	vmor vm6, vm7  }
0x2e5: {  	vm6 =	vmxor vm6, vm0  }
0x2e6: {  	v15 =	vsel vm6, v15, v17;
	v16 =	vsel vm6, v16, v18  }
0x2e7: {  	[tilespmem:$0x1A180] =	vst v15  }
0x2e8: {  	[tilespmem:$0x1A200] =	vst v16  }
0x2e9: {  	v17 =	vld.idx.msk [tilespmem:v6+s17+$0x0], $0xffff  }
0x2ea: {  	v18 =	vld.idx.msk [tilespmem:v6+s18+$0x0], $0xffff;
	_ =	sdelay $0x4  }
0x2eb: {  	vm6 =	vgt.f32 v15, v17;
	vm7 =	veq.f32 v15, v17  }
0x2ec: {  	vm8 =	vlt.s32 v16, v18  }
0x2ed: {  	vm7 =	vmand vm7, vm8  }
0x2ee: {  	vm6 =	vmor vm6, vm7  }
0x2ef: {  	vm6 =	vmxor vm6, vm1  }
0x2f0: {  	vm6 =	vmor vm6, vm2  }
0x2f1: {  	v15 =	vsel vm6, v15, v17;
	v16 =	vsel vm6, v16, v18  }
0x2f2: {  	[tilespmem:$0x1A180] =	vst v15  }
0x2f3: {  	[tilespmem:$0x1A200] =	vst v16  }
0x2f4: {  	v17 =	vld.idx.msk [tilespmem:v5+s17+$0x0], $0xffff  }
0x2f5: {  	v18 =	vld.idx.msk [tilespmem:v5+s18+$0x0], $0xffff;
	_ =	sdelay $0x4  }
0x2f6: {  	vm6 =	vgt.f32 v15, v17;
	vm7 =	veq.f32 v15, v17  }
0x2f7: {  	vm8 =	vlt.s32 v16, v18  }
0x2f8: {  	vm7 =	vmand vm7, vm8  }
0x2f9: {  	vm6 =	vmor vm6, vm7  }
0x2fa: {  	vm6 =	vmxor vm6, vm0  }
0x2fb: {  	v15 =	vsel vm6, v15, v17;
	v16 =	vsel vm6, v16, v18  }
0x2fc: {  	[tilespmem:$0x1A180] =	vst v15  }
0x2fd: {  	[tilespmem:$0x1A200] =	vst v16  }
0x2fe: {  	v17 =	vld.idx.msk [tilespmem:v6+s17+$0x0], $0xffff  }
0x2ff: {  	v18 =	vld.idx.msk [tilespmem:v6+s18+$0x0], $0xffff;
	_ =	sdelay $0x4  }
0x300: {  	vm6 =	vgt.f32 v15, v17;
	vm7 =	veq.f32 v15, v17  }
0x301: {  	vm8 =	vlt.s32 v16, v18  }
0x302: {  	vm7 =	vmand vm7, vm8  }
0x303: {  	vm6 =	vmor vm6, vm7  }
0x304: {  	vm6 =	vmxor vm6, vm1  }
0x305: {  	vm6 =	vmor vm6, vm2  }
0x306: {  	v15 =	vsel vm6, v15, v17;
	v16 =	vsel vm6, v16, v18  }
0x307: {  	v15 =	vperm.xlane v15, v8;
	v16 =	vperm.xlane v16, v8;
	_ =	sdelay $0x1  }
0x308: {  	vm6 =	veq.f32 v13, v15;
	vm7 =	vlt.s32 v14, v16  }
0x309: {  	vm8 =	vgt.f32 v13, v15;
	vm6 =	vmand vm6, vm7  }
0x30a: {  	vm6 =	vmor vm8, vm6  }
0x30b: {  	v13 =	vsel vm6, v13, v15;
	v14 =	vsel vm6, v14, v16  }
0x30c: {  	[tilespmem:$0x1A180] =	vst v13  }
0x30d: {  	[tilespmem:$0x1A200] =	vst v14  }
0x30e: {  	v15 =	vld.idx.msk [tilespmem:v7+s17+$0x0], $0xffff  }
0x30f: {  	v16 =	vld.idx.msk [tilespmem:v7+s18+$0x0], $0xffff;
	_ =	sdelay $0x4  }
0x310: {  	vm6 =	vgt.f32 v13, v15;
	vm7 =	veq.f32 v13, v15  }
0x311: {  	vm8 =	vlt.s32 v14, v16  }
0x312: {  	vm7 =	vmand vm7, vm8  }
0x313: {  	vm6 =	vmor vm6, vm7  }
0x314: {  	vm6 =	vmxor vm6, vm4  }
0x315: {  	v13 =	vsel vm6, v13, v15;
	v14 =	vsel vm6, v14, v16  }
0x316: {  	[tilespmem:$0x1A180] =	vst v13  }
0x317: {  	[tilespmem:$0x1A200] =	vst v14  }
0x318: {  	v15 =	vld.idx.msk [tilespmem:v9+s17+$0x0], $0xffff  }
0x319: {  	v16 =	vld.idx.msk [tilespmem:v9+s18+$0x0], $0xffff;
	_ =	sdelay $0x4  }
0x31a: {  	vm6 =	vgt.f32 v13, v15;
	vm7 =	veq.f32 v13, v15  }
0x31b: {  	vm8 =	vlt.s32 v14, v16  }
0x31c: {  	vm7 =	vmand vm7, vm8  }
0x31d: {  	vm6 =	vmor vm6, vm7  }
0x31e: {  	vm6 =	vmxor vm6, vm3  }
0x31f: {  	v13 =	vsel vm6, v13, v15;
	v14 =	vsel vm6, v14, v16  }
0x320: {  	[tilespmem:$0x1A180] =	vst v13  }
0x321: {  	[tilespmem:$0x1A200] =	vst v14  }
0x322: {  	v15 =	vld.idx.msk [tilespmem:v10+s17+$0x0], $0xffff  }
0x323: {  	v16 =	vld.idx.msk [tilespmem:v10+s18+$0x0], $0xffff;
	_ =	sdelay $0x1  }
.Ltmp15:
0x324: {  	(pc) =	sbr.rel @p0 .LBB2_23-.Ltmp15, $3  }
0x325: {  	_ =	sdelay $0x1  }
0x326: {  	vm6 =	vgt.f32 v13, v15;
	vm7 =	veq.f32 v13, v15  }
0x327: {  	vm8 =	vlt.s32 v14, v16  }
.LBB2_24:
0x328: {  	vm7 =	vmand vm7, vm8  }
0x329: {  	vm6 =	vmor vm6, vm7  }
0x32a: {  	vm6 =	vmxor vm6, vm5  }
0x32b: {  	v12 =	vsel vm6, v13, v15  }
0x32c: {  	v14 =	vsel vm6, v14, v16;
	[tilespmem:$0x1A180] =	vst v12  }
0x32d: {  	[tilespmem:$0x1A200] =	vst v14  }
0x32e: {  	v15 =	vld.idx.msk [tilespmem:v5+s18+$0x0], $0xffff  }
0x32f: {  	v13 =	vld.idx.msk [tilespmem:v5+s17+$0x0], $0xffff;
	_ =	sdelay $0x4  }
0x330: {  	vm6 =	vlt.s32 v14, v15;
	vm7 =	veq.f32 v12, v13  }
0x331: {  	vm15 =	vgt.f32 v12, v13;
	vm6 =	vmand vm7, vm6  }
0x332: {  	vm6 =	vmor vm15, vm6  }
0x333: {  	vm6 =	vmxor vm6, vm0  }
0x334: {  	v13 =	vsel vm6, v12, v13;
	v12 =	vsel vm6, v14, v15  }
.LBB2_25:
0x335: {  	[tilespmem:$0x1A290] =	vst v13  }
0x336: {  	[tilespmem:$0x1A310] =	vst v12  }
0x337: {  	[tilespmem:s13], [sflag:$0x2] =	stream.strided.gather [hbm4b:s7+s11], $0x8000, s12, s11, $0x38;
	[tilespmem:$0x1A400] =	vst v63  }
0x338: {  	_ =	swait.ge [sflag:s14], $0x8000  }
0x339: {  	[sflag:s14] =	ssyncset.done $0x0  }
0x33a: {  	s0 =	simm.s32 $0x100;
	[sflag:s14] =	ssyncadd.s32 $0xFFFF8000  }
0x33b: {  	v18 =	vld [tilespmem:s0+$0x70]  }
0x33c: {  	v19 =	vld [tilespmem:s0+$0xFFFFFFF0]  }
0x33d: {  	v20 =	vld [tilespmem:s0+$0xD0]  }
0x33e: {  	v21 =	vld [tilespmem:s0+$0xFFFFFF70]  }
0x33f: {  	v22 =	vld [tilespmem:s0+$0xFFFFFFE0]  }
0x340: {  	v23 =	vld [tilespmem:s0+$0xC0]  }
0x341: {  	v24 =	vld [tilespmem:s0+$0xFFFFFF60]  }
0x342: {  	v25 =	vld [tilespmem:s0+$0x40]  }
0x343: {  	v26 =	vld [tilespmem:s0+$0xB0]  }
0x344: {  	v27 =	vld [tilespmem:s0+$0xFFFFFF50]  }
0x345: {  	v28 =	vld [tilespmem:s0+$0x30]  }
0x346: {  	v29 =	vld [tilespmem:s0+$0xA0]  }
0x347: {  	v30 =	vld [tilespmem:s0+$0xFFFFFF40]  }
0x348: {  	v31 =	vld [tilespmem:s0+$0x20]  }
0x349: {  	v32 =	vld [tilespmem:s0+$0x80]  }
0x34a: {  	v33 =	vld [tilespmem:s0+$0x90]  }
0x34b: {  	v34 =	vld [tilespmem:s0+$0xFFFFFFA0]  }
0x34c: {  	v35 =	vld [tilespmem:s0+$0x0]  }
0x34d: {  	v36 =	vld [tilespmem:s0+$0x10]  }
0x34e: {  	v37 =	vld [tilespmem:s0+$0xFFFFFF80]  }
0x34f: {  	v38 =	vld [tilespmem:s0+$0xFFFFFF90]  }
0x350: {  	v39 =	vld [tilespmem:s0+$0xFFFFFF00]  }
0x351: {  	v40 =	vld [tilespmem:s0+$0xFFFFFF10]  }
0x352: {  	v41 =	vld [tilespmem:s0+$0xFFFFFF20]  }
0x353: {  	v42 =	vld [tilespmem:s0+$0xFFFFFF30]  }
0x354: {  	v43 =	vld [tilespmem:s0+$0xFFFFFFB0]  }
0x355: {  	v44 =	vld [tilespmem:s0+$0xFFFFFFC0]  }
0x356: {  	v45 =	vld [tilespmem:s0+$0xFFFFFFD0]  }
0x357: {  	v46 =	vld [tilespmem:s0+$0x50]  }
0x358: {  	v47 =	vld [tilespmem:s0+$0x60]  }
0x359: {  	v48 =	vld [tilespmem:s0+$0xE0]  }
0x35a: {  	s1 =	simm.s32 $0x300;
	v49 =	vld [tilespmem:s0+$0xF0]  }
0x35b: {  	v12 =	vld [tilespmem:s1+$0x70]  }
0x35c: {  	v15 =	vld [tilespmem:s1+$0xFFFFFFF0]  }
0x35d: {  	v13 =	vld [tilespmem:s1+$0xD0]  }
0x35e: {  	v14 =	vld [tilespmem:s1+$0xFFFFFF70]  }
0x35f: {  	v16 =	vld [tilespmem:s1+$0xFFFFFFE0]  }
0x360: {  	v50 =	vld [tilespmem:s1+$0xC0]  }
0x361: {  	v17 =	vld [tilespmem:s1+$0xFFFFFF60]  }
0x362: {  	v51 =	vld [tilespmem:s1+$0x40]  }
0x363: {  	v52 =	vld [tilespmem:s1+$0xB0]  }
0x364: {  	v53 =	vld [tilespmem:s1+$0xFFFFFF50]  }
0x365: {  	v54 =	vld [tilespmem:s1+$0x30]  }
0x366: {  	v55 =	vld [tilespmem:s1+$0xA0]  }
0x367: {  	v56 =	vld [tilespmem:s1+$0xFFFFFF40]  }
0x368: {  	v57 =	vld [tilespmem:s1+$0x20]  }
0x369: {  	v58 =	vld [tilespmem:s1+$0x80]  }
0x36a: {  	v59 =	vld [tilespmem:s1+$0xFFFFFF80];
	v35 =	vmax.f32 v35, v36  }
0x36b: {  	v60 =	vld [tilespmem:s1+$0xFFFFFF00];
	v32 =	vmax.f32 v32, v33;
	v63 =	vmax.f32 v39, v40;
	v37 =	vmax.f32 v37, v38  }
0x36c: {  	v36 =	vld [tilespmem:s1+$0x90];
	v29 =	vmax.f32 v32, v29;
	v39 =	vmax.f32 v63, v41;
	v31 =	vmax.f32 v35, v31  }
0x36d: {  	v38 =	vld [tilespmem:s1+$0xFFFFFFA0];
	v34 =	vmax.f32 v37, v34;
	v32 =	vmax.f32 v39, v42;
	v28 =	vmax.f32 v31, v28  }
0x36e: {  	v40 =	vld [tilespmem:s1+$0x0];
	v26 =	vmax.f32 v29, v26;
	v43 =	vmax.f32 v34, v43;
	v42 =	vmax.f32 v32, v30  }
0x36f: {  	v41 =	vld [tilespmem:s1+$0x10];
	v23 =	vmax.f32 v26, v23;
	v26 =	vmax.f32 v42, v27;
	v27 =	vmax.f32 v43, v44  }
0x370: {  	v25 =	vmax.f32 v28, v25;
	v24 =	vmax.f32 v26, v24;
	v26 =	vmax.f32 v27, v45;
	v27 =	vld [tilespmem:s1+$0xFFFFFF10]  }
0x371: {  	v20 =	vmax.f32 v23, v20;
	v23 =	vmax.f32 v25, v46;
	v25 =	vld [tilespmem:s1+$0xFFFFFF90];
	v22 =	vmax.f32 v26, v22  }
0x372: {  	v21 =	vmax.f32 v24, v21;
	v22 =	vmax.f32 v22, v19;
	v19 =	vmax.f32 v23, v47;
	v23 =	vld [tilespmem:s1+$0xFFFFFF20]  }
0x373: {  	v26 =	vld [tilespmem:s1+$0xFFFFFF30];
	v11 =	vmax.f32 v11, v21;
	v24 =	vmax.f32 v19, v18;
	v18 =	vmax.f32 v20, v48  }
0x374: {  	v62 =	vld [tilespmem:s1+$0xFFFFFFB0];
	v11 =	vmax.f32 v11, v22;
	v19 =	vmax.f32 v58, v36;
	v61 =	vmax.f32 v18, v49  }
0x375: {  	s28 =	simm.s32 $0x18120;
	v18 =	vmax.f32 v40, v41;
	v11 =	vmax.f32 v11, v24;
	v20 =	vmax.f32 v60, v27;
	v27 =	vld [tilespmem:s1+$0xFFFFFFC0]  }
0x376: {  	[tilespmem:s28+$0xFFFFFFE0] =	vst v21;
	v25 =	vmax.f32 v59, v25;
	v63 =	vmax.f32 v19, v55;
	v19 =	vld [tilespmem:s1+$0xFFFFFFD0];
	v18 =	vmax.f32 v18, v57  }
0x377: {  	[tilespmem:s28+$0xFFFFFFF0] =	vst v22;
	v11 =	vmax.f32 v11, v61;
	v22 =	vmax.f32 v18, v54;
	v21 =	vmax.f32 v20, v23;
	v20 =	vld [tilespmem:s1+$0x50]  }
0x378: {  	v18 =	vld [tilespmem:s1+$0x60];
	v23 =	vmax.f32 v25, v38;
	v25 =	vmax.f32 v63, v52;
	v21 =	vmax.f32 v21, v26  }
0x379: {  	[tilespmem:s28+$0x0] =	vst v24;
	v26 =	vmax.f32 v23, v62;
	v23 =	vmax.f32 v25, v50;
	v24 =	vmax.f32 v21, v56;
	v21 =	vld [tilespmem:s1+$0xE0]  }
0x37a: {  	s29 =	simm.s32 $0x4;
	s30 =	simm.s32 $0x500;
	[tilespmem:s28+$0x10] =	vst v61;
	v25 =	vmax.f32 v24, v53;
	v26 =	vmax.f32 v26, v27;
	v24 =	vmax.f32 v22, v51;
	v22 =	vld [tilespmem:s1+$0xF0]  }
.LBB2_26:
0x37b: {  	v27 =	vld [tilespmem:s30+$0x70];
	v17 =	vmax.f32 v25, v17;
	v19 =	vmax.f32 v26, v19;
	v23 =	vmax.f32 v23, v13  }
0x37c: {  	s28 =	sadd.s32 $0x40, s28;
	v25 =	vld [tilespmem:s30+$0xFFFFFFF0];
	v14 =	vmax.f32 v17, v14;
	v16 =	vmax.f32 v19, v16;
	v17 =	vmax.f32 v24, v20  }
0x37d: {  	v13 =	vld [tilespmem:s30+$0xD0];
	[tilespmem:s28+$0xFFFFFFE0] =	vst v14;
	v11 =	vmax.f32 v11, v14;
	v15 =	vmax.f32 v16, v15;
	v16 =	vmax.f32 v17, v18  }
0x37e: {  	v14 =	vld [tilespmem:s30+$0xFFFFFF70];
	[tilespmem:s28+$0xFFFFFFF0] =	vst v15;
	v11 =	vmax.f32 v11, v15;
	v17 =	vmax.f32 v16, v12;
	v15 =	vmax.f32 v23, v21  }
0x37f: {  	v16 =	vld [tilespmem:s30+$0xFFFFFFE0];
	[tilespmem:s28+$0x0] =	vst v17;
	v11 =	vmax.f32 v11, v17;
	v18 =	vmax.f32 v15, v22  }
0x380: {  	v21 =	vld [tilespmem:s30+$0xC0];
	[tilespmem:s28+$0x10] =	vst v18;
	v11 =	vmax.f32 v11, v18;
	v12 =	vmov v27  }
0x381: {  	v17 =	vld [tilespmem:s30+$0xFFFFFF60];
	v15 =	vmov v25  }
0x382: {  	v22 =	vld [tilespmem:s30+$0x40]  }
0x383: {  	v23 =	vld [tilespmem:s30+$0xB0]  }
0x384: {  	v24 =	vld [tilespmem:s30+$0xFFFFFF50]  }
0x385: {  	v18 =	vld [tilespmem:s30+$0x30]  }
0x386: {  	v20 =	vld [tilespmem:s30+$0xA0]  }
0x387: {  	v25 =	vld [tilespmem:s30+$0xFFFFFF40]  }
0x388: {  	v26 =	vld [tilespmem:s30+$0x20]  }
0x389: {  	v19 =	vld [tilespmem:s30+$0x80]  }
0x38a: {  	v27 =	vld [tilespmem:s30+$0x90]  }
0x38b: {  	v28 =	vld [tilespmem:s30+$0xFFFFFFA0]  }
0x38c: {  	v29 =	vld [tilespmem:s30+$0x0]  }
0x38d: {  	v30 =	vld [tilespmem:s30+$0x10]  }
0x38e: {  	v31 =	vld [tilespmem:s30+$0xFFFFFF80]  }
0x38f: {  	v32 =	vld [tilespmem:s30+$0xFFFFFF90]  }
0x390: {  	v33 =	vld [tilespmem:s30+$0xFFFFFF00]  }
0x391: {  	s29 =	sadd.s32 $0x4, s29;
	v34 =	vld [tilespmem:s30+$0xFFFFFF10]  }
0x392: {  	p0 =	slt.u32 s29, $0xFC;
	v35 =	vld [tilespmem:s30+$0xFFFFFF20]  }
0x393: {  	v36 =	vld [tilespmem:s30+$0xFFFFFF30]  }
0x394: {  	v37 =	vld [tilespmem:s30+$0xFFFFFFB0]  }
0x395: {  	v27 =	vmax.f32 v19, v27;
	v29 =	vmax.f32 v29, v30;
	v38 =	vld [tilespmem:s30+$0xFFFFFFC0]  }
.Ltmp16:
0x396: {  	v27 =	vmax.f32 v27, v20;
	v31 =	vmax.f32 v31, v32;
	v30 =	vmax.f32 v33, v34;
	v19 =	vld [tilespmem:s30+$0xFFFFFFD0];
	(pc) =	sbr.rel @p0 .LBB2_26-.Ltmp16, $4  }
0x397: {  	v26 =	vmax.f32 v29, v26;
	v28 =	vmax.f32 v31, v28;
	v30 =	vmax.f32 v30, v35;
	v20 =	vld [tilespmem:s30+$0x50]  }
0x398: {  	v23 =	vmax.f32 v27, v23;
	v29 =	vmax.f32 v30, v36;
	v30 =	vmax.f32 v26, v18;
	v18 =	vld [tilespmem:s30+$0x60]  }
0x399: {  	v23 =	vmax.f32 v23, v21;
	v25 =	vmax.f32 v29, v25;
	v26 =	vmax.f32 v28, v37;
	v21 =	vld [tilespmem:s30+$0xE0]  }
0x39a: {  	v25 =	vmax.f32 v25, v24;
	v26 =	vmax.f32 v26, v38;
	v24 =	vmax.f32 v30, v22;
	v22 =	vld [tilespmem:s30+$0xF0];
	s30 =	sadd.s32 $0x200, s30  }
0x39b: {  	v17 =	vmax.f32 v25, v17;
	v19 =	vmax.f32 v26, v19;
	v13 =	vmax.f32 v23, v13  }
0x39c: {  	v14 =	vmax.f32 v17, v14;
	v16 =	vmax.f32 v19, v16;
	v17 =	vmax.f32 v24, v20  }
0x39d: {  	v11 =	vmax.f32 v11, v14;
	v15 =	vmax.f32 v16, v15;
	v16 =	vmax.f32 v17, v18  }
0x39e: {  	v11 =	vmax.f32 v11, v15;
	v12 =	vmax.f32 v16, v12;
	v13 =	vmax.f32 v13, v21  }
0x39f: {  	v11 =	vmax.f32 v11, v12;
	v13 =	vmax.f32 v13, v22  }
0x3a0: {  	s0 =	sadd.s32 $0x40, s28;
	v11 =	vmax.f32 v11, v13  }
0x3a1: {  	[tilespmem:s0+$0xFFFFFFE0] =	vst v14;
	(xrf0) =	vmin.scan.msk.f32 $0xffff, v11  }
0x3a2: {  	[tilespmem:s0+$0xFFFFFFF0] =	vst v15  }
0x3a3: {  	[tilespmem:s0+$0x0] =	vst v12  }
0x3a4: {  	s20 =	simm.s32 $0x18120;
	[tilespmem:s0+$0x10] =	vst v13  }
0x3a5: {  	v12 =	vld [tilespmem:s20+$0x0]  }
0x3a6: {  	v13 =	vld [tilespmem:s20+$0xFFFFFFE0]  }
0x3a7: {  	v14 =	vld [tilespmem:s20+$0xFFFFFFF0];
	v11, _, _ =	vpop (xrf0)  }
0x3a8: {  	v15 =	vld [tilespmem:s20+$0x10];
	v11 =	vbroadcast v11, $0xF  }
0x3a9: {  	s21 =	simm.s32 $0x18160  }
0x3aa: {  	v22 =	vld [tilespmem:s21+$0x10];
	vm6 =	vge.f32 v12, v11  }
0x3ab: {  	vm7 =	vge.f32 v13, v11;
	v12 =	vsel vm6, $0x1, v1  }
0x3ac: {  	v19 =	vld [tilespmem:s21+$0xFFFFFFE0];
	vm10 =	vge.f32 v14, v11;
	v13 =	vsel vm7, $0x1, v1;
	(xrf0) =	vadd.scan.msk.s32 $0xffff, v12  }
0x3ad: {  	v20 =	vld [tilespmem:s21+$0xFFFFFFF0];
	vm11 =	vge.f32 v15, v11;
	v12 =	vsel vm10, $0x1, v1;
	(xrf0) =	vadd.scan.msk.s32 $0xffff, v13  }
0x3ae: {  	v17 =	vimm.s32 $0xFFFFFFFF;
	v15 =	vld [tilespmem:s21+$0x0];
	v14 =	vsel vm11, $0x1, v1;
	(xrf0) =	vadd.scan.msk.s32 $0xffff, v12  }
0x3af: {  	s1 =	simm.s32 $0x20;
	vm13 =	vge.f32 v22, v11;
	v16 =	vmpcnt.ones.xlane vm7;
	v18 =	vmpcnt.ones.xlane vm10;
	(xrf0) =	vadd.scan.msk.s32 $0xffff, v14  }
0x3b0: {  	v22 =	vor.u32 s1, v0;
	vm8 =	vmmov vm6;
	vm9 =	vmmov vm7  }
0x3b1: {  	vm7 =	vmmov vm10;
	vm6 =	vmmov vm11;
	v16 =	vadd.s32 v17, v16  }
0x3b2: {  	vm11 =	vge.f32 v20, v11;
	v23 =	vmpcnt.ones.xlane vm8;
	v21 =	vadd.s32 v16, v18;
	v14, _, _ =	vpop (xrf0)  }
0x3b3: {  	vm10 =	vge.f32 v19, v11;
	vm12 =	vge.f32 v15, v11;
	v14 =	vadd.s32 v21, v14;
	v18, _, _ =	vpop (xrf0)  }
0x3b4: {  	v20 =	vmpcnt.ones.xlane vm11;
	v63 =	vsel vm12, $0x1, v1;
	v15 =	vadd.s32 v17, v18;
	v17, _, _ =	vpop (xrf0)  }
0x3b5: {  	s28 =	simm.s32 $0x0;
	v19 =	vadd.s32 v21, v23;
	v23 =	vsel vm10, $0x1, v1;
	(xrf0) =	vadd.scan.msk.s32 $0xffff, v63;
	v17 =	vadd.s32 v16, v17;
	v16, _, _ =	vpop (xrf0)  }
0x3b6: {  	s31 =	simm.s32 $0x40;
	s30 =	simm.s32 $0x30;
	s3 =	simm.s32 $0x4;
	v13 =	vor.u32 s28, v0;
	(xrf0) =	vadd.scan.msk.s32 $0xffff, v23;
	v18 =	vmpcnt.ones.xlane vm6;
	v16 =	vadd.s32 v19, v16  }
0x3b7: {  	s29 =	simm.s32 $0x70;
	s0 =	simm.s32 $0x181A0;
	s1 =	simm.s32 $0x40;
	v12 =	vor.u32 s31, v0;
	v21 =	vsel vm11, $0x1, v1;
	v23 =	vsel vm13, $0x1, v1  }
.LBB2_28:
0x3b8: {  	v24 =	vld [tilespmem:s0+$0x0];
	s3 =	sadd.s32 $0x4, s3;
	v25 =	vmpcnt.ones.xlane vm10;
	s31 =	sadd.s32 $0x40, s31;
	(xrf0) =	vadd.scan.msk.s32 $0xffff, v21;
	s20 =	sadd.s32 $0x10, s28;
	[tilespmem:v14+s15+$0x0] =	vst.idx.msk vm8, v22;
	v18 =	vadd.s32 v19, v18  }
0x3b9: {  	s28 =	smov.u32 s1;
	v19 =	vld [tilespmem:s0+$0xFFFFFFE0];
	s21 =	sadd.s32 $0x30, s31;
	p0 =	slt.u32 s3, $0xFC;
	(xrf0) =	vadd.scan.msk.s32 $0xffff, v23;
	[tilespmem:v15+s15+$0x0] =	vst.idx.msk vm9, v13;
	v14 =	vor.u32 s20, v0;
	v13 =	vmovc v12;
	v12 =	vor.u32 s31, v0  }
0x3ba: {  	vm8 =	vmmov vm12;
	s1 =	smov.u32 s31;
	v21 =	vld [tilespmem:s0+$0xFFFFFFF0];
	v22 =	vadd.s32 v18, v25;
	[tilespmem:v17+s15+$0x0] =	vst.idx.msk vm7, v14;
	v14 =	vor.u32 s30, v0;
	s30 =	smov.u32 s29;
	s29 =	smov.u32 s21  }
0x3bb: {  	vm9 =	vmmov vm10;
	vm7 =	vmmov vm11;
	v23 =	vld [tilespmem:s0+$0x10];
	v17 =	vadd.s32 v22, v20;
	v15, _, _ =	vpop (xrf0);
	[tilespmem:v16+s15+$0x0] =	vst.idx.msk vm6, v14  }
0x3bc: {  	v25 =	vmpcnt.ones.xlane vm8;
	vm6 =	vmmov vm13;
	v14 =	vadd.s32 v17, v15;
	v15, _, _ =	vpop (xrf0)  }
.Ltmp17:
0x3bd: {  	vm12 =	vge.f32 v24, v11;
	v15 =	vadd.s32 v18, v15;
	v18 =	vmpcnt.ones.xlane vm6;
	(pc) =	sbr.rel @p0 .LBB2_28-.Ltmp17, $4  }
0x3be: {  	vm10 =	vge.f32 v19, v11;
	v20 =	vsel vm12, $0x1, v1;
	v19 =	vadd.s32 v17, v25;
	v16, _, _ =	vpop (xrf0)  }
0x3bf: {  	s20 =	sadd.s32 $0x20, s28;
	v24 =	vsel vm10, $0x1, v1;
	vm11 =	vge.f32 v21, v11;
	(xrf0) =	vadd.scan.msk.s32 $0xffff, v20;
	v17 =	vadd.s32 v22, v16;
	v16, _, _ =	vpop (xrf0)  }
0x3c0: {  	v21 =	vsel vm11, $0x1, v1;
	vm13 =	vge.f32 v23, v11;
	(xrf0) =	vadd.scan.msk.s32 $0xffff, v24;
	v16 =	vadd.s32 v19, v16  }
0x3c1: {  	s0 =	sadd.s32 $0x40, s0;
	v22 =	vor.u32 s20, v0;
	v20 =	vmpcnt.ones.xlane vm11;
	v23 =	vsel vm13, $0x1, v1  }
0x3c2: {  	v24 =	vmpcnt.ones.xlane vm10  }
0x3c3: {  	v18 =	vadd.s32 v19, v18;
	vm14 =	vmmov vm12  }
0x3c4: {  	vm12 =	vmmov vm13;
	v57 =	vmpcnt.ones.xlane vm14;
	v19 =	vadd.s32 v18, v24  }
0x3c5: {  	v25 =	vmpcnt.ones.xlane vm12;
	v20 =	vadd.s32 v19, v20  }
0x3c6: {  	v24 =	vadd.s32 v20, v57  }
0x3c7: {  	(xrf0) =	vadd.scan.msk.s32 $0xffff, v21;
	v58 =	vadd.s32 v24, v25  }
0x3c8: {  	(xrf0) =	vadd.scan.msk.s32 $0xffff, v23;
	v21 =	vxor.u32 $0x80000000, v58  }
0x3c9: {  	(xrf0) =	vmax.scan.msk.u32 $0xffff, v21;
	_ =	sdelay $0x1  }
0x3ca: {  	v59, _, _ =	vpop (xrf0)  }
0x3cb: {  	v60, _, _ =	vpop (xrf0)  }
0x3cc: {  	v61, _, _ =	vpop (xrf0)  }
0x3cd: {  	v26, _, _ =	vpop (xrf0)  }
0x3ce: {  	v27, _, _ =	vpop (xrf0)  }
0x3cf: {  	(v2sf) =	vpush v27, $0xF;
	_ =	sdelay $0xc  }
0x3d0: {  	vm12 =	vmmov vm10;
	v20 =	vadd.s32 v20, v59  }
0x3d1: {  	[tilespmem:v14+s15+$0x0] =	vst.idx.msk vm8, v22;
	s0 =	sadd.s32 $0x10, s28;
	v14 =	vadd.s32 v18, v60  }
0x3d2: {  	[tilespmem:v15+s15+$0x0] =	vst.idx.msk vm9, v13;
	v13 =	vor.u32 s0, v0;
	v15 =	vadd.s32 v19, v61;
	s3 =	spop (v2sf)  }
0x3d3: {  	s20 =	sadd.s32 $0x20, s1;
	[tilespmem:v17+s15+$0x0] =	vst.idx.msk vm7, v13;
	v13 =	vor.u32 s30, v0;
	v62 =	vadd.s32 v24, v26;
	s0 =	sadd.s32 $0x80000001, s3  }
0x3d4: {  	v63 =	vor.u32 s20, v0;
	[tilespmem:v16+s15+$0x0] =	vst.idx.msk vm6, v13;
	p0 =	sgt.s32 s3, $0xFFFFFFFE;
	v13 =	vadd.s32 s0, v0  }
.Ltmp18:
0x3d5: {  	s31 =	sadd.s32 $0x10, s1;
	[tilespmem:v20+s15+$0x0] =	vst.idx.msk vm14, v63;
	(pc) =	sbr.rel @p0 .LBB2_33-.Ltmp18, $4  }
0x3d6: {  	[tilespmem:v14+s15+$0x0] =	vst.idx.msk vm12, v12;
	v12 =	vor.u32 s31, v0  }
0x3d7: {  	[tilespmem:v15+s15+$0x0] =	vst.idx.msk vm11, v12;
	v12 =	vor.u32 s29, v0  }
0x3d8: {  	[tilespmem:v62+s15+$0x0] =	vst.idx.msk vm13, v12  }
0x3d9: {  	vm15 =	vmmov vm11;
	v12 =	vimm.s32 $0x7FFFFFFF;
	[tilespmem:v13+s15+$0x0] =	vst.idx.msk $0xffff, v2  }
0x3da: {  	s1 =	simm.s32 $0x0;
	v12 =	vimm.s32 $0xFFFFFFFF  }
.LBB2_31:
0x3db: {  	v13 =	vor.u32 s1, v3;
	_ =	sdelay $0x4  }
0x3dc: {  	v13 =	vld.idx.msk [tilespmem:v13+s15+$0x0], $0xffff;
	_ =	sdelay $0x4  }
0x3dd: {  	v14 =	vshll.u32 v13, $0x3  }
0x3de: {  	v13 =	vand.u32 $0xF, v13;
	v14 =	vand.u32 $0xFFFFFF80, v14  }
0x3df: {  	v13 =	vor.u32 v14, v13  }
0x3e0: {  	v13 =	vor.u32 v4, v13;
	_ =	sdelay $0x4  }
0x3e1: {  	v14 =	vld.idx.msk [tilespmem:v13+s2+$0x0], $0xffff;
	_ =	sdelay $0x4  }
0x3e2: {  	vm6 =	vge.f32 v14, v11  }
0x3e3: {  	v14 =	vsel vm6, $0x1, v1  }
0x3e4: {  	(xrf0) =	vadd.scan.msk.s32 $0xffff, v14;
	_ =	sdelay $0x5  }
0x3e5: {  	s1 =	sadd.s32 $0x2, s1;
	v14, _, _ =	vpop (xrf0)  }
0x3e6: {  	p0 =	slt.s32 s1, s0;
	v14 =	vadd.s32 v12, v14  }
.Ltmp19:
0x3e7: {  	_ = 	snop;
	(pc) =	sbr.rel @p0 .LBB2_31-.Ltmp19, $3  }
0x3e8: {  	_ = 	snop  }
0x3e9: {  	v15 =	vmpcnt.ones.xlane vm6;
	_ =	sdelay $0x1  }
0x3ea: {  	v12 =	vadd.s32 v12, v15;
	[tilespmem:v14+s16+$0x0] =	vst.idx.msk vm6, v13  }
0x3eb: {  	v12 =	vxor.u32 $0x80000000, v12  }
.LBB2_33:
0x3ec: {  	(xrf0) =	vmax.scan.msk.u32 $0xffff, v12;
	_ =	sdelay $0x5  }
0x3ed: {  	v11, _, _ =	vpop (xrf0)  }
0x3ee: {  	(v2sf) =	vpush v11, $0xF;
	_ =	sdelay $0xe  }
0x3ef: {  	s0 =	spop (v2sf)  }
0x3f0: {  	p0 =	sgt.s32 s0, $0xFFFFFFFE  }
.Ltmp20:
0x3f1: {  	_ = 	snop;
	(pc) =	sbr.rel @p0 .LBB2_37-.Ltmp20, $2  }
0x3f2: {  	_ =	sdelay $0x2  }
0x3f3: {  	v12 =	vlaneseq.u32;
	v13 =	vimm.f32 $-Inf;
	v11 =	vimm.f32 $-Inf  }
0x3f4: {  	s28 =	simm.s32 $0x10100  }
0x3f5: {  	v13 =	vld [tilespmem:s28+$0x0];
	_ =	sdelay $0x1  }
0x3f6: {  	s29 =	sadd.s32 $0x80000001, s0;
	s31 =	simm.s32 $0x0  }
0x3f7: {  	v12 =	vmov s29;
	v14 =	vor.u32 s31, v0  }
0x3f8: {  	vm6 =	vlt.s32 v14, v12  }
0x3f9: {  	v13 =	vnsel vm6, $0x0, v13;
	_ =	sdelay $0x4  }
0x3fa: {  	v14 =	vld.idx.msk [tilespmem:v13+s2+$0x0], $0xffff;
	_ =	sdelay $0x4  }
0x3fb: {  	v14 =	vnsel vm6, $0xFF800000, v14  }
0x3fc: {  	(xrf1) =	vsort.dscd.msk.f32 $0xffff, v14, v13;
	_ =	sdelay $0xd  }
0x3fd: {  	v13, v14, _ =	vpop (xrf1)  }
0x3fe: {  	[tilespmem:$0x1A180] =	vst v13  }
0x3ff: {  	[tilespmem:$0x1A200] =	vst v14  }
0x400: {  	v15 =	vld.idx.msk [tilespmem:v5+s17+$0x0], $0xffff  }
0x401: {  	v16 =	vld.idx.msk [tilespmem:v5+s18+$0x0], $0xffff;
	_ =	sdelay $0x4  }
0x402: {  	vm6 =	veq.f32 v13, v15;
	vm7 =	vlt.s32 v14, v16  }
0x403: {  	vm8 =	vgt.f32 v13, v15;
	vm6 =	vmand vm6, vm7  }
0x404: {  	vm6 =	vmor vm8, vm6  }
0x405: {  	vm6 =	vmxor vm6, vm0  }
0x406: {  	v13 =	vsel vm6, v13, v15  }
0x407: {  	v14 =	vsel vm6, v14, v16;
	[tilespmem:$0x1A180] =	vst v13  }
0x408: {  	[tilespmem:$0x1A200] =	vst v14  }
0x409: {  	v15 =	vld.idx.msk [tilespmem:v6+s17+$0x0], $0xffff  }
0x40a: {  	v16 =	vld.idx.msk [tilespmem:v6+s18+$0x0], $0xffff;
	_ =	sdelay $0x4  }
0x40b: {  	vm6 =	veq.f32 v13, v15;
	vm7 =	vlt.s32 v14, v16  }
0x40c: {  	vm8 =	vgt.f32 v13, v15;
	vm6 =	vmand vm6, vm7  }
0x40d: {  	vm6 =	vmor vm8, vm6  }
0x40e: {  	vm6 =	vmxor vm6, vm1  }
0x40f: {  	vm6 =	vmor vm6, vm2  }
0x410: {  	v13 =	vsel vm6, v13, v15  }
0x411: {  	v14 =	vsel vm6, v14, v16;
	[tilespmem:$0x1A180] =	vst v13  }
0x412: {  	[tilespmem:$0x1A200] =	vst v14  }
0x413: {  	v15 =	vld.idx.msk [tilespmem:v5+s17+$0x0], $0xffff  }
0x414: {  	v16 =	vld.idx.msk [tilespmem:v5+s18+$0x0], $0xffff;
	_ =	sdelay $0x4  }
0x415: {  	vm6 =	veq.f32 v13, v15;
	vm7 =	vlt.s32 v14, v16  }
0x416: {  	vm8 =	vgt.f32 v13, v15;
	vm6 =	vmand vm6, vm7  }
0x417: {  	vm6 =	vmor vm8, vm6  }
0x418: {  	vm6 =	vmxor vm6, vm0  }
0x419: {  	v13 =	vsel vm6, v13, v15  }
0x41a: {  	v14 =	vsel vm6, v14, v16;
	[tilespmem:$0x1A180] =	vst v13  }
0x41b: {  	[tilespmem:$0x1A200] =	vst v14  }
0x41c: {  	v15 =	vld.idx.msk [tilespmem:v6+s17+$0x0], $0xffff  }
0x41d: {  	v16 =	vld.idx.msk [tilespmem:v6+s18+$0x0], $0xffff;
	_ =	sdelay $0x4  }
0x41e: {  	vm6 =	veq.f32 v13, v15;
	vm7 =	vlt.s32 v14, v16  }
0x41f: {  	vm8 =	vgt.f32 v13, v15;
	vm6 =	vmand vm6, vm7  }
0x420: {  	vm6 =	vmor vm8, vm6  }
0x421: {  	vm6 =	vmxor vm6, vm1  }
0x422: {  	vm6 =	vmor vm6, vm2  }
0x423: {  	v13 =	vsel vm6, v13, v15;
	v14 =	vsel vm6, v14, v16  }
0x424: {  	v13 =	vperm.xlane v13, v8;
	v14 =	vperm.xlane v14, v8  }
0x425: {  	v15 =	vimm.f32 $-Inf;
	v16 =	vlaneseq.u32  }
0x426: {  	vm6 =	veq.f32 v15, v13;
	vm7 =	vlt.s32 v16, v14  }
0x427: {  	vm8 =	vgt.f32 v15, v13;
	vm6 =	vmand vm6, vm7  }
0x428: {  	vm6 =	vmor vm8, vm6  }
0x429: {  	v13 =	vsel vm6, v15, v13  }
0x42a: {  	v14 =	vsel vm6, v16, v14;
	[tilespmem:$0x1A180] =	vst v13  }
0x42b: {  	[tilespmem:$0x1A200] =	vst v14  }
0x42c: {  	v15 =	vld.idx.msk [tilespmem:v7+s17+$0x0], $0xffff  }
0x42d: {  	v16 =	vld.idx.msk [tilespmem:v7+s18+$0x0], $0xffff;
	_ =	sdelay $0x4  }
0x42e: {  	vm6 =	veq.f32 v13, v15;
	vm7 =	vlt.s32 v14, v16  }
0x42f: {  	vm8 =	vgt.f32 v13, v15;
	vm6 =	vmand vm6, vm7  }
0x430: {  	vm6 =	vmor vm8, vm6  }
0x431: {  	vm6 =	vmxor vm6, vm4  }
0x432: {  	v13 =	vsel vm6, v13, v15  }
0x433: {  	v14 =	vsel vm6, v14, v16;
	[tilespmem:$0x1A180] =	vst v13  }
0x434: {  	[tilespmem:$0x1A200] =	vst v14  }
0x435: {  	v15 =	vld.idx.msk [tilespmem:v9+s17+$0x0], $0xffff  }
0x436: {  	v16 =	vld.idx.msk [tilespmem:v9+s18+$0x0], $0xffff;
	_ =	sdelay $0x4  }
0x437: {  	vm6 =	veq.f32 v13, v15;
	vm7 =	vlt.s32 v14, v16  }
0x438: {  	vm8 =	vgt.f32 v13, v15;
	vm6 =	vmand vm6, vm7  }
0x439: {  	vm6 =	vmor vm8, vm6  }
0x43a: {  	vm6 =	vmxor vm6, vm3  }
0x43b: {  	v13 =	vsel vm6, v13, v15  }
0x43c: {  	v14 =	vsel vm6, v14, v16;
	[tilespmem:$0x1A180] =	vst v13  }
0x43d: {  	[tilespmem:$0x1A200] =	vst v14  }
0x43e: {  	v15 =	vld.idx.msk [tilespmem:v10+s17+$0x0], $0xffff  }
0x43f: {  	p0 =	sgt.s32 s29, $0x10;
	v16 =	vld.idx.msk [tilespmem:v10+s18+$0x0], $0xffff  }
.Ltmp21:
0x440: {  	_ = 	snop;
	(pc) =	sbr.rel @!p0 .LBB2_36-.Ltmp21, $2  }
0x441: {  	_ =	sdelay $0x2  }
0x442: {  	s30 =	simm.s32 $0x10;
	vm6 =	vgt.f32 v13, v15;
	vm7 =	veq.f32 v13, v15;
	vm8 =	vlt.s32 v14, v16  }
.LBB2_35:
0x443: {  	vm7 =	vmand vm7, vm8;
	s28 =	sadd.s32 $0x10, s28;
	s0 =	smov.u32 s30;
	s30 =	sadd.s32 $0x10, s30  }
0x444: {  	p0 =	slt.s32 s30, s29;
	vm6 =	vmor vm6, vm7  }
0x445: {  	vm6 =	vmxor vm6, vm5  }
0x446: {  	v13 =	vsel vm6, v13, v15;
	v14 =	vsel vm6, v14, v16  }
0x447: {  	[tilespmem:$0x1A180] =	vst v13  }
0x448: {  	[tilespmem:$0x1A200] =	vst v14  }
0x449: {  	v15 =	vld [tilespmem:s28+$0x0]  }
0x44a: {  	v16 =	vld.idx.msk [tilespmem:v5+s18+$0x0], $0xffff  }
0x44b: {  	v17 =	vld.idx.msk [tilespmem:v5+s17+$0x0], $0xffff  }
0x44c: {  	v18 =	vor.u32 s0, v0  }
0x44d: {  	vm6 =	vlt.s32 v18, v12  }
0x44e: {  	v15 =	vnsel vm6, $0x0, v15;
	_ =	sdelay $0x1  }
0x44f: {  	vm7 =	vlt.s32 v14, v16  }
0x450: {  	vm8 =	vgt.f32 v13, v17;
	vm9 =	veq.f32 v13, v17  }
0x451: {  	vm7 =	vmand vm9, vm7  }
0x452: {  	vm7 =	vmor vm8, vm7;
	v18 =	vld.idx.msk [tilespmem:v15+s2+$0x0], $0xffff  }
0x453: {  	vm7 =	vmxor vm7, vm0  }
0x454: {  	v13 =	vsel vm7, v13, v17;
	v14 =	vsel vm7, v14, v16;
	_ =	sdelay $0x3  }
0x455: {  	v16 =	vnsel vm6, $0xFF800000, v18  }
0x456: {  	(xrf1) =	vsort.dscd.msk.f32 $0xffff, v16, v15;
	_ =	sdelay $0xd  }
0x457: {  	v15, v16, _ =	vpop (xrf1)  }
0x458: {  	[tilespmem:$0x1A180] =	vst v15  }
0x459: {  	[tilespmem:$0x1A200] =	vst v16  }
0x45a: {  	v17 =	vld.idx.msk [tilespmem:v5+s17+$0x0], $0xffff  }
0x45b: {  	v18 =	vld.idx.msk [tilespmem:v5+s18+$0x0], $0xffff;
	_ =	sdelay $0x4  }
0x45c: {  	vm6 =	vgt.f32 v15, v17;
	vm7 =	veq.f32 v15, v17  }
0x45d: {  	vm8 =	vlt.s32 v16, v18  }
0x45e: {  	vm7 =	vmand vm7, vm8  }
0x45f: {  	vm6 =	vmor vm6, vm7  }
0x460: {  	vm6 =	vmxor vm6, vm0  }
0x461: {  	v15 =	vsel vm6, v15, v17;
	v16 =	vsel vm6, v16, v18  }
0x462: {  	[tilespmem:$0x1A180] =	vst v15  }
0x463: {  	[tilespmem:$0x1A200] =	vst v16  }
0x464: {  	v17 =	vld.idx.msk [tilespmem:v6+s17+$0x0], $0xffff  }
0x465: {  	v18 =	vld.idx.msk [tilespmem:v6+s18+$0x0], $0xffff;
	_ =	sdelay $0x4  }
0x466: {  	vm6 =	vgt.f32 v15, v17;
	vm7 =	veq.f32 v15, v17  }
0x467: {  	vm8 =	vlt.s32 v16, v18  }
0x468: {  	vm7 =	vmand vm7, vm8  }
0x469: {  	vm6 =	vmor vm6, vm7  }
0x46a: {  	vm6 =	vmxor vm6, vm1  }
0x46b: {  	vm6 =	vmor vm6, vm2  }
0x46c: {  	v15 =	vsel vm6, v15, v17;
	v16 =	vsel vm6, v16, v18  }
0x46d: {  	[tilespmem:$0x1A180] =	vst v15  }
0x46e: {  	[tilespmem:$0x1A200] =	vst v16  }
0x46f: {  	v17 =	vld.idx.msk [tilespmem:v5+s17+$0x0], $0xffff  }
0x470: {  	v18 =	vld.idx.msk [tilespmem:v5+s18+$0x0], $0xffff;
	_ =	sdelay $0x4  }
0x471: {  	vm6 =	vgt.f32 v15, v17;
	vm7 =	veq.f32 v15, v17  }
0x472: {  	vm8 =	vlt.s32 v16, v18  }
0x473: {  	vm7 =	vmand vm7, vm8  }
0x474: {  	vm6 =	vmor vm6, vm7  }
0x475: {  	vm6 =	vmxor vm6, vm0  }
0x476: {  	v15 =	vsel vm6, v15, v17;
	v16 =	vsel vm6, v16, v18  }
0x477: {  	[tilespmem:$0x1A180] =	vst v15  }
0x478: {  	[tilespmem:$0x1A200] =	vst v16  }
0x479: {  	v17 =	vld.idx.msk [tilespmem:v6+s17+$0x0], $0xffff  }
0x47a: {  	v18 =	vld.idx.msk [tilespmem:v6+s18+$0x0], $0xffff;
	_ =	sdelay $0x4  }
0x47b: {  	vm6 =	vgt.f32 v15, v17;
	vm7 =	veq.f32 v15, v17  }
0x47c: {  	vm8 =	vlt.s32 v16, v18  }
0x47d: {  	vm7 =	vmand vm7, vm8  }
0x47e: {  	vm6 =	vmor vm6, vm7  }
0x47f: {  	vm6 =	vmxor vm6, vm1  }
0x480: {  	vm6 =	vmor vm6, vm2  }
0x481: {  	v15 =	vsel vm6, v15, v17;
	v16 =	vsel vm6, v16, v18  }
0x482: {  	v15 =	vperm.xlane v15, v8;
	v16 =	vperm.xlane v16, v8;
	_ =	sdelay $0x1  }
0x483: {  	vm6 =	veq.f32 v13, v15;
	vm7 =	vlt.s32 v14, v16  }
0x484: {  	vm8 =	vgt.f32 v13, v15;
	vm6 =	vmand vm6, vm7  }
0x485: {  	vm6 =	vmor vm8, vm6  }
0x486: {  	v13 =	vsel vm6, v13, v15;
	v14 =	vsel vm6, v14, v16  }
0x487: {  	[tilespmem:$0x1A180] =	vst v13  }
0x488: {  	[tilespmem:$0x1A200] =	vst v14  }
0x489: {  	v15 =	vld.idx.msk [tilespmem:v7+s17+$0x0], $0xffff  }
0x48a: {  	v16 =	vld.idx.msk [tilespmem:v7+s18+$0x0], $0xffff;
	_ =	sdelay $0x4  }
0x48b: {  	vm6 =	vgt.f32 v13, v15;
	vm7 =	veq.f32 v13, v15  }
0x48c: {  	vm8 =	vlt.s32 v14, v16  }
0x48d: {  	vm7 =	vmand vm7, vm8  }
0x48e: {  	vm6 =	vmor vm6, vm7  }
0x48f: {  	vm6 =	vmxor vm6, vm4  }
0x490: {  	v13 =	vsel vm6, v13, v15;
	v14 =	vsel vm6, v14, v16  }
0x491: {  	[tilespmem:$0x1A180] =	vst v13  }
0x492: {  	[tilespmem:$0x1A200] =	vst v14  }
0x493: {  	v15 =	vld.idx.msk [tilespmem:v9+s17+$0x0], $0xffff  }
0x494: {  	v16 =	vld.idx.msk [tilespmem:v9+s18+$0x0], $0xffff;
	_ =	sdelay $0x4  }
0x495: {  	vm6 =	vgt.f32 v13, v15;
	vm7 =	veq.f32 v13, v15  }
0x496: {  	vm8 =	vlt.s32 v14, v16  }
0x497: {  	vm7 =	vmand vm7, vm8  }
0x498: {  	vm6 =	vmor vm6, vm7  }
0x499: {  	vm6 =	vmxor vm6, vm3  }
0x49a: {  	v13 =	vsel vm6, v13, v15;
	v14 =	vsel vm6, v14, v16  }
0x49b: {  	[tilespmem:$0x1A180] =	vst v13  }
0x49c: {  	[tilespmem:$0x1A200] =	vst v14  }
0x49d: {  	v15 =	vld.idx.msk [tilespmem:v10+s17+$0x0], $0xffff  }
0x49e: {  	v16 =	vld.idx.msk [tilespmem:v10+s18+$0x0], $0xffff;
	_ =	sdelay $0x1  }
.Ltmp22:
0x49f: {  	(pc) =	sbr.rel @p0 .LBB2_35-.Ltmp22, $3  }
0x4a0: {  	_ =	sdelay $0x1  }
0x4a1: {  	vm6 =	vgt.f32 v13, v15;
	vm7 =	veq.f32 v13, v15  }
0x4a2: {  	vm8 =	vlt.s32 v14, v16  }
.LBB2_36:
0x4a3: {  	vm7 =	vmand vm7, vm8  }
0x4a4: {  	vm6 =	vmor vm6, vm7  }
0x4a5: {  	vm6 =	vmxor vm6, vm5  }
0x4a6: {  	v12 =	vsel vm6, v13, v15  }
0x4a7: {  	v14 =	vsel vm6, v14, v16;
	[tilespmem:$0x1A180] =	vst v12  }
0x4a8: {  	[tilespmem:$0x1A200] =	vst v14  }
0x4a9: {  	v15 =	vld.idx.msk [tilespmem:v5+s18+$0x0], $0xffff  }
0x4aa: {  	v13 =	vld.idx.msk [tilespmem:v5+s17+$0x0], $0xffff;
	_ =	sdelay $0x4  }
0x4ab: {  	vm6 =	vlt.s32 v14, v15;
	vm7 =	veq.f32 v12, v13  }
0x4ac: {  	vm15 =	vgt.f32 v12, v13;
	vm6 =	vmand vm7, vm6  }
0x4ad: {  	vm6 =	vmor vm15, vm6  }
0x4ae: {  	vm6 =	vmxor vm6, vm0  }
0x4af: {  	v13 =	vsel vm6, v12, v13;
	v12 =	vsel vm6, v14, v15  }
.LBB2_37:
0x4b0: {  	[tilespmem:$0x1A2A0] =	vst v13  }
0x4b1: {  	[tilespmem:$0x1A320] =	vst v12  }
0x4b2: {  	_ =	swait.ge [sflag:s19], $0x8000  }
0x4b3: {  	[sflag:s19] =	ssyncset.done $0x0  }
0x4b4: {  	s0 =	simm.s32 $0x8180;
	[sflag:s19] =	ssyncadd.s32 $0xFFFF8000  }
0x4b5: {  	v18 =	vld [tilespmem:s0+$0x70]  }
0x4b6: {  	v19 =	vld [tilespmem:s0+$0xFFFFFFF0]  }
0x4b7: {  	v20 =	vld [tilespmem:s0+$0xD0]  }
0x4b8: {  	v21 =	vld [tilespmem:s0+$0xFFFFFF70]  }
0x4b9: {  	v22 =	vld [tilespmem:s0+$0xFFFFFFE0]  }
0x4ba: {  	v23 =	vld [tilespmem:s0+$0xC0]  }
0x4bb: {  	v24 =	vld [tilespmem:s0+$0xFFFFFF60]  }
0x4bc: {  	v25 =	vld [tilespmem:s0+$0x40]  }
0x4bd: {  	v26 =	vld [tilespmem:s0+$0xB0]  }
0x4be: {  	v27 =	vld [tilespmem:s0+$0xFFFFFF50]  }
0x4bf: {  	v28 =	vld [tilespmem:s0+$0x30]  }
0x4c0: {  	v29 =	vld [tilespmem:s0+$0xA0]  }
0x4c1: {  	v30 =	vld [tilespmem:s0+$0xFFFFFF40]  }
0x4c2: {  	v31 =	vld [tilespmem:s0+$0x20]  }
0x4c3: {  	v32 =	vld [tilespmem:s0+$0x80]  }
0x4c4: {  	v33 =	vld [tilespmem:s0+$0x90]  }
0x4c5: {  	v34 =	vld [tilespmem:s0+$0xFFFFFFA0]  }
0x4c6: {  	v35 =	vld [tilespmem:s0+$0x0]  }
0x4c7: {  	v36 =	vld [tilespmem:s0+$0x10]  }
0x4c8: {  	v37 =	vld [tilespmem:s0+$0xFFFFFF80]  }
0x4c9: {  	v38 =	vld [tilespmem:s0+$0xFFFFFF90]  }
0x4ca: {  	v39 =	vld [tilespmem:s0+$0xFFFFFF00]  }
0x4cb: {  	v40 =	vld [tilespmem:s0+$0xFFFFFF10]  }
0x4cc: {  	v41 =	vld [tilespmem:s0+$0xFFFFFF20]  }
0x4cd: {  	v42 =	vld [tilespmem:s0+$0xFFFFFF30]  }
0x4ce: {  	v43 =	vld [tilespmem:s0+$0xFFFFFFB0]  }
0x4cf: {  	v44 =	vld [tilespmem:s0+$0xFFFFFFC0]  }
0x4d0: {  	v45 =	vld [tilespmem:s0+$0xFFFFFFD0]  }
0x4d1: {  	v46 =	vld [tilespmem:s0+$0x50]  }
0x4d2: {  	v47 =	vld [tilespmem:s0+$0x60]  }
0x4d3: {  	v48 =	vld [tilespmem:s0+$0xE0]  }
0x4d4: {  	s1 =	simm.s32 $0x8380;
	v49 =	vld [tilespmem:s0+$0xF0]  }
0x4d5: {  	v12 =	vld [tilespmem:s1+$0x70]  }
0x4d6: {  	v15 =	vld [tilespmem:s1+$0xFFFFFFF0]  }
0x4d7: {  	v13 =	vld [tilespmem:s1+$0xD0]  }
0x4d8: {  	v14 =	vld [tilespmem:s1+$0xFFFFFF70]  }
0x4d9: {  	v16 =	vld [tilespmem:s1+$0xFFFFFFE0]  }
0x4da: {  	v50 =	vld [tilespmem:s1+$0xC0]  }
0x4db: {  	v17 =	vld [tilespmem:s1+$0xFFFFFF60]  }
0x4dc: {  	v51 =	vld [tilespmem:s1+$0x40]  }
0x4dd: {  	v52 =	vld [tilespmem:s1+$0xB0]  }
0x4de: {  	v53 =	vld [tilespmem:s1+$0xFFFFFF50]  }
0x4df: {  	v54 =	vld [tilespmem:s1+$0x30]  }
0x4e0: {  	v55 =	vld [tilespmem:s1+$0xA0]  }
0x4e1: {  	v56 =	vld [tilespmem:s1+$0xFFFFFF40]  }
0x4e2: {  	v57 =	vld [tilespmem:s1+$0x20]  }
0x4e3: {  	v58 =	vld [tilespmem:s1+$0x80]  }
0x4e4: {  	v59 =	vld [tilespmem:s1+$0xFFFFFF80];
	v35 =	vmax.f32 v35, v36  }
0x4e5: {  	v60 =	vld [tilespmem:s1+$0xFFFFFF00];
	v32 =	vmax.f32 v32, v33;
	v63 =	vmax.f32 v39, v40;
	v37 =	vmax.f32 v37, v38  }
0x4e6: {  	v36 =	vld [tilespmem:s1+$0x90];
	v29 =	vmax.f32 v32, v29;
	v39 =	vmax.f32 v63, v41;
	v31 =	vmax.f32 v35, v31  }
0x4e7: {  	v38 =	vld [tilespmem:s1+$0xFFFFFFA0];
	v34 =	vmax.f32 v37, v34;
	v32 =	vmax.f32 v39, v42;
	v28 =	vmax.f32 v31, v28  }
0x4e8: {  	v40 =	vld [tilespmem:s1+$0x0];
	v26 =	vmax.f32 v29, v26;
	v43 =	vmax.f32 v34, v43;
	v42 =	vmax.f32 v32, v30  }
0x4e9: {  	v41 =	vld [tilespmem:s1+$0x10];
	v23 =	vmax.f32 v26, v23;
	v26 =	vmax.f32 v42, v27;
	v27 =	vmax.f32 v43, v44  }
0x4ea: {  	v25 =	vmax.f32 v28, v25;
	v24 =	vmax.f32 v26, v24;
	v26 =	vmax.f32 v27, v45;
	v27 =	vld [tilespmem:s1+$0xFFFFFF10]  }
0x4eb: {  	v20 =	vmax.f32 v23, v20;
	v23 =	vmax.f32 v25, v46;
	v25 =	vld [tilespmem:s1+$0xFFFFFF90];
	v22 =	vmax.f32 v26, v22  }
0x4ec: {  	v21 =	vmax.f32 v24, v21;
	v22 =	vmax.f32 v22, v19;
	v19 =	vmax.f32 v23, v47;
	v23 =	vld [tilespmem:s1+$0xFFFFFF20]  }
0x4ed: {  	v26 =	vld [tilespmem:s1+$0xFFFFFF30];
	v11 =	vmax.f32 v11, v21;
	v24 =	vmax.f32 v19, v18;
	v18 =	vmax.f32 v20, v48  }
0x4ee: {  	v62 =	vld [tilespmem:s1+$0xFFFFFFB0];
	v11 =	vmax.f32 v11, v22;
	v19 =	vmax.f32 v58, v36;
	v61 =	vmax.f32 v18, v49  }
0x4ef: {  	s28 =	simm.s32 $0x18120;
	v18 =	vmax.f32 v40, v41;
	v11 =	vmax.f32 v11, v24;
	v20 =	vmax.f32 v60, v27;
	v27 =	vld [tilespmem:s1+$0xFFFFFFC0]  }
0x4f0: {  	[tilespmem:s28+$0xFFFFFFE0] =	vst v21;
	v25 =	vmax.f32 v59, v25;
	v63 =	vmax.f32 v19, v55;
	v19 =	vld [tilespmem:s1+$0xFFFFFFD0];
	v18 =	vmax.f32 v18, v57  }
0x4f1: {  	[tilespmem:s28+$0xFFFFFFF0] =	vst v22;
	v11 =	vmax.f32 v11, v61;
	v22 =	vmax.f32 v18, v54;
	v21 =	vmax.f32 v20, v23;
	v20 =	vld [tilespmem:s1+$0x50]  }
0x4f2: {  	v18 =	vld [tilespmem:s1+$0x60];
	v23 =	vmax.f32 v25, v38;
	v25 =	vmax.f32 v63, v52;
	v21 =	vmax.f32 v21, v26  }
0x4f3: {  	[tilespmem:s28+$0x0] =	vst v24;
	v26 =	vmax.f32 v23, v62;
	v23 =	vmax.f32 v25, v50;
	v24 =	vmax.f32 v21, v56;
	v21 =	vld [tilespmem:s1+$0xE0]  }
0x4f4: {  	s29 =	simm.s32 $0x4;
	s30 =	simm.s32 $0x8580;
	[tilespmem:s28+$0x10] =	vst v61;
	v25 =	vmax.f32 v24, v53;
	v26 =	vmax.f32 v26, v27;
	v24 =	vmax.f32 v22, v51;
	v22 =	vld [tilespmem:s1+$0xF0]  }
.LBB2_38:
0x4f5: {  	v27 =	vld [tilespmem:s30+$0x70];
	v17 =	vmax.f32 v25, v17;
	v19 =	vmax.f32 v26, v19;
	v23 =	vmax.f32 v23, v13  }
0x4f6: {  	s28 =	sadd.s32 $0x40, s28;
	v25 =	vld [tilespmem:s30+$0xFFFFFFF0];
	v14 =	vmax.f32 v17, v14;
	v16 =	vmax.f32 v19, v16;
	v17 =	vmax.f32 v24, v20  }
0x4f7: {  	v13 =	vld [tilespmem:s30+$0xD0];
	[tilespmem:s28+$0xFFFFFFE0] =	vst v14;
	v11 =	vmax.f32 v11, v14;
	v15 =	vmax.f32 v16, v15;
	v16 =	vmax.f32 v17, v18  }
0x4f8: {  	v14 =	vld [tilespmem:s30+$0xFFFFFF70];
	[tilespmem:s28+$0xFFFFFFF0] =	vst v15;
	v11 =	vmax.f32 v11, v15;
	v17 =	vmax.f32 v16, v12;
	v15 =	vmax.f32 v23, v21  }
0x4f9: {  	v16 =	vld [tilespmem:s30+$0xFFFFFFE0];
	[tilespmem:s28+$0x0] =	vst v17;
	v11 =	vmax.f32 v11, v17;
	v18 =	vmax.f32 v15, v22  }
0x4fa: {  	v21 =	vld [tilespmem:s30+$0xC0];
	[tilespmem:s28+$0x10] =	vst v18;
	v11 =	vmax.f32 v11, v18;
	v12 =	vmov v27  }
0x4fb: {  	v17 =	vld [tilespmem:s30+$0xFFFFFF60];
	v15 =	vmov v25  }
0x4fc: {  	v22 =	vld [tilespmem:s30+$0x40]  }
0x4fd: {  	v23 =	vld [tilespmem:s30+$0xB0]  }
0x4fe: {  	v24 =	vld [tilespmem:s30+$0xFFFFFF50]  }
0x4ff: {  	v18 =	vld [tilespmem:s30+$0x30]  }
0x500: {  	v20 =	vld [tilespmem:s30+$0xA0]  }
0x501: {  	v25 =	vld [tilespmem:s30+$0xFFFFFF40]  }
0x502: {  	v26 =	vld [tilespmem:s30+$0x20]  }
0x503: {  	v19 =	vld [tilespmem:s30+$0x80]  }
0x504: {  	v27 =	vld [tilespmem:s30+$0x90]  }
0x505: {  	v28 =	vld [tilespmem:s30+$0xFFFFFFA0]  }
0x506: {  	v29 =	vld [tilespmem:s30+$0x0]  }
0x507: {  	v30 =	vld [tilespmem:s30+$0x10]  }
0x508: {  	v31 =	vld [tilespmem:s30+$0xFFFFFF80]  }
0x509: {  	v32 =	vld [tilespmem:s30+$0xFFFFFF90]  }
0x50a: {  	v33 =	vld [tilespmem:s30+$0xFFFFFF00]  }
0x50b: {  	s29 =	sadd.s32 $0x4, s29;
	v34 =	vld [tilespmem:s30+$0xFFFFFF10]  }
0x50c: {  	p0 =	slt.u32 s29, $0xFC;
	v35 =	vld [tilespmem:s30+$0xFFFFFF20]  }
0x50d: {  	v36 =	vld [tilespmem:s30+$0xFFFFFF30]  }
0x50e: {  	v37 =	vld [tilespmem:s30+$0xFFFFFFB0]  }
0x50f: {  	v27 =	vmax.f32 v19, v27;
	v29 =	vmax.f32 v29, v30;
	v38 =	vld [tilespmem:s30+$0xFFFFFFC0]  }
.Ltmp23:
0x510: {  	v27 =	vmax.f32 v27, v20;
	v31 =	vmax.f32 v31, v32;
	v30 =	vmax.f32 v33, v34;
	v19 =	vld [tilespmem:s30+$0xFFFFFFD0];
	(pc) =	sbr.rel @p0 .LBB2_38-.Ltmp23, $4  }
0x511: {  	v26 =	vmax.f32 v29, v26;
	v28 =	vmax.f32 v31, v28;
	v30 =	vmax.f32 v30, v35;
	v20 =	vld [tilespmem:s30+$0x50]  }
0x512: {  	v23 =	vmax.f32 v27, v23;
	v29 =	vmax.f32 v30, v36;
	v30 =	vmax.f32 v26, v18;
	v18 =	vld [tilespmem:s30+$0x60]  }
0x513: {  	v23 =	vmax.f32 v23, v21;
	v25 =	vmax.f32 v29, v25;
	v26 =	vmax.f32 v28, v37;
	v21 =	vld [tilespmem:s30+$0xE0]  }
0x514: {  	v25 =	vmax.f32 v25, v24;
	v26 =	vmax.f32 v26, v38;
	v24 =	vmax.f32 v30, v22;
	v22 =	vld [tilespmem:s30+$0xF0];
	s30 =	sadd.s32 $0x200, s30  }
0x515: {  	v17 =	vmax.f32 v25, v17;
	v19 =	vmax.f32 v26, v19;
	v13 =	vmax.f32 v23, v13  }
0x516: {  	v14 =	vmax.f32 v17, v14;
	v16 =	vmax.f32 v19, v16;
	v17 =	vmax.f32 v24, v20  }
0x517: {  	v11 =	vmax.f32 v11, v14;
	v15 =	vmax.f32 v16, v15;
	v16 =	vmax.f32 v17, v18  }
0x518: {  	v11 =	vmax.f32 v11, v15;
	v12 =	vmax.f32 v16, v12;
	v13 =	vmax.f32 v13, v21  }
0x519: {  	v11 =	vmax.f32 v11, v12;
	v13 =	vmax.f32 v13, v22  }
0x51a: {  	s0 =	sadd.s32 $0x40, s28;
	v11 =	vmax.f32 v11, v13  }
0x51b: {  	[tilespmem:s0+$0xFFFFFFE0] =	vst v14;
	(xrf0) =	vmin.scan.msk.f32 $0xffff, v11  }
0x51c: {  	[tilespmem:s0+$0xFFFFFFF0] =	vst v15  }
0x51d: {  	[tilespmem:s0+$0x0] =	vst v12  }
0x51e: {  	s20 =	simm.s32 $0x18120;
	[tilespmem:s0+$0x10] =	vst v13  }
0x51f: {  	v12 =	vld [tilespmem:s20+$0x0]  }
0x520: {  	v13 =	vld [tilespmem:s20+$0xFFFFFFE0]  }
0x521: {  	v14 =	vld [tilespmem:s20+$0xFFFFFFF0];
	v11, _, _ =	vpop (xrf0)  }
0x522: {  	v15 =	vld [tilespmem:s20+$0x10];
	v11 =	vbroadcast v11, $0xF  }
0x523: {  	s21 =	simm.s32 $0x18160  }
0x524: {  	v22 =	vld [tilespmem:s21+$0x10];
	vm6 =	vge.f32 v12, v11  }
0x525: {  	vm7 =	vge.f32 v13, v11;
	v12 =	vsel vm6, $0x1, v1  }
0x526: {  	v19 =	vld [tilespmem:s21+$0xFFFFFFE0];
	vm10 =	vge.f32 v14, v11;
	v13 =	vsel vm7, $0x1, v1;
	(xrf0) =	vadd.scan.msk.s32 $0xffff, v12  }
0x527: {  	v20 =	vld [tilespmem:s21+$0xFFFFFFF0];
	vm11 =	vge.f32 v15, v11;
	v12 =	vsel vm10, $0x1, v1;
	(xrf0) =	vadd.scan.msk.s32 $0xffff, v13  }
0x528: {  	v17 =	vimm.s32 $0xFFFFFFFF;
	v15 =	vld [tilespmem:s21+$0x0];
	v14 =	vsel vm11, $0x1, v1;
	(xrf0) =	vadd.scan.msk.s32 $0xffff, v12  }
0x529: {  	s1 =	simm.s32 $0x20;
	vm13 =	vge.f32 v22, v11;
	v16 =	vmpcnt.ones.xlane vm7;
	v18 =	vmpcnt.ones.xlane vm10;
	(xrf0) =	vadd.scan.msk.s32 $0xffff, v14  }
0x52a: {  	v22 =	vor.u32 s1, v0;
	vm8 =	vmmov vm6;
	vm9 =	vmmov vm7  }
0x52b: {  	vm7 =	vmmov vm10;
	vm6 =	vmmov vm11;
	v16 =	vadd.s32 v17, v16  }
0x52c: {  	vm11 =	vge.f32 v20, v11;
	v23 =	vmpcnt.ones.xlane vm8;
	v21 =	vadd.s32 v16, v18;
	v14, _, _ =	vpop (xrf0)  }
0x52d: {  	vm10 =	vge.f32 v19, v11;
	vm12 =	vge.f32 v15, v11;
	v14 =	vadd.s32 v21, v14;
	v18, _, _ =	vpop (xrf0)  }
0x52e: {  	v20 =	vmpcnt.ones.xlane vm11;
	v63 =	vsel vm12, $0x1, v1;
	v15 =	vadd.s32 v17, v18;
	v17, _, _ =	vpop (xrf0)  }
0x52f: {  	s28 =	simm.s32 $0x0;
	v19 =	vadd.s32 v21, v23;
	v23 =	vsel vm10, $0x1, v1;
	(xrf0) =	vadd.scan.msk.s32 $0xffff, v63;
	v17 =	vadd.s32 v16, v17;
	v16, _, _ =	vpop (xrf0)  }
0x530: {  	s31 =	simm.s32 $0x40;
	s30 =	simm.s32 $0x30;
	s3 =	simm.s32 $0x4;
	v13 =	vor.u32 s28, v0;
	(xrf0) =	vadd.scan.msk.s32 $0xffff, v23;
	v18 =	vmpcnt.ones.xlane vm6;
	v16 =	vadd.s32 v19, v16  }
0x531: {  	s29 =	simm.s32 $0x70;
	s0 =	simm.s32 $0x181A0;
	s1 =	simm.s32 $0x40;
	v12 =	vor.u32 s31, v0;
	v21 =	vsel vm11, $0x1, v1;
	v23 =	vsel vm13, $0x1, v1  }
.LBB2_40:
0x532: {  	v24 =	vld [tilespmem:s0+$0x0];
	s3 =	sadd.s32 $0x4, s3;
	v25 =	vmpcnt.ones.xlane vm10;
	s31 =	sadd.s32 $0x40, s31;
	(xrf0) =	vadd.scan.msk.s32 $0xffff, v21;
	s20 =	sadd.s32 $0x10, s28;
	[tilespmem:v14+s15+$0x0] =	vst.idx.msk vm8, v22;
	v18 =	vadd.s32 v19, v18  }
0x533: {  	s28 =	smov.u32 s1;
	v19 =	vld [tilespmem:s0+$0xFFFFFFE0];
	s21 =	sadd.s32 $0x30, s31;
	p0 =	slt.u32 s3, $0xFC;
	(xrf0) =	vadd.scan.msk.s32 $0xffff, v23;
	[tilespmem:v15+s15+$0x0] =	vst.idx.msk vm9, v13;
	v14 =	vor.u32 s20, v0;
	v13 =	vmovc v12;
	v12 =	vor.u32 s31, v0  }
0x534: {  	vm8 =	vmmov vm12;
	s1 =	smov.u32 s31;
	v21 =	vld [tilespmem:s0+$0xFFFFFFF0];
	v22 =	vadd.s32 v18, v25;
	[tilespmem:v17+s15+$0x0] =	vst.idx.msk vm7, v14;
	v14 =	vor.u32 s30, v0;
	s30 =	smov.u32 s29;
	s29 =	smov.u32 s21  }
0x535: {  	vm9 =	vmmov vm10;
	vm7 =	vmmov vm11;
	v23 =	vld [tilespmem:s0+$0x10];
	v17 =	vadd.s32 v22, v20;
	v15, _, _ =	vpop (xrf0);
	[tilespmem:v16+s15+$0x0] =	vst.idx.msk vm6, v14  }
0x536: {  	v25 =	vmpcnt.ones.xlane vm8;
	vm6 =	vmmov vm13;
	v14 =	vadd.s32 v17, v15;
	v15, _, _ =	vpop (xrf0)  }
.Ltmp24:
0x537: {  	vm12 =	vge.f32 v24, v11;
	v15 =	vadd.s32 v18, v15;
	v18 =	vmpcnt.ones.xlane vm6;
	(pc) =	sbr.rel @p0 .LBB2_40-.Ltmp24, $4  }
0x538: {  	vm10 =	vge.f32 v19, v11;
	v20 =	vsel vm12, $0x1, v1;
	v19 =	vadd.s32 v17, v25;
	v16, _, _ =	vpop (xrf0)  }
0x539: {  	s20 =	sadd.s32 $0x20, s28;
	v24 =	vsel vm10, $0x1, v1;
	vm11 =	vge.f32 v21, v11;
	(xrf0) =	vadd.scan.msk.s32 $0xffff, v20;
	v17 =	vadd.s32 v22, v16;
	v16, _, _ =	vpop (xrf0)  }
0x53a: {  	v21 =	vsel vm11, $0x1, v1;
	vm13 =	vge.f32 v23, v11;
	(xrf0) =	vadd.scan.msk.s32 $0xffff, v24;
	v16 =	vadd.s32 v19, v16  }
0x53b: {  	s0 =	sadd.s32 $0x40, s0;
	v22 =	vor.u32 s20, v0;
	v20 =	vmpcnt.ones.xlane vm11;
	v23 =	vsel vm13, $0x1, v1  }
0x53c: {  	v24 =	vmpcnt.ones.xlane vm10  }
0x53d: {  	v18 =	vadd.s32 v19, v18;
	vm14 =	vmmov vm12  }
0x53e: {  	vm12 =	vmmov vm13;
	v57 =	vmpcnt.ones.xlane vm14;
	v19 =	vadd.s32 v18, v24  }
0x53f: {  	v25 =	vmpcnt.ones.xlane vm12;
	v20 =	vadd.s32 v19, v20  }
0x540: {  	v24 =	vadd.s32 v20, v57  }
0x541: {  	(xrf0) =	vadd.scan.msk.s32 $0xffff, v21;
	v58 =	vadd.s32 v24, v25  }
0x542: {  	(xrf0) =	vadd.scan.msk.s32 $0xffff, v23;
	v21 =	vxor.u32 $0x80000000, v58  }
0x543: {  	(xrf0) =	vmax.scan.msk.u32 $0xffff, v21;
	_ =	sdelay $0x1  }
0x544: {  	v59, _, _ =	vpop (xrf0)  }
0x545: {  	v60, _, _ =	vpop (xrf0)  }
0x546: {  	v61, _, _ =	vpop (xrf0)  }
0x547: {  	v26, _, _ =	vpop (xrf0)  }
0x548: {  	v27, _, _ =	vpop (xrf0)  }
0x549: {  	(v2sf) =	vpush v27, $0xF;
	_ =	sdelay $0xc  }
0x54a: {  	vm12 =	vmmov vm10;
	v20 =	vadd.s32 v20, v59  }
0x54b: {  	[tilespmem:v14+s15+$0x0] =	vst.idx.msk vm8, v22;
	s0 =	sadd.s32 $0x10, s28;
	v14 =	vadd.s32 v18, v60  }
0x54c: {  	[tilespmem:v15+s15+$0x0] =	vst.idx.msk vm9, v13;
	v13 =	vor.u32 s0, v0;
	v15 =	vadd.s32 v19, v61;
	s3 =	spop (v2sf)  }
0x54d: {  	s20 =	sadd.s32 $0x20, s1;
	[tilespmem:v17+s15+$0x0] =	vst.idx.msk vm7, v13;
	v13 =	vor.u32 s30, v0;
	v62 =	vadd.s32 v24, v26;
	s0 =	sadd.s32 $0x80000001, s3  }
0x54e: {  	v63 =	vor.u32 s20, v0;
	[tilespmem:v16+s15+$0x0] =	vst.idx.msk vm6, v13;
	p0 =	sgt.s32 s3, $0xFFFFFFFE;
	v13 =	vadd.s32 s0, v0  }
.Ltmp25:
0x54f: {  	s31 =	sadd.s32 $0x10, s1;
	[tilespmem:v20+s15+$0x0] =	vst.idx.msk vm14, v63;
	(pc) =	sbr.rel @p0 .LBB2_45-.Ltmp25, $4  }
0x550: {  	[tilespmem:v14+s15+$0x0] =	vst.idx.msk vm12, v12;
	v12 =	vor.u32 s31, v0  }
0x551: {  	[tilespmem:v15+s15+$0x0] =	vst.idx.msk vm11, v12;
	v12 =	vor.u32 s29, v0  }
0x552: {  	[tilespmem:v62+s15+$0x0] =	vst.idx.msk vm13, v12  }
0x553: {  	vm15 =	vmmov vm11;
	v12 =	vimm.s32 $0x7FFFFFFF;
	[tilespmem:v13+s15+$0x0] =	vst.idx.msk $0xffff, v2  }
0x554: {  	s1 =	simm.s32 $0x0;
	v12 =	vimm.s32 $0xFFFFFFFF  }
.LBB2_43:
0x555: {  	v13 =	vor.u32 s1, v3;
	_ =	sdelay $0x4  }
0x556: {  	v13 =	vld.idx.msk [tilespmem:v13+s15+$0x0], $0xffff;
	_ =	sdelay $0x4  }
0x557: {  	v14 =	vshll.u32 v13, $0x3  }
0x558: {  	v13 =	vand.u32 $0xF, v13;
	v14 =	vand.u32 $0xFFFFFF80, v14  }
0x559: {  	v13 =	vor.u32 v14, v13  }
0x55a: {  	v13 =	vor.u32 v4, v13;
	_ =	sdelay $0x4  }
0x55b: {  	v14 =	vld.idx.msk [tilespmem:v13+s13+$0x0], $0xffff;
	_ =	sdelay $0x4  }
0x55c: {  	vm6 =	vge.f32 v14, v11  }
0x55d: {  	v14 =	vsel vm6, $0x1, v1  }
0x55e: {  	(xrf0) =	vadd.scan.msk.s32 $0xffff, v14;
	_ =	sdelay $0x5  }
0x55f: {  	s1 =	sadd.s32 $0x2, s1;
	v14, _, _ =	vpop (xrf0)  }
0x560: {  	p0 =	slt.s32 s1, s0;
	v14 =	vadd.s32 v12, v14  }
.Ltmp26:
0x561: {  	_ = 	snop;
	(pc) =	sbr.rel @p0 .LBB2_43-.Ltmp26, $3  }
0x562: {  	_ = 	snop  }
0x563: {  	v15 =	vmpcnt.ones.xlane vm6;
	_ =	sdelay $0x1  }
0x564: {  	v12 =	vadd.s32 v12, v15;
	[tilespmem:v14+s16+$0x0] =	vst.idx.msk vm6, v13  }
0x565: {  	v12 =	vxor.u32 $0x80000000, v12  }
.LBB2_45:
0x566: {  	(xrf0) =	vmax.scan.msk.u32 $0xffff, v12;
	_ =	sdelay $0x5  }
0x567: {  	v11, _, _ =	vpop (xrf0)  }
0x568: {  	(v2sf) =	vpush v11, $0xF;
	_ =	sdelay $0xe  }
0x569: {  	s0 =	spop (v2sf)  }
0x56a: {  	p0 =	sgt.s32 s0, $0xFFFFFFFE  }
.Ltmp27:
0x56b: {  	_ = 	snop;
	(pc) =	sbr.rel @p0 .LBB2_46-.Ltmp27, $1  }
0x56c: {  	_ =	sdelay $0x3  }
0x56d: {  	s28 =	simm.s32 $0x10100  }
0x56e: {  	v12 =	vld [tilespmem:s28+$0x0];
	_ =	sdelay $0x1  }
0x56f: {  	s29 =	sadd.s32 $0x80000001, s0;
	s31 =	simm.s32 $0x0  }
0x570: {  	v11 =	vmov s29;
	v13 =	vor.u32 s31, v0  }
0x571: {  	vm6 =	vlt.s32 v13, v11  }
0x572: {  	v12 =	vnsel vm6, $0x0, v12;
	_ =	sdelay $0x4  }
0x573: {  	v13 =	vld.idx.msk [tilespmem:v12+s13+$0x0], $0xffff;
	_ =	sdelay $0x4  }
0x574: {  	v13 =	vnsel vm6, $0xFF800000, v13  }
0x575: {  	(xrf1) =	vsort.dscd.msk.f32 $0xffff, v13, v12;
	_ =	sdelay $0xd  }
0x576: {  	v12, v13, _ =	vpop (xrf1)  }
0x577: {  	[tilespmem:$0x1A180] =	vst v12  }
0x578: {  	[tilespmem:$0x1A200] =	vst v13  }
0x579: {  	v14 =	vld.idx.msk [tilespmem:v5+s17+$0x0], $0xffff  }
0x57a: {  	v15 =	vld.idx.msk [tilespmem:v5+s18+$0x0], $0xffff;
	_ =	sdelay $0x4  }
0x57b: {  	vm6 =	veq.f32 v12, v14;
	vm7 =	vlt.s32 v13, v15  }
0x57c: {  	vm8 =	vgt.f32 v12, v14;
	vm6 =	vmand vm6, vm7  }
0x57d: {  	vm6 =	vmor vm8, vm6  }
0x57e: {  	vm6 =	vmxor vm6, vm0  }
0x57f: {  	v12 =	vsel vm6, v12, v14  }
0x580: {  	v13 =	vsel vm6, v13, v15;
	[tilespmem:$0x1A180] =	vst v12  }
0x581: {  	[tilespmem:$0x1A200] =	vst v13  }
0x582: {  	v14 =	vld.idx.msk [tilespmem:v6+s17+$0x0], $0xffff  }
0x583: {  	v15 =	vld.idx.msk [tilespmem:v6+s18+$0x0], $0xffff;
	_ =	sdelay $0x4  }
0x584: {  	vm6 =	veq.f32 v12, v14;
	vm7 =	vlt.s32 v13, v15  }
0x585: {  	vm8 =	vgt.f32 v12, v14;
	vm6 =	vmand vm6, vm7  }
0x586: {  	vm6 =	vmor vm8, vm6  }
0x587: {  	vm6 =	vmxor vm6, vm1  }
0x588: {  	vm6 =	vmor vm6, vm2  }
0x589: {  	v12 =	vsel vm6, v12, v14  }
0x58a: {  	v13 =	vsel vm6, v13, v15;
	[tilespmem:$0x1A180] =	vst v12  }
0x58b: {  	[tilespmem:$0x1A200] =	vst v13  }
0x58c: {  	v14 =	vld.idx.msk [tilespmem:v5+s17+$0x0], $0xffff  }
0x58d: {  	v15 =	vld.idx.msk [tilespmem:v5+s18+$0x0], $0xffff;
	_ =	sdelay $0x4  }
0x58e: {  	vm6 =	veq.f32 v12, v14;
	vm7 =	vlt.s32 v13, v15  }
0x58f: {  	vm8 =	vgt.f32 v12, v14;
	vm6 =	vmand vm6, vm7  }
0x590: {  	vm6 =	vmor vm8, vm6  }
0x591: {  	vm6 =	vmxor vm6, vm0  }
0x592: {  	v12 =	vsel vm6, v12, v14  }
0x593: {  	v13 =	vsel vm6, v13, v15;
	[tilespmem:$0x1A180] =	vst v12  }
0x594: {  	[tilespmem:$0x1A200] =	vst v13  }
0x595: {  	v14 =	vld.idx.msk [tilespmem:v6+s17+$0x0], $0xffff  }
0x596: {  	v15 =	vld.idx.msk [tilespmem:v6+s18+$0x0], $0xffff;
	_ =	sdelay $0x4  }
0x597: {  	vm6 =	veq.f32 v12, v14;
	vm7 =	vlt.s32 v13, v15  }
0x598: {  	vm8 =	vgt.f32 v12, v14;
	vm6 =	vmand vm6, vm7  }
0x599: {  	vm6 =	vmor vm8, vm6  }
0x59a: {  	vm6 =	vmxor vm6, vm1  }
0x59b: {  	vm6 =	vmor vm6, vm2  }
0x59c: {  	v12 =	vsel vm6, v12, v14;
	v13 =	vsel vm6, v13, v15  }
0x59d: {  	v12 =	vperm.xlane v12, v8;
	v13 =	vperm.xlane v13, v8  }
0x59e: {  	v14 =	vimm.f32 $-Inf;
	v15 =	vlaneseq.u32  }
0x59f: {  	vm6 =	veq.f32 v14, v12;
	vm7 =	vlt.s32 v15, v13  }
0x5a0: {  	vm8 =	vgt.f32 v14, v12;
	vm6 =	vmand vm6, vm7  }
0x5a1: {  	vm6 =	vmor vm8, vm6  }
0x5a2: {  	v12 =	vsel vm6, v14, v12  }
0x5a3: {  	v13 =	vsel vm6, v15, v13;
	[tilespmem:$0x1A180] =	vst v12  }
0x5a4: {  	[tilespmem:$0x1A200] =	vst v13  }
0x5a5: {  	v14 =	vld.idx.msk [tilespmem:v7+s17+$0x0], $0xffff  }
0x5a6: {  	v15 =	vld.idx.msk [tilespmem:v7+s18+$0x0], $0xffff;
	_ =	sdelay $0x4  }
0x5a7: {  	vm6 =	veq.f32 v12, v14;
	vm7 =	vlt.s32 v13, v15  }
0x5a8: {  	vm8 =	vgt.f32 v12, v14;
	vm6 =	vmand vm6, vm7  }
0x5a9: {  	vm6 =	vmor vm8, vm6  }
0x5aa: {  	vm6 =	vmxor vm6, vm4  }
0x5ab: {  	v12 =	vsel vm6, v12, v14  }
0x5ac: {  	v13 =	vsel vm6, v13, v15;
	[tilespmem:$0x1A180] =	vst v12  }
0x5ad: {  	[tilespmem:$0x1A200] =	vst v13  }
0x5ae: {  	v14 =	vld.idx.msk [tilespmem:v9+s17+$0x0], $0xffff  }
0x5af: {  	v15 =	vld.idx.msk [tilespmem:v9+s18+$0x0], $0xffff;
	_ =	sdelay $0x4  }
0x5b0: {  	vm6 =	veq.f32 v12, v14;
	vm7 =	vlt.s32 v13, v15  }
0x5b1: {  	vm8 =	vgt.f32 v12, v14;
	vm6 =	vmand vm6, vm7  }
0x5b2: {  	vm6 =	vmor vm8, vm6  }
0x5b3: {  	vm6 =	vmxor vm6, vm3  }
0x5b4: {  	v12 =	vsel vm6, v12, v14  }
0x5b5: {  	v13 =	vsel vm6, v13, v15;
	[tilespmem:$0x1A180] =	vst v12  }
0x5b6: {  	[tilespmem:$0x1A200] =	vst v13  }
0x5b7: {  	v14 =	vld.idx.msk [tilespmem:v10+s17+$0x0], $0xffff  }
0x5b8: {  	p0 =	sgt.s32 s29, $0x10;
	v15 =	vld.idx.msk [tilespmem:v10+s18+$0x0], $0xffff  }
.Ltmp28:
0x5b9: {  	_ = 	snop;
	(pc) =	sbr.rel @!p0 .LBB2_49-.Ltmp28, $2  }
0x5ba: {  	_ =	sdelay $0x2  }
0x5bb: {  	s30 =	simm.s32 $0x10;
	vm6 =	vgt.f32 v12, v14;
	vm7 =	veq.f32 v12, v14;
	vm8 =	vlt.s32 v13, v15  }
.LBB2_48:
0x5bc: {  	vm7 =	vmand vm7, vm8;
	s28 =	sadd.s32 $0x10, s28;
	s0 =	smov.u32 s30;
	s30 =	sadd.s32 $0x10, s30  }
0x5bd: {  	p0 =	slt.s32 s30, s29;
	vm6 =	vmor vm6, vm7  }
0x5be: {  	vm6 =	vmxor vm6, vm5  }
0x5bf: {  	v12 =	vsel vm6, v12, v14;
	v13 =	vsel vm6, v13, v15  }
0x5c0: {  	[tilespmem:$0x1A180] =	vst v12  }
0x5c1: {  	[tilespmem:$0x1A200] =	vst v13  }
0x5c2: {  	v14 =	vld [tilespmem:s28+$0x0]  }
0x5c3: {  	v15 =	vld.idx.msk [tilespmem:v5+s18+$0x0], $0xffff  }
0x5c4: {  	v16 =	vld.idx.msk [tilespmem:v5+s17+$0x0], $0xffff  }
0x5c5: {  	v17 =	vor.u32 s0, v0  }
0x5c6: {  	vm6 =	vlt.s32 v17, v11  }
0x5c7: {  	v14 =	vnsel vm6, $0x0, v14;
	_ =	sdelay $0x1  }
0x5c8: {  	vm7 =	vlt.s32 v13, v15  }
0x5c9: {  	vm8 =	vgt.f32 v12, v16;
	vm9 =	veq.f32 v12, v16  }
0x5ca: {  	vm7 =	vmand vm9, vm7  }
0x5cb: {  	vm7 =	vmor vm8, vm7;
	v17 =	vld.idx.msk [tilespmem:v14+s13+$0x0], $0xffff  }
0x5cc: {  	vm7 =	vmxor vm7, vm0  }
0x5cd: {  	v12 =	vsel vm7, v12, v16;
	v13 =	vsel vm7, v13, v15;
	_ =	sdelay $0x3  }
0x5ce: {  	v15 =	vnsel vm6, $0xFF800000, v17  }
0x5cf: {  	(xrf1) =	vsort.dscd.msk.f32 $0xffff, v15, v14;
	_ =	sdelay $0xd  }
0x5d0: {  	v14, v15, _ =	vpop (xrf1)  }
0x5d1: {  	[tilespmem:$0x1A180] =	vst v14  }
0x5d2: {  	[tilespmem:$0x1A200] =	vst v15  }
0x5d3: {  	v16 =	vld.idx.msk [tilespmem:v5+s17+$0x0], $0xffff  }
0x5d4: {  	v17 =	vld.idx.msk [tilespmem:v5+s18+$0x0], $0xffff;
	_ =	sdelay $0x4  }
0x5d5: {  	vm6 =	vgt.f32 v14, v16;
	vm7 =	veq.f32 v14, v16  }
0x5d6: {  	vm8 =	vlt.s32 v15, v17  }
0x5d7: {  	vm7 =	vmand vm7, vm8  }
0x5d8: {  	vm6 =	vmor vm6, vm7  }
0x5d9: {  	vm6 =	vmxor vm6, vm0  }
0x5da: {  	v14 =	vsel vm6, v14, v16;
	v15 =	vsel vm6, v15, v17  }
0x5db: {  	[tilespmem:$0x1A180] =	vst v14  }
0x5dc: {  	[tilespmem:$0x1A200] =	vst v15  }
0x5dd: {  	v16 =	vld.idx.msk [tilespmem:v6+s17+$0x0], $0xffff  }
0x5de: {  	v17 =	vld.idx.msk [tilespmem:v6+s18+$0x0], $0xffff;
	_ =	sdelay $0x4  }
0x5df: {  	vm6 =	vgt.f32 v14, v16;
	vm7 =	veq.f32 v14, v16  }
0x5e0: {  	vm8 =	vlt.s32 v15, v17  }
0x5e1: {  	vm7 =	vmand vm7, vm8  }
0x5e2: {  	vm6 =	vmor vm6, vm7  }
0x5e3: {  	vm6 =	vmxor vm6, vm1  }
0x5e4: {  	vm6 =	vmor vm6, vm2  }
0x5e5: {  	v14 =	vsel vm6, v14, v16;
	v15 =	vsel vm6, v15, v17  }
0x5e6: {  	[tilespmem:$0x1A180] =	vst v14  }
0x5e7: {  	[tilespmem:$0x1A200] =	vst v15  }
0x5e8: {  	v16 =	vld.idx.msk [tilespmem:v5+s17+$0x0], $0xffff  }
0x5e9: {  	v17 =	vld.idx.msk [tilespmem:v5+s18+$0x0], $0xffff;
	_ =	sdelay $0x4  }
0x5ea: {  	vm6 =	vgt.f32 v14, v16;
	vm7 =	veq.f32 v14, v16  }
0x5eb: {  	vm8 =	vlt.s32 v15, v17  }
0x5ec: {  	vm7 =	vmand vm7, vm8  }
0x5ed: {  	vm6 =	vmor vm6, vm7  }
0x5ee: {  	vm6 =	vmxor vm6, vm0  }
0x5ef: {  	v14 =	vsel vm6, v14, v16;
	v15 =	vsel vm6, v15, v17  }
0x5f0: {  	[tilespmem:$0x1A180] =	vst v14  }
0x5f1: {  	[tilespmem:$0x1A200] =	vst v15  }
0x5f2: {  	v16 =	vld.idx.msk [tilespmem:v6+s17+$0x0], $0xffff  }
0x5f3: {  	v17 =	vld.idx.msk [tilespmem:v6+s18+$0x0], $0xffff;
	_ =	sdelay $0x4  }
0x5f4: {  	vm6 =	vgt.f32 v14, v16;
	vm7 =	veq.f32 v14, v16  }
0x5f5: {  	vm8 =	vlt.s32 v15, v17  }
0x5f6: {  	vm7 =	vmand vm7, vm8  }
0x5f7: {  	vm6 =	vmor vm6, vm7  }
0x5f8: {  	vm6 =	vmxor vm6, vm1  }
0x5f9: {  	vm6 =	vmor vm6, vm2  }
0x5fa: {  	v14 =	vsel vm6, v14, v16;
	v15 =	vsel vm6, v15, v17  }
0x5fb: {  	v14 =	vperm.xlane v14, v8;
	v15 =	vperm.xlane v15, v8;
	_ =	sdelay $0x1  }
0x5fc: {  	vm6 =	veq.f32 v12, v14;
	vm7 =	vlt.s32 v13, v15  }
0x5fd: {  	vm8 =	vgt.f32 v12, v14;
	vm6 =	vmand vm6, vm7  }
0x5fe: {  	vm6 =	vmor vm8, vm6  }
0x5ff: {  	v12 =	vsel vm6, v12, v14;
	v13 =	vsel vm6, v13, v15  }
0x600: {  	[tilespmem:$0x1A180] =	vst v12  }
0x601: {  	[tilespmem:$0x1A200] =	vst v13  }
0x602: {  	v14 =	vld.idx.msk [tilespmem:v7+s17+$0x0], $0xffff  }
0x603: {  	v15 =	vld.idx.msk [tilespmem:v7+s18+$0x0], $0xffff;
	_ =	sdelay $0x4  }
0x604: {  	vm6 =	vgt.f32 v12, v14;
	vm7 =	veq.f32 v12, v14  }
0x605: {  	vm8 =	vlt.s32 v13, v15  }
0x606: {  	vm7 =	vmand vm7, vm8  }
0x607: {  	vm6 =	vmor vm6, vm7  }
0x608: {  	vm6 =	vmxor vm6, vm4  }
0x609: {  	v12 =	vsel vm6, v12, v14;
	v13 =	vsel vm6, v13, v15  }
0x60a: {  	[tilespmem:$0x1A180] =	vst v12  }
0x60b: {  	[tilespmem:$0x1A200] =	vst v13  }
0x60c: {  	v14 =	vld.idx.msk [tilespmem:v9+s17+$0x0], $0xffff  }
0x60d: {  	v15 =	vld.idx.msk [tilespmem:v9+s18+$0x0], $0xffff;
	_ =	sdelay $0x4  }
0x60e: {  	vm6 =	vgt.f32 v12, v14;
	vm7 =	veq.f32 v12, v14  }
0x60f: {  	vm8 =	vlt.s32 v13, v15  }
0x610: {  	vm7 =	vmand vm7, vm8  }
0x611: {  	vm6 =	vmor vm6, vm7  }
0x612: {  	vm6 =	vmxor vm6, vm3  }
0x613: {  	v12 =	vsel vm6, v12, v14;
	v13 =	vsel vm6, v13, v15  }
0x614: {  	[tilespmem:$0x1A180] =	vst v12  }
0x615: {  	[tilespmem:$0x1A200] =	vst v13  }
0x616: {  	v14 =	vld.idx.msk [tilespmem:v10+s17+$0x0], $0xffff  }
0x617: {  	v15 =	vld.idx.msk [tilespmem:v10+s18+$0x0], $0xffff;
	_ =	sdelay $0x1  }
.Ltmp29:
0x618: {  	(pc) =	sbr.rel @p0 .LBB2_48-.Ltmp29, $3  }
0x619: {  	_ =	sdelay $0x1  }
0x61a: {  	vm6 =	vgt.f32 v12, v14;
	vm7 =	veq.f32 v12, v14  }
0x61b: {  	vm8 =	vlt.s32 v13, v15  }
.LBB2_49:
0x61c: {  	vm7 =	vmand vm7, vm8  }
0x61d: {  	vm6 =	vmor vm6, vm7  }
0x61e: {  	vm6 =	vmxor vm6, vm5  }
0x61f: {  	v11 =	vsel vm6, v12, v14  }
0x620: {  	v13 =	vsel vm6, v13, v15;
	[tilespmem:$0x1A180] =	vst v11  }
0x621: {  	[tilespmem:$0x1A200] =	vst v13  }
0x622: {  	v14 =	vld.idx.msk [tilespmem:v5+s18+$0x0], $0xffff  }
0x623: {  	v12 =	vld.idx.msk [tilespmem:v5+s17+$0x0], $0xffff;
	_ =	sdelay $0x4  }
.Ltmp30:
0x624: {  	vm6 =	vlt.s32 v13, v14;
	vm7 =	veq.f32 v11, v12;
	(pc) =	sbr.rel .LBB2_50-.Ltmp30, $4  }
0x625: {  	vm15 =	vgt.f32 v11, v12;
	vm6 =	vmand vm7, vm6  }
0x626: {  	vm6 =	vmor vm15, vm6  }
0x627: {  	vm6 =	vmxor vm6, vm0  }
0x628: {  	v12 =	vsel vm6, v11, v12;
	v11 =	vsel vm6, v13, v14  }
.LBB2_51:
0x629: {  	_ =	sfence.sel $0x180000  }
0x62a: {  	[bflag:$0x0] =	sbarrier.arrive $0xFFFF  }
0x62b: {  	_ =	strace $0x90000047  }
0x62c: {  	s0 =	stileid.u32;
	[bflag:$0x2] =	sbarrier.arrive $0xFFFF  }
0x62d: {  	p0 =	sne.s32 s0, $0x0;
	s0 =	rddreg [dreg:$0x4]  }
0x62e: {  	s0 =	sadd.s32 @!p0 $0x100000, s0  }
0x62f: {  	[sflag:s0] =	ssyncadd.tile.s32 @!p0 $0x1;
	_ =	shalt  }
.Lfunc_end2:
_tile_overlayer_lowered:
.L_overlay_start_2:
0x630: {  	(tag) =	ssettag $0x2  }
0x631: {  	s0 =	rddreg [dreg:$0x0];
	s2 =	stileid.u32  }
0x632: {  	s1 =	rddreg [dreg:$0x1];
	p0 =	sne.s32 s2, $0x0  }
0x633: {  	s3 =	rddreg [dreg:$0x2];
	[bflag:$0x3] =	sbarrier.arrive $0xFFFF;
	s2 =	simm.s32 @!p0 $0x1C04  }
0x634: {  	[timem:s3], [sflag:s2] =	dma.local @!p0 [hbm:s0], s1  }
0x635: {  	s0 =	simm.s32 @!p0 $0x4  }
0x636: {  	_ =	swait.ge @!p0 [sflag:s0], s1  }
0x637: {  	s1 =	ssub.s32 @!p0 $0x0, s1;
	[sflag:s0] =	ssyncset.done @!p0 $0x0  }
0x638: {  	[sflag:s0] =	ssyncadd.s32 @!p0 s1  }
0x639: {  	[bflag:$0x3] =	sbarrier.arrive $0xFFFF  }
0x63a: {  	_ =	shalt  }

</sc_bundles>
